<compile_context>
chip_gen: v7x
topology: tpu7x:2x2x1
jax: 0.10.2.dev20260603
libtpu: 0.0.44.dev20260713+nightly
codegen_flags: <defaults>
</compile_context>

<pallas_src>
import functools

import jax
import jax.numpy as jnp
from jax import lax
from jax.experimental import pallas as pl
from jax.experimental.pallas import tpu as pltpu
from jax.experimental.pallas import tpu_sc as plsc

_H = 2
_DBLK = 128
_INTERPRET = False


def _rup(x, m):
    return (x + m - 1) // m * m


def _pad2(x, m_to, n_to):
    m, n = x.shape
    if m == m_to and n == n_to:
        return x
    return jnp.pad(x, ((0, m_to - m), (0, n_to - n)))



def _mm_body(x_ref, w_ref, b_ref, o_ref, *, act, prec):
    y = jnp.dot(x_ref[...], w_ref[...], preferred_element_type=jnp.float32,
                precision=prec)
    y = y + b_ref[0:1, :]
    if act == "relu":
        y = jnp.maximum(y, 0.0)
    o_ref[...] = y


def _matmul(x, w, b, act=None, block_m=256, prec=None):
    m, k = x.shape
    _, n = w.shape
    mp = _rup(m, block_m)
    kp = _rup(k, 128)
    xp = _pad2(x, mp, kp)
    wp = _pad2(w, kp, n)
    bt = jnp.tile(b[None, :], (8, 1))
    out = pl.pallas_call(
        functools.partial(_mm_body, act=act, prec=prec),
        grid=(mp // block_m,),
        in_specs=[
            pl.BlockSpec((block_m, kp), lambda i: (i, 0)),
            pl.BlockSpec((kp, n), lambda i: (0, 0)),
            pl.BlockSpec((8, n), lambda i: (0, 0)),
        ],
        out_specs=pl.BlockSpec((block_m, n), lambda i: (i, 0)),
        out_shape=jax.ShapeDtypeStruct((mp, n), jnp.float32),
        interpret=_INTERPRET,
    )(xp, wp, bt)
    return out[:m] if mp != m else out


def _mm2_body(x1_ref, w1_ref, x2_ref, w2_ref, b_ref, o_ref, *, act):
    y = jnp.dot(x1_ref[...], w1_ref[...], preferred_element_type=jnp.float32)
    y = y + jnp.dot(x2_ref[...], w2_ref[...], preferred_element_type=jnp.float32)
    y = y + b_ref[0:1, :]
    if act == "relu":
        y = jnp.maximum(y, 0.0)
    o_ref[...] = y


def _matmul2(x1, w1, x2, w2, b, act=None, block_m=256):
    m, k1 = x1.shape
    _, k2 = x2.shape
    n = w1.shape[1]
    mp = _rup(m, block_m)
    k1p = _rup(k1, 128)
    k2p = _rup(k2, 128)
    x1p = _pad2(x1, mp, k1p)
    x2p = _pad2(x2, mp, k2p)
    w1p = _pad2(w1, k1p, n)
    w2p = _pad2(w2, k2p, n)
    bt = jnp.tile(b[None, :], (8, 1))
    out = pl.pallas_call(
        functools.partial(_mm2_body, act=act),
        grid=(mp // block_m,),
        in_specs=[
            pl.BlockSpec((block_m, k1p), lambda i: (i, 0)),
            pl.BlockSpec((k1p, n), lambda i: (0, 0)),
            pl.BlockSpec((block_m, k2p), lambda i: (i, 0)),
            pl.BlockSpec((k2p, n), lambda i: (0, 0)),
            pl.BlockSpec((8, n), lambda i: (0, 0)),
        ],
        out_specs=pl.BlockSpec((block_m, n), lambda i: (i, 0)),
        out_shape=jax.ShapeDtypeStruct((mp, n), jnp.float32),
        interpret=_INTERPRET,
    )(x1p, w1p, x2p, w2p, bt)
    return out[:m] if mp != m else out



def _gat_agg_body(offs_ref, pack_ref, a_src_ref, a_dst_ref, x_any_ref,
                  o_ref, x_vmem_ref, den_ref, sem, *, c):
    b = pl.program_id(0)

    @pl.when(b == 0)
    def _():
        cp = pltpu.make_async_copy(x_any_ref, x_vmem_ref, sem)
        cp.start()
        cp.wait()

    o_ref[...] = jnp.zeros_like(o_ref)
    den_ref[...] = jnp.zeros_like(den_ref)
    e0 = offs_ref[b]
    e1 = offs_ref[b + 1]

    def body(e, carry):
        pk = pack_ref[e]
        s = pk // _DBLK
        d = pk - s * _DBLK
        av = (a_src_ref[pl.ds(s, 1), 0:2] + a_dst_ref[pl.ds(d, 1), 0:2])
        al = jnp.where(av > 0, av, 0.2 * av)
        ex = jnp.exp(al)
        row = x_vmem_ref[pl.ds(s, 1), :]
        row2 = jnp.concatenate([ex[0:1, 0:1] * row, ex[0:1, 1:2] * row],
                               axis=1)
        o_ref[pl.ds(d, 1), :] += row2
        den_ref[pl.ds(d, 1), 0:2] += ex
        return carry

    lax.fori_loop(e0, e1, body, 0)
    dn0 = den_ref[:, 0:1]
    dn1 = den_ref[:, 1:2]
    o_ref[:, 0:c] = o_ref[:, 0:c] / (dn0 + 1e-16)
    o_ref[:, c:2 * c] = o_ref[:, c:2 * c] / (dn1 + 1e-16)


def _gat_aggregate(x_src, a_src, a_dst, src, dst, num_dst):
    ns, c = x_src.shape
    ndp = _rup(num_dst, _DBLK)
    nb = ndp // _DBLK
    src = src.astype(jnp.int32)
    dst = dst.astype(jnp.int32)
    order = jnp.argsort(dst)
    dsts = dst[order]
    srcs = src[order]
    pack = srcs * _DBLK + dsts % _DBLK
    offs = jnp.searchsorted(
        dsts, jnp.arange(nb + 1, dtype=jnp.int32) * _DBLK).astype(jnp.int32)
    a_dst_p = _pad2(a_dst, ndp, a_dst.shape[1])
    out = pl.pallas_call(
        functools.partial(_gat_agg_body, c=c),
        grid_spec=pltpu.PrefetchScalarGridSpec(
            num_scalar_prefetch=2,
            grid=(nb,),
            in_specs=[
                pl.BlockSpec((ns, a_src.shape[1]), lambda b, *_: (0, 0)),
                pl.BlockSpec((_DBLK, a_dst.shape[1]),
                             lambda b, *_: (b, 0)),
                pl.BlockSpec(memory_space=pl.ANY),
            ],
            out_specs=pl.BlockSpec((_DBLK, 2 * c), lambda b, *_: (b, 0)),
            scratch_shapes=[
                pltpu.VMEM((ns, c), jnp.float32),
                pltpu.VMEM((_DBLK, 128), jnp.float32),
                pltpu.SemaphoreType.DMA,
            ],
        ),
        out_shape=jax.ShapeDtypeStruct((ndp, 2 * c), jnp.float32),
        interpret=_INTERPRET,
    )(offs, pack, a_src, a_dst_p, x_src)
    return out



def _prep_gat(p, c):
    conv = p["conv"]
    ls = conv["lin_src"]
    ld = conv["lin_dst"]
    w_as = jnp.stack(
        [conv["att_src"][0, h] @ ls[h * c:(h + 1) * c] for h in range(_H)], 1)
    w_ad = jnp.stack(
        [conv["att_dst"][0, h] @ ld[h * c:(h + 1) * c] for h in range(_H)], 1)
    w_bd = jnp.zeros((2 * c, 2 * c), jnp.float32)
    for h in range(_H):
        w_bd = w_bd.at[h * c:(h + 1) * c, h * c:(h + 1) * c].set(
            ls[h * c:(h + 1) * c].T)
    return {
        "w_as": _pad2(w_as, c, 128),
        "w_ad": _pad2(w_ad, c, 128),
        "w_bd": w_bd,
        "conv_b": conv["bias"],
        "lt_wT": p["lt_w"].T, "lt_b": p["lt_b"],
        "fm_wT": p["fm_w"].T, "fm_b": p["fm_b"],
        "pc_aT": p["pc_w"][:, :c].T, "pc_bT": p["pc_w"][:, c:].T,
        "pc_b": p["pc_b"],
    }


def _gat_block(x_src, x_dst, src, dst, gw):
    nd = x_dst.shape[0]
    c = x_src.shape[1]
    z128 = jnp.zeros((128,), jnp.float32)
    hi = jax.lax.Precision.HIGHEST
    a_src = _matmul(x_src, gw["w_as"], z128, prec=hi)
    a_dst = _matmul(x_dst, gw["w_ad"], z128, prec=hi)
    agg = _gat_aggregate(x_src, a_src, a_dst[:nd], src, dst, nd)
    z = _matmul(agg, gw["w_bd"], gw["conv_b"], act="relu")
    z = _matmul(z, gw["lt_wT"], gw["lt_b"], act="relu")
    z = _matmul(z, gw["fm_wT"], gw["fm_b"])
    x_dst_p = _pad2(x_dst, z.shape[0], c)
    return _matmul2(x_dst_p, gw["pc_aT"], z, gw["pc_bT"], gw["pc_b"],
                    act="relu")



def _mlp_body(a_ref, bp_ref, w1_ref, b1_ref, w2_ref, b2_ref, w3_ref, b3_ref,
              o_ref):
    a = a_ref[...]
    outs = []
    for p in range(4):
        h = jnp.maximum(a + bp_ref[p:p + 1, :], 0.0)
        h = jnp.dot(h, w1_ref[...], preferred_element_type=jnp.float32)
        h = jnp.maximum(h + b1_ref[0:1, :], 0.0)
        h = jnp.dot(h, w2_ref[...], preferred_element_type=jnp.float32)
        h = jnp.maximum(h + b2_ref[0:1, :], 0.0)
        h = jnp.dot(h, w3_ref[...], preferred_element_type=jnp.float32)
        h = h + b3_ref[0:1, :]
        outs.append(1.0 / (1.0 + jnp.exp(-h[:, 0:1])))
    o_ref[...] = jnp.concatenate(outs, axis=1)


def _final_mlp(a, bpart, w1, b1, w2, b2, w3, b3, block_m=512):
    m = a.shape[0]
    mp = _rup(m, block_m)
    ap = _pad2(a, mp, a.shape[1])
    out = pl.pallas_call(
        _mlp_body,
        grid=(mp // block_m,),
        in_specs=[
            pl.BlockSpec((block_m, a.shape[1]), lambda i: (i, 0)),
            pl.BlockSpec((8, bpart.shape[1]), lambda i: (0, 0)),
            pl.BlockSpec(w1.shape, lambda i: (0, 0)),
            pl.BlockSpec((8, b1.shape[1]), lambda i: (0, 0)),
            pl.BlockSpec(w2.shape, lambda i: (0, 0)),
            pl.BlockSpec((8, b2.shape[1]), lambda i: (0, 0)),
            pl.BlockSpec(w3.shape, lambda i: (0, 0)),
            pl.BlockSpec((8, b3.shape[1]), lambda i: (0, 0)),
        ],
        out_specs=pl.BlockSpec((block_m, 4), lambda i: (i, 0)),
        out_shape=jax.ShapeDtypeStruct((mp, 4), jnp.float32),
        interpret=_INTERPRET,
    )(ap, bpart, w1, b1, w2, b2, w3, b3)
    return out[:m]



def kernel(user_features, edge_indices, edge_features, product_features,
           persona_features, persona_prod_edge_ind, params):
    del edge_features
    c = params["c_to_v"]["conv"]["att_src"].shape[2]
    n_user = user_features.shape[0]
    n_prod = product_features.shape[0]
    n_pers = persona_features.shape[0]

    ei0 = edge_indices[0].astype(jnp.int32)
    ei1 = edge_indices[1].astype(jnp.int32)
    ei0 = ei0 - jnp.min(ei0)
    pp0 = persona_prod_edge_ind[0].astype(jnp.int32)
    pp1 = persona_prod_edge_ind[1].astype(jnp.int32)
    pp1 = pp1 - jnp.min(pp1)

    uf0 = _matmul(user_features, params["user_w"].T, params["user_b"])
    pf0 = _matmul(product_features, params["prod_w"].T, params["prod_b"])
    per0 = _matmul(persona_features, params["pers_w"].T, params["pers_b"])

    gw1 = _prep_gat(params["c_to_v"], c)
    gw2 = _prep_gat(params["v_to_c"], c)
    gw3 = _prep_gat(params["pro_to_per"], c)

    pf1 = _gat_block(uf0, pf0, ei1, ei0, gw1)[:n_prod]
    uf1 = _gat_block(pf1, uf0, ei0, ei1, gw2)[:n_user]
    per1 = _gat_block(pf1, per0, pp0, pp1, gw3)[:n_pers]

    s = 1.0 / jnp.sqrt(jnp.float32(1.0 + 1e-5))
    sg0 = s * params["bn0_g"]
    w0l = params["fc0_w"][:, :c].T * sg0[None, :]
    w0r = params["fc0_w"][:, c:].T * sg0[None, :]
    b0 = params["fc0_b"] * sg0 + params["bn0_b"]
    a_part = _matmul(uf1, w0r, b0)
    b_part = _matmul(per1, w0l, jnp.zeros((w0l.shape[1],), jnp.float32))
    b_part = _pad2(b_part, 8, b_part.shape[1])

    sg1 = s * params["bn1_g"]
    w1 = params["fc1_w"].T * sg1[None, :]
    b1 = jnp.tile((params["fc1_b"] * sg1 + params["bn1_b"])[None, :], (8, 1))
    sg2 = s * params["bn2_g"]
    w2 = params["fc2_w"].T * sg2[None, :]
    b2 = jnp.tile((params["fc2_b"] * sg2 + params["bn2_b"])[None, :], (8, 1))
    w3 = _pad2(params["fc3_w"].T, params["fc3_w"].shape[1], 128)
    b3 = jnp.tile(_pad2(params["fc3_b"][None, :], 1, 128), (8, 1))

    x4 = _final_mlp(a_part, b_part, w1, b1, w2, b2, w3, b3)
    x = x4[:, :n_pers].reshape(n_user * n_pers, 1)
    return (x, uf1, pf1)

# --- scband reference (transcript-rebuilt; emitter-appended) ---
"""Pipeline reference for scband-gatpolicy-69191923138732 (READ-ONLY COPY).

The authoritative reference and input builder live on the scoring server;
editing this copy changes nothing except your own understanding.
"""

import jax, jax.numpy as jnp
import numpy as np

H = 2
C = 768


def _n(k, shape, s=0.05):
    return jax.random.normal(k, shape, dtype=jnp.float32) * s


def _gatnet_params(key):
    ks = jax.random.split(key, 9)
    conv = {
        'lin_src': _n(ks[0], (H * C, C)),
        'lin_dst': _n(ks[1], (H * C, C)),
        'lin_edge': _n(ks[2], (H * C, C)),
        'att_src': _n(ks[3], (1, H, C)),
        'att_dst': _n(ks[4], (1, H, C)),
        'att_edge': _n(ks[5], (1, H, C)),
        'bias': jnp.zeros((H * C,), jnp.float32),
    }
    return {
        'conv': conv,
        'lt_w': _n(ks[6], (C, H * C)), 'lt_b': jnp.zeros((C,), jnp.float32),
        'fm_w': _n(ks[7], (C, C)), 'fm_b': jnp.zeros((C,), jnp.float32),
        'pc_w': _n(ks[8], (C, 2 * C)), 'pc_b': jnp.zeros((C,), jnp.float32),
    }


def setup_inputs(seed: int = 0):
    key = jax.random.key(seed)
    ks = jax.random.split(key, 32)
    N_user, N_prod, N_pers = 10000, 10000, 4
    E, E2 = 50000, 8000
    NF = 3551
    inp = {}
    inp['user_features'] = jax.random.normal(ks[0], (N_user, NF), dtype=jnp.float32)
    inp['edge_indices'] = jnp.stack([
        jax.random.randint(ks[1], (E,), 0, N_prod),
        jax.random.randint(ks[2], (E,), 0, N_user)], axis=0)
    inp['edge_features'] = jax.random.normal(ks[3], (E, 8), dtype=jnp.float32)
    inp['product_features'] = jax.random.normal(ks[4], (N_prod, NF), dtype=jnp.float32)
    inp['persona_features'] = jax.random.normal(ks[5], (N_pers, NF), dtype=jnp.float32)
    inp['persona_prod_edge_ind'] = jnp.stack([
        jax.random.randint(ks[6], (E2,), 0, N_prod),
        jax.random.randint(ks[7], (E2,), 0, N_pers)], axis=0)
    params = {
        'user_w': _n(ks[8], (C, NF), 0.02), 'user_b': jnp.zeros((C,), jnp.float32),
        'prod_w': _n(ks[9], (C, NF), 0.02), 'prod_b': jnp.zeros((C,), jnp.float32),
        'pers_w': _n(ks[10], (C, NF), 0.02), 'pers_b': jnp.zeros((C,), jnp.float32),
        'c_to_v': _gatnet_params(ks[11]),
        'v_to_c': _gatnet_params(ks[12]),
        'pro_to_per': _gatnet_params(ks[13]),
        'fc0_w': _n(ks[14], (768, 1536), 0.02), 'fc0_b': jnp.zeros((768,), jnp.float32),
        'bn0_g': jnp.ones((768,), jnp.float32), 'bn0_b': jnp.zeros((768,), jnp.float32),
        'fc1_w': _n(ks[15], (384, 768), 0.02), 'fc1_b': jnp.zeros((384,), jnp.float32),
        'bn1_g': jnp.ones((384,), jnp.float32), 'bn1_b': jnp.zeros((384,), jnp.float32),
        'fc2_w': _n(ks[16], (128, 384), 0.02), 'fc2_b': jnp.zeros((128,), jnp.float32),
        'bn2_g': jnp.ones((128,), jnp.float32), 'bn2_b': jnp.zeros((128,), jnp.float32),
        'fc3_w': _n(ks[17], (1, 128), 0.02), 'fc3_b': jnp.zeros((1,), jnp.float32),
    }
    inp['params'] = params
    return inp


def _leaky_relu(x):
    return jnp.where(x > 0, x, 0.2 * x)


def _gat_conv(x_src, x_dst, edge_index, edge_attr, p, num_dst):
    xs = (x_src @ p['lin_src'].T).reshape(-1, H, C)
    xd = (x_dst @ p['lin_dst'].T).reshape(-1, H, C)
    ea = (edge_attr @ p['lin_edge'].T).reshape(-1, H, C)
    a_src = (xs * p['att_src']).sum(-1)
    a_dst = (xd * p['att_dst']).sum(-1)
    a_edge = (ea * p['att_edge']).sum(-1)
    src = edge_index[0]
    dst = edge_index[1]
    alpha = _leaky_relu(a_src[src] + a_dst[dst] + a_edge)
    amax = jax.ops.segment_max(alpha, dst, num_segments=num_dst)
    amax = jnp.where(jnp.isfinite(amax), amax, 0.0)
    ex = jnp.exp(alpha - amax[dst])
    denom = jax.ops.segment_sum(ex, dst, num_segments=num_dst)
    alpha = ex / (denom[dst] + 1e-16)
    out = jax.ops.segment_sum(xs[src] * alpha[:, :, None], dst, num_segments=num_dst)
    return out.reshape(num_dst, H * C) + p['bias'], alpha


def _gat_net(left, right, edge_index, edge_attr, p):
    x, alpha = _gat_conv(left, right, edge_index, edge_attr, p['conv'], right.shape[0])
    x = jax.nn.relu(x)
    x = x @ p['lt_w'].T + p['lt_b']
    x = jax.nn.relu(x)
    x = x @ p['fm_w'].T + p['fm_b']
    x = jnp.concatenate([right, x], axis=-1)
    x = x @ p['pc_w'].T + p['pc_b']
    return x, alpha


def _bn_eval(x, g, b):
    return (x / jnp.sqrt(1.0 + 1e-5)) * g + b


def _forward(user_features, edge_features, product_features, persona_features, params, edge_indices, persona_prod_edge_ind):
    ei = jnp.stack([edge_indices[0] - edge_indices[0].min(), edge_indices[1]], axis=0)
    ef = jnp.zeros((edge_features.shape[0], C), dtype=jnp.float32)
    uf = user_features @ params['user_w'].T + params['user_b']
    pf = product_features @ params['prod_w'].T + params['prod_b']
    per = persona_features @ params['pers_w'].T + params['pers_b']
    ei_rev = jnp.stack([ei[1], ei[0]], axis=0)
    pf, _ = _gat_net(uf, pf, ei_rev, ef, params['c_to_v'])
    pf = jax.nn.relu(pf)
    uf, _ = _gat_net(pf, uf, ei, ef, params['v_to_c'])
    uf = jax.nn.relu(uf)
    ppe = jnp.stack([persona_prod_edge_ind[0], persona_prod_edge_ind[1] - persona_prod_edge_ind[1].min()], axis=0)
    ef2 = jnp.zeros((ppe.shape[1], C), dtype=jnp.float32)
    per, _ = _gat_net(pf, per, ppe, ef2, params['pro_to_per'])
    per = jax.nn.relu(per)
    rep_B = jnp.tile(per, (uf.shape[0], 1))
    til_A = jnp.repeat(uf, per.shape[0], axis=0)
    x = jnp.concatenate([rep_B, til_A], axis=1)
    x = jax.nn.relu(_bn_eval(x @ params['fc0_w'].T + params['fc0_b'], params['bn0_g'], params['bn0_b']))
    x = jax.nn.relu(_bn_eval(x @ params['fc1_w'].T + params['fc1_b'], params['bn1_g'], params['bn1_b']))
    x = jax.nn.relu(_bn_eval(x @ params['fc2_w'].T + params['fc2_b'], params['bn2_g'], params['bn2_b']))
    x = jax.nn.sigmoid(x @ params['fc3_w'].T + params['fc3_b'])
    return (x, uf, pf)


def reference(user_features, edge_indices, edge_features, product_features, persona_features, persona_prod_edge_ind, params):
    return _forward(user_features, edge_features, product_features, persona_features, params, edge_indices, persona_prod_edge_ind)

if __name__ == "__main__":
    import jax
    _d = setup_inputs()
    print(jax.jit(kernel)(*tuple(_d.values())))

</pallas_src>

<mosaic_0001>
module attributes {stable_mosaic.version = 14 : i64} {
  func.func @_mm_body(%arg0: i32, %arg1: memref<256x3584xf32, #tpu.memory_space<vmem>>, %arg2: memref<3584x768xf32, #tpu.memory_space<vmem>>, %arg3: memref<8x768xf32, #tpu.memory_space<vmem>>, %arg4: memref<256x768xf32, #tpu.memory_space<vmem>>) attributes {dimension_semantics = [#tpu.dimension_semantics<arbitrary>], iteration_bounds = array<i64: 40>, scalar_prefetch = 0 : i64, scratch_operands = 0 : i64, tpu.core_type = #tpu.core_type<tc>, window_params = [{transform_indices = @transform_0, window_bounds = array<i64: 256, 3584>}, {pipeline_mode = #tpu.pipeline_mode<synchronous>, transform_indices = @transform_1, window_bounds = array<i64: 3584, 768>}, {pipeline_mode = #tpu.pipeline_mode<synchronous>, transform_indices = @transform_2, window_bounds = array<i64: 8, 768>}, {transform_indices = @transform_3, window_bounds = array<i64: 256, 768>}]} {
    %get3A = arith.constant 0 : index
    %get3A_0 = arith.constant 0 : index
    %get3A_1 = vector.load %arg1[%get3A, %get3A_0] : memref<256x3584xf32, #tpu.memory_space<vmem>>, vector<256x3584xf32>
    %get3A_2 = arith.constant 0 : index
    %get3A_3 = arith.constant 0 : index
    %get3A_4 = vector.load %arg2[%get3A_2, %get3A_3] : memref<3584x768xf32, #tpu.memory_space<vmem>>, vector<3584x768xf32>
    %dot_general3A = arith.constant dense<0.000000e+00> : vector<256x768xf32>
    %dot_general3A_5 = tpu.matmul %get3A_1, %get3A_4, %dot_general3A {dimension_numbers = #tpu.dot_dimension_numbers<[1], [0], [0], [1], [0, 0, 1, 1], [], []>, transpose_lhs_hint = false} : vector<256x3584xf32>, vector<3584x768xf32>, vector<256x768xf32> -> vector<256x768xf32>
    %get3A_6 = arith.constant 0 : index
    %get3A_7 = arith.constant 0 : index
    %get3A_8 = vector.load %arg3[%get3A_6, %get3A_7] : memref<8x768xf32, #tpu.memory_space<vmem>>, vector<1x768xf32>
    %add3A = vector.broadcast %get3A_8 : vector<1x768xf32> to vector<256x768xf32>
    %add3A_9 = arith.addf %dot_general3A_5, %add3A : vector<256x768xf32>
    %swap3A = arith.constant 0 : index
    %swap3A_10 = arith.constant 0 : index
    %swap3A_11 = vector.load %arg4[%swap3A, %swap3A_10] : memref<256x768xf32, #tpu.memory_space<vmem>>, vector<256x768xf32>
    tpu.vector_store %arg4[%swap3A, %swap3A_10], %add3A_9 {strides = array<i32>} : memref<256x768xf32, #tpu.memory_space<vmem>>, vector<256x768xf32>,
    return
  }
  func.func @transform_0(%arg0: i32) -> (i32, i32) {
    %c0_i32 = arith.constant 0 : i32
    %c0_i32_0 = arith.constant 0 : i32
    return %arg0, %c0_i32 : i32, i32
  }
  func.func @transform_1(%arg0: i32) -> (i32, i32) {
    %c0_i32 = arith.constant 0 : i32
    %c0_i32_0 = arith.constant 0 : i32
    %c0_i32_1 = arith.constant 0 : i32
    return %c0_i32, %c0_i32_0 : i32, i32
  }
  func.func @transform_2(%arg0: i32) -> (i32, i32) {
    %c0_i32 = arith.constant 0 : i32
    %c0_i32_0 = arith.constant 0 : i32
    %c0_i32_1 = arith.constant 0 : i32
    return %c0_i32, %c0_i32_0 : i32, i32
  }
  func.func @transform_3(%arg0: i32) -> (i32, i32) {
    %c0_i32 = arith.constant 0 : i32
    %c0_i32_0 = arith.constant 0 : i32
    return %arg0, %c0_i32 : i32, i32
  }
}

module attributes {stable_mosaic.version = 14 : i64} {
  func.func @_mm_body(%arg0: i32, %arg1: memref<256x768xf32, #tpu.memory_space<vmem>>, %arg2: memref<768x128xf32, #tpu.memory_space<vmem>>, %arg3: memref<8x128xf32, #tpu.memory_space<vmem>>, %arg4: memref<256x128xf32, #tpu.memory_space<vmem>>) attributes {dimension_semantics = [#tpu.dimension_semantics<arbitrary>], iteration_bounds = array<i64: 40>, scalar_prefetch = 0 : i64, scratch_operands = 0 : i64, tpu.core_type = #tpu.core_type<tc>, window_params = [{transform_indices = @transform_0, window_bounds = array<i64: 256, 768>}, {pipeline_mode = #tpu.pipeline_mode<synchronous>, transform_indices = @transform_1, window_bounds = array<i64: 768, 128>}, {pipeline_mode = #tpu.pipeline_mode<synchronous>, transform_indices = @transform_2, window_bounds = array<i64: 8, 128>}, {transform_indices = @transform_3, window_bounds = array<i64: 256, 128>}]} {
    %get3A = arith.constant 0 : index
    %get3A_0 = arith.constant 0 : index
    %get3A_1 = vector.load %arg1[%get3A, %get3A_0] : memref<256x768xf32, #tpu.memory_space<vmem>>, vector<256x768xf32>
    %get3A_2 = arith.constant 0 : index
    %get3A_3 = arith.constant 0 : index
    %get3A_4 = vector.load %arg2[%get3A_2, %get3A_3] : memref<768x128xf32, #tpu.memory_space<vmem>>, vector<768x128xf32>
    %dot_general3A = arith.constant dense<0.000000e+00> : vector<256x128xf32>
    %dot_general3A_5 = tpu.matmul %get3A_1, %get3A_4, %dot_general3A {dimension_numbers = #tpu.dot_dimension_numbers<[1], [0], [0], [1], [0, 0, 1, 1], [], []>, precision = #tpu.contract_precision<fp32>, transpose_lhs_hint = false} : vector<256x768xf32>, vector<768x128xf32>, vector<256x128xf32> -> vector<256x128xf32>
    %get3A_6 = arith.constant 0 : index
    %get3A_7 = arith.constant 0 : index
    %get3A_8 = vector.load %arg3[%get3A_6, %get3A_7] : memref<8x128xf32, #tpu.memory_space<vmem>>, vector<1x128xf32>
    %add3A = vector.broadcast %get3A_8 : vector<1x128xf32> to vector<256x128xf32>
    %add3A_9 = arith.addf %dot_general3A_5, %add3A : vector<256x128xf32>
    %swap3A = arith.constant 0 : index
    %swap3A_10 = arith.constant 0 : index
    %swap3A_11 = vector.load %arg4[%swap3A, %swap3A_10] : memref<256x128xf32, #tpu.memory_space<vmem>>, vector<256x128xf32>
    tpu.vector_store %arg4[%swap3A, %swap3A_10], %add3A_9 {strides = array<i32>} : memref<256x128xf32, #tpu.memory_space<vmem>>, vector<256x128xf32>,
    return
  }
  func.func @transform_0(%arg0: i32) -> (i32, i32) {
    %c0_i32 = arith.constant 0 : i32
    %c0_i32_0 = arith.constant 0 : i32
    return %arg0, %c0_i32 : i32, i32
  }
  func.func @transform_1(%arg0: i32) -> (i32, i32) {
    %c0_i32 = arith.constant 0 : i32
    %c0_i32_0 = arith.constant 0 : i32
    %c0_i32_1 = arith.constant 0 : i32
    return %c0_i32, %c0_i32_0 : i32, i32
  }
  func.func @transform_2(%arg0: i32) -> (i32, i32) {
    %c0_i32 = arith.constant 0 : i32
    %c0_i32_0 = arith.constant 0 : i32
    %c0_i32_1 = arith.constant 0 : i32
    return %c0_i32, %c0_i32_0 : i32, i32
  }
  func.func @transform_3(%arg0: i32) -> (i32, i32) {
    %c0_i32 = arith.constant 0 : i32
    %c0_i32_0 = arith.constant 0 : i32
    return %arg0, %c0_i32 : i32, i32
  }
}

module attributes {stable_mosaic.version = 14 : i64} {
  func.func @_mm_body(%arg0: i32, %arg1: memref<256x3584xf32, #tpu.memory_space<vmem>>, %arg2: memref<3584x768xf32, #tpu.memory_space<vmem>>, %arg3: memref<8x768xf32, #tpu.memory_space<vmem>>, %arg4: memref<256x768xf32, #tpu.memory_space<vmem>>) attributes {dimension_semantics = [#tpu.dimension_semantics<arbitrary>], iteration_bounds = array<i64: 1>, scalar_prefetch = 0 : i64, scratch_operands = 0 : i64, tpu.core_type = #tpu.core_type<tc>, window_params = [{transform_indices = @transform_0, window_bounds = array<i64: 256, 3584>}, {pipeline_mode = #tpu.pipeline_mode<synchronous>, transform_indices = @transform_1, window_bounds = array<i64: 3584, 768>}, {pipeline_mode = #tpu.pipeline_mode<synchronous>, transform_indices = @transform_2, window_bounds = array<i64: 8, 768>}, {transform_indices = @transform_3, window_bounds = array<i64: 256, 768>}]} {
    %get3A = arith.constant 0 : index
    %get3A_0 = arith.constant 0 : index
    %get3A_1 = vector.load %arg1[%get3A, %get3A_0] : memref<256x3584xf32, #tpu.memory_space<vmem>>, vector<256x3584xf32>
    %get3A_2 = arith.constant 0 : index
    %get3A_3 = arith.constant 0 : index
    %get3A_4 = vector.load %arg2[%get3A_2, %get3A_3] : memref<3584x768xf32, #tpu.memory_space<vmem>>, vector<3584x768xf32>
    %dot_general3A = arith.constant dense<0.000000e+00> : vector<256x768xf32>
    %dot_general3A_5 = tpu.matmul %get3A_1, %get3A_4, %dot_general3A {dimension_numbers = #tpu.dot_dimension_numbers<[1], [0], [0], [1], [0, 0, 1, 1], [], []>, transpose_lhs_hint = false} : vector<256x3584xf32>, vector<3584x768xf32>, vector<256x768xf32> -> vector<256x768xf32>
    %get3A_6 = arith.constant 0 : index
    %get3A_7 = arith.constant 0 : index
    %get3A_8 = vector.load %arg3[%get3A_6, %get3A_7] : memref<8x768xf32, #tpu.memory_space<vmem>>, vector<1x768xf32>
    %add3A = vector.broadcast %get3A_8 : vector<1x768xf32> to vector<256x768xf32>
    %add3A_9 = arith.addf %dot_general3A_5, %add3A : vector<256x768xf32>
    %swap3A = arith.constant 0 : index
    %swap3A_10 = arith.constant 0 : index
    %swap3A_11 = vector.load %arg4[%swap3A, %swap3A_10] : memref<256x768xf32, #tpu.memory_space<vmem>>, vector<256x768xf32>
    tpu.vector_store %arg4[%swap3A, %swap3A_10], %add3A_9 {strides = array<i32>} : memref<256x768xf32, #tpu.memory_space<vmem>>, vector<256x768xf32>,
    return
  }
  func.func @transform_0(%arg0: i32) -> (i32, i32) {
    %c0_i32 = arith.constant 0 : i32
    %c0_i32_0 = arith.constant 0 : i32
    return %arg0, %c0_i32 : i32, i32
  }
  func.func @transform_1(%arg0: i32) -> (i32, i32) {
    %c0_i32 = arith.constant 0 : i32
    %c0_i32_0 = arith.constant 0 : i32
    %c0_i32_1 = arith.constant 0 : i32
    return %c0_i32, %c0_i32_0 : i32, i32
  }
  func.func @transform_2(%arg0: i32) -> (i32, i32) {
    %c0_i32 = arith.constant 0 : i32
    %c0_i32_0 = arith.constant 0 : i32
    %c0_i32_1 = arith.constant 0 : i32
    return %c0_i32, %c0_i32_0 : i32, i32
  }
  func.func @transform_3(%arg0: i32) -> (i32, i32) {
    %c0_i32 = arith.constant 0 : i32
    %c0_i32_0 = arith.constant 0 : i32
    return %arg0, %c0_i32 : i32, i32
  }
}

module attributes {stable_mosaic.version = 14 : i64} {
  func.func @_mm_body(%arg0: i32, %arg1: memref<256x768xf32, #tpu.memory_space<vmem>>, %arg2: memref<768x128xf32, #tpu.memory_space<vmem>>, %arg3: memref<8x128xf32, #tpu.memory_space<vmem>>, %arg4: memref<256x128xf32, #tpu.memory_space<vmem>>) attributes {dimension_semantics = [#tpu.dimension_semantics<arbitrary>], iteration_bounds = array<i64: 1>, scalar_prefetch = 0 : i64, scratch_operands = 0 : i64, tpu.core_type = #tpu.core_type<tc>, window_params = [{transform_indices = @transform_0, window_bounds = array<i64: 256, 768>}, {pipeline_mode = #tpu.pipeline_mode<synchronous>, transform_indices = @transform_1, window_bounds = array<i64: 768, 128>}, {pipeline_mode = #tpu.pipeline_mode<synchronous>, transform_indices = @transform_2, window_bounds = array<i64: 8, 128>}, {transform_indices = @transform_3, window_bounds = array<i64: 256, 128>}]} {
    %get3A = arith.constant 0 : index
    %get3A_0 = arith.constant 0 : index
    %get3A_1 = vector.load %arg1[%get3A, %get3A_0] : memref<256x768xf32, #tpu.memory_space<vmem>>, vector<256x768xf32>
    %get3A_2 = arith.constant 0 : index
    %get3A_3 = arith.constant 0 : index
    %get3A_4 = vector.load %arg2[%get3A_2, %get3A_3] : memref<768x128xf32, #tpu.memory_space<vmem>>, vector<768x128xf32>
    %dot_general3A = arith.constant dense<0.000000e+00> : vector<256x128xf32>
    %dot_general3A_5 = tpu.matmul %get3A_1, %get3A_4, %dot_general3A {dimension_numbers = #tpu.dot_dimension_numbers<[1], [0], [0], [1], [0, 0, 1, 1], [], []>, precision = #tpu.contract_precision<fp32>, transpose_lhs_hint = false} : vector<256x768xf32>, vector<768x128xf32>, vector<256x128xf32> -> vector<256x128xf32>
    %get3A_6 = arith.constant 0 : index
    %get3A_7 = arith.constant 0 : index
    %get3A_8 = vector.load %arg3[%get3A_6, %get3A_7] : memref<8x128xf32, #tpu.memory_space<vmem>>, vector<1x128xf32>
    %add3A = vector.broadcast %get3A_8 : vector<1x128xf32> to vector<256x128xf32>
    %add3A_9 = arith.addf %dot_general3A_5, %add3A : vector<256x128xf32>
    %swap3A = arith.constant 0 : index
    %swap3A_10 = arith.constant 0 : index
    %swap3A_11 = vector.load %arg4[%swap3A, %swap3A_10] : memref<256x128xf32, #tpu.memory_space<vmem>>, vector<256x128xf32>
    tpu.vector_store %arg4[%swap3A, %swap3A_10], %add3A_9 {strides = array<i32>} : memref<256x128xf32, #tpu.memory_space<vmem>>, vector<256x128xf32>,
    return
  }
  func.func @transform_0(%arg0: i32) -> (i32, i32) {
    %c0_i32 = arith.constant 0 : i32
    %c0_i32_0 = arith.constant 0 : i32
    return %arg0, %c0_i32 : i32, i32
  }
  func.func @transform_1(%arg0: i32) -> (i32, i32) {
    %c0_i32 = arith.constant 0 : i32
    %c0_i32_0 = arith.constant 0 : i32
    %c0_i32_1 = arith.constant 0 : i32
    return %c0_i32, %c0_i32_0 : i32, i32
  }
  func.func @transform_2(%arg0: i32) -> (i32, i32) {
    %c0_i32 = arith.constant 0 : i32
    %c0_i32_0 = arith.constant 0 : i32
    %c0_i32_1 = arith.constant 0 : i32
    return %c0_i32, %c0_i32_0 : i32, i32
  }
  func.func @transform_3(%arg0: i32) -> (i32, i32) {
    %c0_i32 = arith.constant 0 : i32
    %c0_i32_0 = arith.constant 0 : i32
    return %arg0, %c0_i32 : i32, i32
  }
}

module attributes {stable_mosaic.version = 14 : i64} {
  func.func @_gat_agg_body(%arg0: i32, %arg1: memref<80xi32, #tpu.memory_space<smem>>, %arg2: memref<50000xi32, #tpu.memory_space<smem>>, %arg3: memref<10000x128xf32, #tpu.memory_space<vmem>>, %arg4: memref<128x128xf32, #tpu.memory_space<vmem>>, %arg5: memref<10000x768xf32, #tpu.memory_space<any>>, %arg6: memref<128x1536xf32, #tpu.memory_space<vmem>>, %arg7: memref<10000x768xf32, #tpu.memory_space<vmem>>, %arg8: memref<128x128xf32, #tpu.memory_space<vmem>>, %arg9: memref<!tpu.dma_semaphore, #tpu.memory_space<semaphore_mem>>) attributes {dimension_semantics = [#tpu.dimension_semantics<arbitrary>], iteration_bounds = array<i64: 79>, scalar_prefetch = 2 : i64, scratch_operands = 3 : i64, tpu.core_type = #tpu.core_type<tc>, window_params = [{pipeline_mode = #tpu.pipeline_mode<synchronous>, transform_indices = @transform_0, window_bounds = array<i64: 10000, 128>}, {transform_indices = @transform_1, window_bounds = array<i64: 128, 128>}, {}, {transform_indices = @transform_3, window_bounds = array<i64: 128, 1536>}]} {
    %eq3A = arith.constant 0 : i32
    %eq3A_0 = arith.cmpi eq, %arg0, %eq3A : i32
    %convert_element_type3A = arith.extui %eq3A_0 : i1 to i32
    %cond3A = arith.constant 0 : i32
    %cond3A_1 = arith.cmpi ne, %convert_element_type3A, %cond3A : i32
    scf.if %cond3A_1 {
      tpu.enqueue_dma source(%arg5 : memref<10000x768xf32, #tpu.memory_space<any>>) target(%arg7 : memref<10000x768xf32, #tpu.memory_space<vmem>>) target_semaphore(%arg9 : memref<!tpu.dma_semaphore, #tpu.memory_space<semaphore_mem>>)
      tpu.wait_dma2 semaphore(%arg9 : memref<!tpu.dma_semaphore, #tpu.memory_space<semaphore_mem>>) src(%arg5 : memref<10000x768xf32, #tpu.memory_space<any>>) dst(%arg7 : memref<10000x768xf32, #tpu.memory_space<vmem>>)
    } else {
    }
    %broadcast_in_dim3A = arith.constant 0.000000e+00 : f32
    %broadcast_in_dim3A_2 = vector.broadcast %broadcast_in_dim3A : f32 to vector<128x1536xf32>
    %swap3A = arith.constant 0 : index
    %swap3A_3 = arith.constant 0 : index
    %swap3A_4 = vector.load %arg6[%swap3A, %swap3A_3] : memref<128x1536xf32, #tpu.memory_space<vmem>>, vector<128x1536xf32>
    tpu.vector_store %arg6[%swap3A, %swap3A_3], %broadcast_in_dim3A_2 {strides = array<i32>} : memref<128x1536xf32, #tpu.memory_space<vmem>>, vector<128x1536xf32>,
    %broadcast_in_dim3A_5 = arith.constant 0.000000e+00 : f32
    %broadcast_in_dim3A_6 = vector.broadcast %broadcast_in_dim3A_5 : f32 to vector<128x128xf32>
    %swap3A_7 = arith.constant 0 : index
    %swap3A_8 = arith.constant 0 : index
    %swap3A_9 = vector.load %arg8[%swap3A_7, %swap3A_8] : memref<128x128xf32, #tpu.memory_space<vmem>>, vector<128x128xf32>
    tpu.vector_store %arg8[%swap3A_7, %swap3A_8], %broadcast_in_dim3A_6 {strides = array<i32>} : memref<128x128xf32, #tpu.memory_space<vmem>>, vector<128x128xf32>,
    %get3A = arith.index_cast %arg0 : i32 to index
    %get3A_10 = memref.load %arg1[%get3A] : memref<80xi32, #tpu.memory_space<smem>>
    %add3A = arith.constant 1 : i32
    %add3A_11 = arith.addi %arg0, %add3A : i32
    %get3A_12 = arith.index_cast %add3A_11 : i32 to index
    %get3A_13 = memref.load %arg1[%get3A_12] : memref<80xi32, #tpu.memory_space<smem>>
    %while3A = arith.constant 0 : i32
    %while3A_14 = arith.subi %get3A_13, %get3A_10 : i32
    %while3A_15 = arith.addi %get3A_10, %while3A_14 : i32
    %while3A_16 = arith.constant 1 : i32
    %while3A_17 = arith.divsi %while3A_14, %while3A_16 : i32
    %while3A_18 = arith.muli %while3A_17, %while3A_16 : i32
    %while3A_19 = arith.addi %get3A_10, %while3A_18 : i32
    %while3A_20 = arith.constant 1 : i32
    scf.for %while3A_49 = %get3A_10 to %while3A_19 step %while3A_20  : i32 {
      %get3A_50 = arith.index_cast %while3A_49 : i32 to index
      %get3A_51 = memref.load %arg2[%get3A_50] : memref<50000xi32, #tpu.memory_space<smem>>
      %jit3A = arith.constant 128 : i32
      %div3A_52 = arith.divsi %get3A_51, %jit3A : i32
      %sign3A = arith.constant 0 : i32
      %sign3A_53 = arith.cmpi sgt, %get3A_51, %sign3A : i32
      %sign3A_54 = arith.extui %sign3A_53 : i1 to i32
      %sign3A_55 = arith.constant 0 : i32
      %sign3A_56 = arith.cmpi slt, %get3A_51, %sign3A_55 : i32
      %sign3A_57 = arith.extui %sign3A_56 : i1 to i32
      %sign3A_58 = arith.subi %sign3A_54, %sign3A_57 : i32
      %sign3A_59 = arith.constant 0 : i32
      %sign3A_60 = arith.cmpi sgt, %jit3A, %sign3A_59 : i32
      %sign3A_61 = arith.extui %sign3A_60 : i1 to i32
      %sign3A_62 = arith.constant 0 : i32
      %sign3A_63 = arith.cmpi slt, %jit3A, %sign3A_62 : i32
      %sign3A_64 = arith.extui %sign3A_63 : i1 to i32
      %sign3A_65 = arith.subi %sign3A_61, %sign3A_64 : i32
      %ne3A = arith.cmpi ne, %sign3A_58, %sign3A_65 : i32
      %rem3A = arith.remsi %get3A_51, %jit3A : i32
      %ne3A_66 = arith.constant 0 : i32
      %ne3A_67 = arith.cmpi ne, %rem3A, %ne3A_66 : i32
      %and3A = arith.andi %ne3A, %ne3A_67 : i1
      %sub3A = arith.constant 1 : i32
      %sub3A_68 = arith.subi %div3A_52, %sub3A : i32
      %select_n3A = arith.select %and3A, %sub3A_68, %div3A_52 : i32
      %mul3A = arith.constant 128 : i32
      %mul3A_69 = arith.muli %select_n3A, %mul3A : i32
      %sub3A_70 = arith.subi %get3A_51, %mul3A_69 : i32
      %get3A_71 = arith.index_cast %select_n3A : i32 to index
      %get3A_72 = arith.constant 0 : index
      %get3A_73 = vector.load %arg3[%get3A_71, %get3A_72] : memref<10000x128xf32, #tpu.memory_space<vmem>>, vector<1x2xf32>
      %get3A_74 = arith.index_cast %sub3A_70 : i32 to index
      %get3A_75 = arith.constant 0 : index
      %get3A_76 = vector.load %arg4[%get3A_74, %get3A_75] : memref<128x128xf32, #tpu.memory_space<vmem>>, vector<1x2xf32>
      %add3A_77 = arith.addf %get3A_73, %get3A_76 : vector<1x2xf32>
      %gt3A = arith.constant 0.000000e+00 : f32
      %gt3A_78 = vector.broadcast %gt3A : f32 to vector<1x2xf32>
      %gt3A_79 = arith.cmpf ogt, %add3A_77, %gt3A_78 : vector<1x2xf32>
      %mul3A_80 = arith.constant 2.000000e-01 : f32
      %mul3A_81 = vector.broadcast %mul3A_80 : f32 to vector<1x2xf32>
      %mul3A_82 = arith.mulf %mul3A_81, %add3A_77 : vector<1x2xf32>
      %select_n3A_83 = arith.select %gt3A_79, %add3A_77, %mul3A_82 : vector<1x2xi1>, vector<1x2xf32>
      %exp3A = math.exp %select_n3A_83 : vector<1x2xf32>
      %get3A_84 = arith.index_cast %select_n3A : i32 to index
      %get3A_85 = arith.constant 0 : index
      %get3A_86 = vector.load %arg7[%get3A_84, %get3A_85] : memref<10000x768xf32, #tpu.memory_space<vmem>>, vector<1x768xf32>
      %slice3A = vector.extract_strided_slice %exp3A {offsets = [0, 0], sizes = [1, 1], strides = [1, 1]} : vector<1x2xf32> to vector<1x1xf32>
      %mul3A_87 = vector.broadcast %slice3A : vector<1x1xf32> to vector<1x768xf32>
      %mul3A_88 = arith.mulf %mul3A_87, %get3A_86 : vector<1x768xf32>
      %slice3A_89 = vector.extract_strided_slice %exp3A {offsets = [0, 1], sizes = [1, 1], strides = [1, 1]} : vector<1x2xf32> to vector<1x1xf32>
      %mul3A_90 = vector.broadcast %slice3A_89 : vector<1x1xf32> to vector<1x768xf32>
      %mul3A_91 = arith.mulf %mul3A_90, %get3A_86 : vector<1x768xf32>
      %concatenate3A = tpu.concatenate %mul3A_88, %mul3A_91 in 1 : vector<1x768xf32>, vector<1x768xf32> -> vector<1x1536xf32>
      %get3A_92 = arith.index_cast %sub3A_70 : i32 to index
      %get3A_93 = arith.constant 0 : index
      %get3A_94 = vector.load %arg6[%get3A_92, %get3A_93] : memref<128x1536xf32, #tpu.memory_space<vmem>>, vector<1x1536xf32>
      %add3A_95 = arith.addf %get3A_94, %concatenate3A : vector<1x1536xf32>
      %swap3A_96 = arith.index_cast %sub3A_70 : i32 to index
      %swap3A_97 = arith.constant 0 : index
      %swap3A_98 = vector.load %arg6[%swap3A_96, %swap3A_97] : memref<128x1536xf32, #tpu.memory_space<vmem>>, vector<1x1536xf32>
      tpu.vector_store %arg6[%swap3A_96, %swap3A_97], %add3A_95 {strides = array<i32>} : memref<128x1536xf32, #tpu.memory_space<vmem>>, vector<1x1536xf32>,
      %get3A_99 = arith.index_cast %sub3A_70 : i32 to index
      %get3A_100 = arith.constant 0 : index
      %get3A_101 = vector.load %arg8[%get3A_99, %get3A_100] : memref<128x128xf32, #tpu.memory_space<vmem>>, vector<1x2xf32>
      %add3A_102 = arith.addf %get3A_101, %exp3A : vector<1x2xf32>
      %swap3A_103 = arith.index_cast %sub3A_70 : i32 to index
      %swap3A_104 = arith.constant 0 : index
      %swap3A_105 = vector.load %arg8[%swap3A_103, %swap3A_104] : memref<128x128xf32, #tpu.memory_space<vmem>>, vector<1x2xf32>
      tpu.vector_store %arg8[%swap3A_103, %swap3A_104], %add3A_102 {strides = array<i32>} : memref<128x128xf32, #tpu.memory_space<vmem>>, vector<1x2xf32>,
    }
    %while3A_21 = arith.constant 1 : i32
    scf.for %while3A_49 = %while3A_19 to %while3A_15 step %while3A_21  : i32 {
      %get3A_50 = arith.index_cast %while3A_49 : i32 to index
      %get3A_51 = memref.load %arg2[%get3A_50] : memref<50000xi32, #tpu.memory_space<smem>>
      %jit3A = arith.constant 128 : i32
      %div3A_52 = arith.divsi %get3A_51, %jit3A : i32
      %sign3A = arith.constant 0 : i32
      %sign3A_53 = arith.cmpi sgt, %get3A_51, %sign3A : i32
      %sign3A_54 = arith.extui %sign3A_53 : i1 to i32
      %sign3A_55 = arith.constant 0 : i32
      %sign3A_56 = arith.cmpi slt, %get3A_51, %sign3A_55 : i32
      %sign3A_57 = arith.extui %sign3A_56 : i1 to i32
      %sign3A_58 = arith.subi %sign3A_54, %sign3A_57 : i32
      %sign3A_59 = arith.constant 0 : i32
      %sign3A_60 = arith.cmpi sgt, %jit3A, %sign3A_59 : i32
      %sign3A_61 = arith.extui %sign3A_60 : i1 to i32
      %sign3A_62 = arith.constant 0 : i32
      %sign3A_63 = arith.cmpi slt, %jit3A, %sign3A_62 : i32
      %sign3A_64 = arith.extui %sign3A_63 : i1 to i32
      %sign3A_65 = arith.subi %sign3A_61, %sign3A_64 : i32
      %ne3A = arith.cmpi ne, %sign3A_58, %sign3A_65 : i32
      %rem3A = arith.remsi %get3A_51, %jit3A : i32
      %ne3A_66 = arith.constant 0 : i32
      %ne3A_67 = arith.cmpi ne, %rem3A, %ne3A_66 : i32
      %and3A = arith.andi %ne3A, %ne3A_67 : i1
      %sub3A = arith.constant 1 : i32
      %sub3A_68 = arith.subi %div3A_52, %sub3A : i32
      %select_n3A = arith.select %and3A, %sub3A_68, %div3A_52 : i32
      %mul3A = arith.constant 128 : i32
      %mul3A_69 = arith.muli %select_n3A, %mul3A : i32
      %sub3A_70 = arith.subi %get3A_51, %mul3A_69 : i32
      %get3A_71 = arith.index_cast %select_n3A : i32 to index
      %get3A_72 = arith.constant 0 : index
      %get3A_73 = vector.load %arg3[%get3A_71, %get3A_72] : memref<10000x128xf32, #tpu.memory_space<vmem>>, vector<1x2xf32>
      %get3A_74 = arith.index_cast %sub3A_70 : i32 to index
      %get3A_75 = arith.constant 0 : index
      %get3A_76 = vector.load %arg4[%get3A_74, %get3A_75] : memref<128x128xf32, #tpu.memory_space<vmem>>, vector<1x2xf32>
      %add3A_77 = arith.addf %get3A_73, %get3A_76 : vector<1x2xf32>
      %gt3A = arith.constant 0.000000e+00 : f32
      %gt3A_78 = vector.broadcast %gt3A : f32 to vector<1x2xf32>
      %gt3A_79 = arith.cmpf ogt, %add3A_77, %gt3A_78 : vector<1x2xf32>
      %mul3A_80 = arith.constant 2.000000e-01 : f32
      %mul3A_81 = vector.broadcast %mul3A_80 : f32 to vector<1x2xf32>
      %mul3A_82 = arith.mulf %mul3A_81, %add3A_77 : vector<1x2xf32>
      %select_n3A_83 = arith.select %gt3A_79, %add3A_77, %mul3A_82 : vector<1x2xi1>, vector<1x2xf32>
      %exp3A = math.exp %select_n3A_83 : vector<1x2xf32>
      %get3A_84 = arith.index_cast %select_n3A : i32 to index
      %get3A_85 = arith.constant 0 : index
      %get3A_86 = vector.load %arg7[%get3A_84, %get3A_85] : memref<10000x768xf32, #tpu.memory_space<vmem>>, vector<1x768xf32>
      %slice3A = vector.extract_strided_slice %exp3A {offsets = [0, 0], sizes = [1, 1], strides = [1, 1]} : vector<1x2xf32> to vector<1x1xf32>
      %mul3A_87 = vector.broadcast %slice3A : vector<1x1xf32> to vector<1x768xf32>
      %mul3A_88 = arith.mulf %mul3A_87, %get3A_86 : vector<1x768xf32>
      %slice3A_89 = vector.extract_strided_slice %exp3A {offsets = [0, 1], sizes = [1, 1], strides = [1, 1]} : vector<1x2xf32> to vector<1x1xf32>
      %mul3A_90 = vector.broadcast %slice3A_89 : vector<1x1xf32> to vector<1x768xf32>
      %mul3A_91 = arith.mulf %mul3A_90, %get3A_86 : vector<1x768xf32>
      %concatenate3A = tpu.concatenate %mul3A_88, %mul3A_91 in 1 : vector<1x768xf32>, vector<1x768xf32> -> vector<1x1536xf32>
      %get3A_92 = arith.index_cast %sub3A_70 : i32 to index
      %get3A_93 = arith.constant 0 : index
      %get3A_94 = vector.load %arg6[%get3A_92, %get3A_93] : memref<128x1536xf32, #tpu.memory_space<vmem>>, vector<1x1536xf32>
      %add3A_95 = arith.addf %get3A_94, %concatenate3A : vector<1x1536xf32>
      %swap3A_96 = arith.index_cast %sub3A_70 : i32 to index
      %swap3A_97 = arith.constant 0 : index
      %swap3A_98 = vector.load %arg6[%swap3A_96, %swap3A_97] : memref<128x1536xf32, #tpu.memory_space<vmem>>, vector<1x1536xf32>
      tpu.vector_store %arg6[%swap3A_96, %swap3A_97], %add3A_95 {strides = array<i32>} : memref<128x1536xf32, #tpu.memory_space<vmem>>, vector<1x1536xf32>,
      %get3A_99 = arith.index_cast %sub3A_70 : i32 to index
      %get3A_100 = arith.constant 0 : index
      %get3A_101 = vector.load %arg8[%get3A_99, %get3A_100] : memref<128x128xf32, #tpu.memory_space<vmem>>, vector<1x2xf32>
      %add3A_102 = arith.addf %get3A_101, %exp3A : vector<1x2xf32>
      %swap3A_103 = arith.index_cast %sub3A_70 : i32 to index
      %swap3A_104 = arith.constant 0 : index
      %swap3A_105 = vector.load %arg8[%swap3A_103, %swap3A_104] : memref<128x128xf32, #tpu.memory_space<vmem>>, vector<1x2xf32>
      tpu.vector_store %arg8[%swap3A_103, %swap3A_104], %add3A_102 {strides = array<i32>} : memref<128x128xf32, #tpu.memory_space<vmem>>, vector<1x2xf32>,
    }
    %get3A_22 = arith.constant 0 : index
    %get3A_23 = arith.constant 0 : index
    %get3A_24 = vector.load %arg8[%get3A_22, %get3A_23] : memref<128x128xf32, #tpu.memory_space<vmem>>, vector<128x1xf32>
    %get3A_25 = arith.constant 0 : index
    %get3A_26 = arith.constant 1 : index
    %get3A_27 = vector.load %arg8[%get3A_25, %get3A_26] : memref<128x128xf32, #tpu.memory_space<vmem>>, vector<128x1xf32>
    %get3A_28 = arith.constant 0 : index
    %get3A_29 = arith.constant 0 : index
    %get3A_30 = vector.load %arg6[%get3A_28, %get3A_29] : memref<128x1536xf32, #tpu.memory_space<vmem>>, vector<128x768xf32>
    %add3A_31 = arith.constant 1.000000e-16 : f32
    %add3A_32 = vector.broadcast %add3A_31 : f32 to vector<128x1xf32>
    %add3A_33 = arith.addf %get3A_24, %add3A_32 : vector<128x1xf32>
    %div3A = vector.broadcast %add3A_33 : vector<128x1xf32> to vector<128x768xf32>
    %div3A_34 = arith.divf %get3A_30, %div3A : vector<128x768xf32>
    %swap3A_35 = arith.constant 0 : index
    %swap3A_36 = arith.constant 0 : index
    %swap3A_37 = vector.load %arg6[%swap3A_35, %swap3A_36] : memref<128x1536xf32, #tpu.memory_space<vmem>>, vector<128x768xf32>
    tpu.vector_store %arg6[%swap3A_35, %swap3A_36], %div3A_34 {strides = array<i32>} : memref<128x1536xf32, #tpu.memory_space<vmem>>, vector<128x768xf32>,
    %get3A_38 = arith.constant 0 : index
    %get3A_39 = arith.constant 768 : index
    %get3A_40 = vector.load %arg6[%get3A_38, %get3A_39] : memref<128x1536xf32, #tpu.memory_space<vmem>>, vector<128x768xf32>
    %add3A_41 = arith.constant 1.000000e-16 : f32
    %add3A_42 = vector.broadcast %add3A_41 : f32 to vector<128x1xf32>
    %add3A_43 = arith.addf %get3A_27, %add3A_42 : vector<128x1xf32>
    %div3A_44 = vector.broadcast %add3A_43 : vector<128x1xf32> to vector<128x768xf32>
    %div3A_45 = arith.divf %get3A_40, %div3A_44 : vector<128x768xf32>
    %swap3A_46 = arith.constant 0 : index
    %swap3A_47 = arith.constant 768 : index
    %swap3A_48 = vector.load %arg6[%swap3A_46, %swap3A_47] : memref<128x1536xf32, #tpu.memory_space<vmem>>, vector<128x768xf32>
    tpu.vector_store %arg6[%swap3A_46, %swap3A_47], %div3A_45 {strides = array<i32>} : memref<128x1536xf32, #tpu.memory_space<vmem>>, vector<128x768xf32>,
    return
  }
  func.func @transform_0(%arg0: i32, %arg1: memref<80xi32, #tpu.memory_space<smem>>, %arg2: memref<50000xi32, #tpu.memory_space<smem>>) -> (i32, i32) {
    %c0_i32 = arith.constant 0 : i32
    %c0_i32_0 = arith.constant 0 : i32
    %c0_i32_1 = arith.constant 0 : i32
    return %c0_i32, %c0_i32_0 : i32, i32
  }
  func.func @transform_1(%arg0: i32, %arg1: memref<80xi32, #tpu.memory_space<smem>>, %arg2: memref<50000xi32, #tpu.memory_space<smem>>) -> (i32, i32) {
    %c0_i32 = arith.constant 0 : i32
    %c0_i32_0 = arith.constant 0 : i32
    return %arg0, %c0_i32 : i32, i32
  }
  func.func @transform_3(%arg0: i32, %arg1: memref<80xi32, #tpu.memory_space<smem>>, %arg2: memref<50000xi32, #tpu.memory_space<smem>>) -> (i32, i32) {
    %c0_i32 = arith.constant 0 : i32
    %c0_i32_0 = arith.constant 0 : i32
    return %arg0, %c0_i32 : i32, i32
  }
}

module attributes {stable_mosaic.version = 14 : i64} {
  func.func @_mm_body(%arg0: i32, %arg1: memref<256x1536xf32, #tpu.memory_space<vmem>>, %arg2: memref<1536x1536xf32, #tpu.memory_space<vmem>>, %arg3: memref<8x1536xf32, #tpu.memory_space<vmem>>, %arg4: memref<256x1536xf32, #tpu.memory_space<vmem>>) attributes {dimension_semantics = [#tpu.dimension_semantics<arbitrary>], iteration_bounds = array<i64: 40>, scalar_prefetch = 0 : i64, scratch_operands = 0 : i64, tpu.core_type = #tpu.core_type<tc>, window_params = [{transform_indices = @transform_0, window_bounds = array<i64: 256, 1536>}, {pipeline_mode = #tpu.pipeline_mode<synchronous>, transform_indices = @transform_1, window_bounds = array<i64: 1536, 1536>}, {pipeline_mode = #tpu.pipeline_mode<synchronous>, transform_indices = @transform_2, window_bounds = array<i64: 8, 1536>}, {transform_indices = @transform_3, window_bounds = array<i64: 256, 1536>}]} {
    %get3A = arith.constant 0 : index
    %get3A_0 = arith.constant 0 : index
    %get3A_1 = vector.load %arg1[%get3A, %get3A_0] : memref<256x1536xf32, #tpu.memory_space<vmem>>, vector<256x1536xf32>
    %get3A_2 = arith.constant 0 : index
    %get3A_3 = arith.constant 0 : index
    %get3A_4 = vector.load %arg2[%get3A_2, %get3A_3] : memref<1536x1536xf32, #tpu.memory_space<vmem>>, vector<1536x1536xf32>
    %dot_general3A = arith.constant dense<0.000000e+00> : vector<256x1536xf32>
    %dot_general3A_5 = tpu.matmul %get3A_1, %get3A_4, %dot_general3A {dimension_numbers = #tpu.dot_dimension_numbers<[1], [0], [0], [1], [0, 0, 1, 1], [], []>, transpose_lhs_hint = false} : vector<256x1536xf32>, vector<1536x1536xf32>, vector<256x1536xf32> -> vector<256x1536xf32>
    %get3A_6 = arith.constant 0 : index
    %get3A_7 = arith.constant 0 : index
    %get3A_8 = vector.load %arg3[%get3A_6, %get3A_7] : memref<8x1536xf32, #tpu.memory_space<vmem>>, vector<1x1536xf32>
    %add3A = vector.broadcast %get3A_8 : vector<1x1536xf32> to vector<256x1536xf32>
    %add3A_9 = arith.addf %dot_general3A_5, %add3A : vector<256x1536xf32>
    %max3A = arith.constant 0.000000e+00 : f32
    %max3A_10 = vector.broadcast %max3A : f32 to vector<256x1536xf32>
    %max3A_11 = arith.maximumf %add3A_9, %max3A_10 : vector<256x1536xf32>
    %swap3A = arith.constant 0 : index
    %swap3A_12 = arith.constant 0 : index
    %swap3A_13 = vector.load %arg4[%swap3A, %swap3A_12] : memref<256x1536xf32, #tpu.memory_space<vmem>>, vector<256x1536xf32>
    tpu.vector_store %arg4[%swap3A, %swap3A_12], %max3A_11 {strides = array<i32>} : memref<256x1536xf32, #tpu.memory_space<vmem>>, vector<256x1536xf32>,
    return
  }
  func.func @transform_0(%arg0: i32) -> (i32, i32) {
    %c0_i32 = arith.constant 0 : i32
    %c0_i32_0 = arith.constant 0 : i32
    return %arg0, %c0_i32 : i32, i32
  }
  func.func @transform_1(%arg0: i32) -> (i32, i32) {
    %c0_i32 = arith.constant 0 : i32
    %c0_i32_0 = arith.constant 0 : i32
    %c0_i32_1 = arith.constant 0 : i32
    return %c0_i32, %c0_i32_0 : i32, i32
  }
  func.func @transform_2(%arg0: i32) -> (i32, i32) {
    %c0_i32 = arith.constant 0 : i32
    %c0_i32_0 = arith.constant 0 : i32
    %c0_i32_1 = arith.constant 0 : i32
    return %c0_i32, %c0_i32_0 : i32, i32
  }
  func.func @transform_3(%arg0: i32) -> (i32, i32) {
    %c0_i32 = arith.constant 0 : i32
    %c0_i32_0 = arith.constant 0 : i32
    return %arg0, %c0_i32 : i32, i32
  }
}

module attributes {stable_mosaic.version = 14 : i64} {
  func.func @_mm_body(%arg0: i32, %arg1: memref<256x1536xf32, #tpu.memory_space<vmem>>, %arg2: memref<1536x768xf32, #tpu.memory_space<vmem>>, %arg3: memref<8x768xf32, #tpu.memory_space<vmem>>, %arg4: memref<256x768xf32, #tpu.memory_space<vmem>>) attributes {dimension_semantics = [#tpu.dimension_semantics<arbitrary>], iteration_bounds = array<i64: 40>, scalar_prefetch = 0 : i64, scratch_operands = 0 : i64, tpu.core_type = #tpu.core_type<tc>, window_params = [{transform_indices = @transform_0, window_bounds = array<i64: 256, 1536>}, {pipeline_mode = #tpu.pipeline_mode<synchronous>, transform_indices = @transform_1, window_bounds = array<i64: 1536, 768>}, {pipeline_mode = #tpu.pipeline_mode<synchronous>, transform_indices = @transform_2, window_bounds = array<i64: 8, 768>}, {transform_indices = @transform_3, window_bounds = array<i64: 256, 768>}]} {
    %get3A = arith.constant 0 : index
    %get3A_0 = arith.constant 0 : index
    %get3A_1 = vector.load %arg1[%get3A, %get3A_0] : memref<256x1536xf32, #tpu.memory_space<vmem>>, vector<256x1536xf32>
    %get3A_2 = arith.constant 0 : index
    %get3A_3 = arith.constant 0 : index
    %get3A_4 = vector.load %arg2[%get3A_2, %get3A_3] : memref<1536x768xf32, #tpu.memory_space<vmem>>, vector<1536x768xf32>
    %dot_general3A = arith.constant dense<0.000000e+00> : vector<256x768xf32>
    %dot_general3A_5 = tpu.matmul %get3A_1, %get3A_4, %dot_general3A {dimension_numbers = #tpu.dot_dimension_numbers<[1], [0], [0], [1], [0, 0, 1, 1], [], []>, transpose_lhs_hint = false} : vector<256x1536xf32>, vector<1536x768xf32>, vector<256x768xf32> -> vector<256x768xf32>
    %get3A_6 = arith.constant 0 : index
    %get3A_7 = arith.constant 0 : index
    %get3A_8 = vector.load %arg3[%get3A_6, %get3A_7] : memref<8x768xf32, #tpu.memory_space<vmem>>, vector<1x768xf32>
    %add3A = vector.broadcast %get3A_8 : vector<1x768xf32> to vector<256x768xf32>
    %add3A_9 = arith.addf %dot_general3A_5, %add3A : vector<256x768xf32>
    %max3A = arith.constant 0.000000e+00 : f32
    %max3A_10 = vector.broadcast %max3A : f32 to vector<256x768xf32>
    %max3A_11 = arith.maximumf %add3A_9, %max3A_10 : vector<256x768xf32>
    %swap3A = arith.constant 0 : index
    %swap3A_12 = arith.constant 0 : index
    %swap3A_13 = vector.load %arg4[%swap3A, %swap3A_12] : memref<256x768xf32, #tpu.memory_space<vmem>>, vector<256x768xf32>
    tpu.vector_store %arg4[%swap3A, %swap3A_12], %max3A_11 {strides = array<i32>} : memref<256x768xf32, #tpu.memory_space<vmem>>, vector<256x768xf32>,
    return
  }
  func.func @transform_0(%arg0: i32) -> (i32, i32) {
    %c0_i32 = arith.constant 0 : i32
    %c0_i32_0 = arith.constant 0 : i32
    return %arg0, %c0_i32 : i32, i32
  }
  func.func @transform_1(%arg0: i32) -> (i32, i32) {
    %c0_i32 = arith.constant 0 : i32
    %c0_i32_0 = arith.constant 0 : i32
    %c0_i32_1 = arith.constant 0 : i32
    return %c0_i32, %c0_i32_0 : i32, i32
  }
  func.func @transform_2(%arg0: i32) -> (i32, i32) {
    %c0_i32 = arith.constant 0 : i32
    %c0_i32_0 = arith.constant 0 : i32
    %c0_i32_1 = arith.constant 0 : i32
    return %c0_i32, %c0_i32_0 : i32, i32
  }
  func.func @transform_3(%arg0: i32) -> (i32, i32) {
    %c0_i32 = arith.constant 0 : i32
    %c0_i32_0 = arith.constant 0 : i32
    return %arg0, %c0_i32 : i32, i32
  }
}

module attributes {stable_mosaic.version = 14 : i64} {
  func.func @_mm_body(%arg0: i32, %arg1: memref<256x768xf32, #tpu.memory_space<vmem>>, %arg2: memref<768x768xf32, #tpu.memory_space<vmem>>, %arg3: memref<8x768xf32, #tpu.memory_space<vmem>>, %arg4: memref<256x768xf32, #tpu.memory_space<vmem>>) attributes {dimension_semantics = [#tpu.dimension_semantics<arbitrary>], iteration_bounds = array<i64: 40>, scalar_prefetch = 0 : i64, scratch_operands = 0 : i64, tpu.core_type = #tpu.core_type<tc>, window_params = [{transform_indices = @transform_0, window_bounds = array<i64: 256, 768>}, {pipeline_mode = #tpu.pipeline_mode<synchronous>, transform_indices = @transform_1, window_bounds = array<i64: 768, 768>}, {pipeline_mode = #tpu.pipeline_mode<synchronous>, transform_indices = @transform_2, window_bounds = array<i64: 8, 768>}, {transform_indices = @transform_3, window_bounds = array<i64: 256, 768>}]} {
    %get3A = arith.constant 0 : index
    %get3A_0 = arith.constant 0 : index
    %get3A_1 = vector.load %arg1[%get3A, %get3A_0] : memref<256x768xf32, #tpu.memory_space<vmem>>, vector<256x768xf32>
    %get3A_2 = arith.constant 0 : index
    %get3A_3 = arith.constant 0 : index
    %get3A_4 = vector.load %arg2[%get3A_2, %get3A_3] : memref<768x768xf32, #tpu.memory_space<vmem>>, vector<768x768xf32>
    %dot_general3A = arith.constant dense<0.000000e+00> : vector<256x768xf32>
    %dot_general3A_5 = tpu.matmul %get3A_1, %get3A_4, %dot_general3A {dimension_numbers = #tpu.dot_dimension_numbers<[1], [0], [0], [1], [0, 0, 1, 1], [], []>, transpose_lhs_hint = false} : vector<256x768xf32>, vector<768x768xf32>, vector<256x768xf32> -> vector<256x768xf32>
    %get3A_6 = arith.constant 0 : index
    %get3A_7 = arith.constant 0 : index
    %get3A_8 = vector.load %arg3[%get3A_6, %get3A_7] : memref<8x768xf32, #tpu.memory_space<vmem>>, vector<1x768xf32>
    %add3A = vector.broadcast %get3A_8 : vector<1x768xf32> to vector<256x768xf32>
    %add3A_9 = arith.addf %dot_general3A_5, %add3A : vector<256x768xf32>
    %swap3A = arith.constant 0 : index
    %swap3A_10 = arith.constant 0 : index
    %swap3A_11 = vector.load %arg4[%swap3A, %swap3A_10] : memref<256x768xf32, #tpu.memory_space<vmem>>, vector<256x768xf32>
    tpu.vector_store %arg4[%swap3A, %swap3A_10], %add3A_9 {strides = array<i32>} : memref<256x768xf32, #tpu.memory_space<vmem>>, vector<256x768xf32>,
    return
  }
  func.func @transform_0(%arg0: i32) -> (i32, i32) {
    %c0_i32 = arith.constant 0 : i32
    %c0_i32_0 = arith.constant 0 : i32
    return %arg0, %c0_i32 : i32, i32
  }
  func.func @transform_1(%arg0: i32) -> (i32, i32) {
    %c0_i32 = arith.constant 0 : i32
    %c0_i32_0 = arith.constant 0 : i32
    %c0_i32_1 = arith.constant 0 : i32
    return %c0_i32, %c0_i32_0 : i32, i32
  }
  func.func @transform_2(%arg0: i32) -> (i32, i32) {
    %c0_i32 = arith.constant 0 : i32
    %c0_i32_0 = arith.constant 0 : i32
    %c0_i32_1 = arith.constant 0 : i32
    return %c0_i32, %c0_i32_0 : i32, i32
  }
  func.func @transform_3(%arg0: i32) -> (i32, i32) {
    %c0_i32 = arith.constant 0 : i32
    %c0_i32_0 = arith.constant 0 : i32
    return %arg0, %c0_i32 : i32, i32
  }
}

module attributes {stable_mosaic.version = 14 : i64} {
  func.func @_mm2_body(%arg0: i32, %arg1: memref<256x768xf32, #tpu.memory_space<vmem>>, %arg2: memref<768x768xf32, #tpu.memory_space<vmem>>, %arg3: memref<256x768xf32, #tpu.memory_space<vmem>>, %arg4: memref<768x768xf32, #tpu.memory_space<vmem>>, %arg5: memref<8x768xf32, #tpu.memory_space<vmem>>, %arg6: memref<256x768xf32, #tpu.memory_space<vmem>>) attributes {dimension_semantics = [#tpu.dimension_semantics<arbitrary>], iteration_bounds = array<i64: 40>, scalar_prefetch = 0 : i64, scratch_operands = 0 : i64, tpu.core_type = #tpu.core_type<tc>, window_params = [{transform_indices = @transform_0, window_bounds = array<i64: 256, 768>}, {pipeline_mode = #tpu.pipeline_mode<synchronous>, transform_indices = @transform_1, window_bounds = array<i64: 768, 768>}, {transform_indices = @transform_2, window_bounds = array<i64: 256, 768>}, {pipeline_mode = #tpu.pipeline_mode<synchronous>, transform_indices = @transform_3, window_bounds = array<i64: 768, 768>}, {pipeline_mode = #tpu.pipeline_mode<synchronous>, transform_indices = @transform_4, window_bounds = array<i64: 8, 768>}, {transform_indices = @transform_5, window_bounds = array<i64: 256, 768>}]} {
    %get3A = arith.constant 0 : index
    %get3A_0 = arith.constant 0 : index
    %get3A_1 = vector.load %arg1[%get3A, %get3A_0] : memref<256x768xf32, #tpu.memory_space<vmem>>, vector<256x768xf32>
    %get3A_2 = arith.constant 0 : index
    %get3A_3 = arith.constant 0 : index
    %get3A_4 = vector.load %arg2[%get3A_2, %get3A_3] : memref<768x768xf32, #tpu.memory_space<vmem>>, vector<768x768xf32>
    %dot_general3A = arith.constant dense<0.000000e+00> : vector<256x768xf32>
    %dot_general3A_5 = tpu.matmul %get3A_1, %get3A_4, %dot_general3A {dimension_numbers = #tpu.dot_dimension_numbers<[1], [0], [0], [1], [0, 0, 1, 1], [], []>, transpose_lhs_hint = false} : vector<256x768xf32>, vector<768x768xf32>, vector<256x768xf32> -> vector<256x768xf32>
    %get3A_6 = arith.constant 0 : index
    %get3A_7 = arith.constant 0 : index
    %get3A_8 = vector.load %arg3[%get3A_6, %get3A_7] : memref<256x768xf32, #tpu.memory_space<vmem>>, vector<256x768xf32>
    %get3A_9 = arith.constant 0 : index
    %get3A_10 = arith.constant 0 : index
    %get3A_11 = vector.load %arg4[%get3A_9, %get3A_10] : memref<768x768xf32, #tpu.memory_space<vmem>>, vector<768x768xf32>
    %dot_general3A_12 = arith.constant dense<0.000000e+00> : vector<256x768xf32>
    %dot_general3A_13 = tpu.matmul %get3A_8, %get3A_11, %dot_general3A_12 {dimension_numbers = #tpu.dot_dimension_numbers<[1], [0], [0], [1], [0, 0, 1, 1], [], []>, transpose_lhs_hint = false} : vector<256x768xf32>, vector<768x768xf32>, vector<256x768xf32> -> vector<256x768xf32>
    %add3A = arith.addf %dot_general3A_5, %dot_general3A_13 : vector<256x768xf32>
    %get3A_14 = arith.constant 0 : index
    %get3A_15 = arith.constant 0 : index
    %get3A_16 = vector.load %arg5[%get3A_14, %get3A_15] : memref<8x768xf32, #tpu.memory_space<vmem>>, vector<1x768xf32>
    %add3A_17 = vector.broadcast %get3A_16 : vector<1x768xf32> to vector<256x768xf32>
    %add3A_18 = arith.addf %add3A, %add3A_17 : vector<256x768xf32>
    %max3A = arith.constant 0.000000e+00 : f32
    %max3A_19 = vector.broadcast %max3A : f32 to vector<256x768xf32>
    %max3A_20 = arith.maximumf %add3A_18, %max3A_19 : vector<256x768xf32>
    %swap3A = arith.constant 0 : index
    %swap3A_21 = arith.constant 0 : index
    %swap3A_22 = vector.load %arg6[%swap3A, %swap3A_21] : memref<256x768xf32, #tpu.memory_space<vmem>>, vector<256x768xf32>
    tpu.vector_store %arg6[%swap3A, %swap3A_21], %max3A_20 {strides = array<i32>} : memref<256x768xf32, #tpu.memory_space<vmem>>, vector<256x768xf32>,
    return
  }
  func.func @transform_0(%arg0: i32) -> (i32, i32) {
    %c0_i32 = arith.constant 0 : i32
    %c0_i32_0 = arith.constant 0 : i32
    return %arg0, %c0_i32 : i32, i32
  }
  func.func @transform_1(%arg0: i32) -> (i32, i32) {
    %c0_i32 = arith.constant 0 : i32
    %c0_i32_0 = arith.constant 0 : i32
    %c0_i32_1 = arith.constant 0 : i32
    return %c0_i32, %c0_i32_0 : i32, i32
  }
  func.func @transform_2(%arg0: i32) -> (i32, i32) {
    %c0_i32 = arith.constant 0 : i32
    %c0_i32_0 = arith.constant 0 : i32
    return %arg0, %c0_i32 : i32, i32
  }
  func.func @transform_3(%arg0: i32) -> (i32, i32) {
    %c0_i32 = arith.constant 0 : i32
    %c0_i32_0 = arith.constant 0 : i32
    %c0_i32_1 = arith.constant 0 : i32
    return %c0_i32, %c0_i32_0 : i32, i32
  }
  func.func @transform_4(%arg0: i32) -> (i32, i32) {
    %c0_i32 = arith.constant 0 : i32
    %c0_i32_0 = arith.constant 0 : i32
    %c0_i32_1 = arith.constant 0 : i32
    return %c0_i32, %c0_i32_0 : i32, i32
  }
  func.func @transform_5(%arg0: i32) -> (i32, i32) {
    %c0_i32 = arith.constant 0 : i32
    %c0_i32_0 = arith.constant 0 : i32
    return %arg0, %c0_i32 : i32, i32
  }
}

module attributes {stable_mosaic.version = 14 : i64} {
  func.func @_gat_agg_body(%arg0: i32, %arg1: memref<2xi32, #tpu.memory_space<smem>>, %arg2: memref<8000xi32, #tpu.memory_space<smem>>, %arg3: memref<10000x128xf32, #tpu.memory_space<vmem>>, %arg4: memref<128x128xf32, #tpu.memory_space<vmem>>, %arg5: memref<10000x768xf32, #tpu.memory_space<any>>, %arg6: memref<128x1536xf32, #tpu.memory_space<vmem>>, %arg7: memref<10000x768xf32, #tpu.memory_space<vmem>>, %arg8: memref<128x128xf32, #tpu.memory_space<vmem>>, %arg9: memref<!tpu.dma_semaphore, #tpu.memory_space<semaphore_mem>>) attributes {dimension_semantics = [#tpu.dimension_semantics<arbitrary>], iteration_bounds = array<i64: 1>, scalar_prefetch = 2 : i64, scratch_operands = 3 : i64, tpu.core_type = #tpu.core_type<tc>, window_params = [{pipeline_mode = #tpu.pipeline_mode<synchronous>, transform_indices = @transform_0, window_bounds = array<i64: 10000, 128>}, {transform_indices = @transform_1, window_bounds = array<i64: 128, 128>}, {}, {transform_indices = @transform_3, window_bounds = array<i64: 128, 1536>}]} {
    %eq3A = arith.constant 0 : i32
    %eq3A_0 = arith.cmpi eq, %arg0, %eq3A : i32
    %convert_element_type3A = arith.extui %eq3A_0 : i1 to i32
    %cond3A = arith.constant 0 : i32
    %cond3A_1 = arith.cmpi ne, %convert_element_type3A, %cond3A : i32
    scf.if %cond3A_1 {
      tpu.enqueue_dma source(%arg5 : memref<10000x768xf32, #tpu.memory_space<any>>) target(%arg7 : memref<10000x768xf32, #tpu.memory_space<vmem>>) target_semaphore(%arg9 : memref<!tpu.dma_semaphore, #tpu.memory_space<semaphore_mem>>)
      tpu.wait_dma2 semaphore(%arg9 : memref<!tpu.dma_semaphore, #tpu.memory_space<semaphore_mem>>) src(%arg5 : memref<10000x768xf32, #tpu.memory_space<any>>) dst(%arg7 : memref<10000x768xf32, #tpu.memory_space<vmem>>)
    } else {
    }
    %broadcast_in_dim3A = arith.constant 0.000000e+00 : f32
    %broadcast_in_dim3A_2 = vector.broadcast %broadcast_in_dim3A : f32 to vector<128x1536xf32>
    %swap3A = arith.constant 0 : index
    %swap3A_3 = arith.constant 0 : index
    %swap3A_4 = vector.load %arg6[%swap3A, %swap3A_3] : memref<128x1536xf32, #tpu.memory_space<vmem>>, vector<128x1536xf32>
    tpu.vector_store %arg6[%swap3A, %swap3A_3], %broadcast_in_dim3A_2 {strides = array<i32>} : memref<128x1536xf32, #tpu.memory_space<vmem>>, vector<128x1536xf32>,
    %broadcast_in_dim3A_5 = arith.constant 0.000000e+00 : f32
    %broadcast_in_dim3A_6 = vector.broadcast %broadcast_in_dim3A_5 : f32 to vector<128x128xf32>
    %swap3A_7 = arith.constant 0 : index
    %swap3A_8 = arith.constant 0 : index
    %swap3A_9 = vector.load %arg8[%swap3A_7, %swap3A_8] : memref<128x128xf32, #tpu.memory_space<vmem>>, vector<128x128xf32>
    tpu.vector_store %arg8[%swap3A_7, %swap3A_8], %broadcast_in_dim3A_6 {strides = array<i32>} : memref<128x128xf32, #tpu.memory_space<vmem>>, vector<128x128xf32>,
    %get3A = arith.index_cast %arg0 : i32 to index
    %get3A_10 = memref.load %arg1[%get3A] : memref<2xi32, #tpu.memory_space<smem>>
    %add3A = arith.constant 1 : i32
    %add3A_11 = arith.addi %arg0, %add3A : i32
    %get3A_12 = arith.index_cast %add3A_11 : i32 to index
    %get3A_13 = memref.load %arg1[%get3A_12] : memref<2xi32, #tpu.memory_space<smem>>
    %while3A = arith.constant 0 : i32
    %while3A_14 = arith.subi %get3A_13, %get3A_10 : i32
    %while3A_15 = arith.addi %get3A_10, %while3A_14 : i32
    %while3A_16 = arith.constant 1 : i32
    %while3A_17 = arith.divsi %while3A_14, %while3A_16 : i32
    %while3A_18 = arith.muli %while3A_17, %while3A_16 : i32
    %while3A_19 = arith.addi %get3A_10, %while3A_18 : i32
    %while3A_20 = arith.constant 1 : i32
    scf.for %while3A_49 = %get3A_10 to %while3A_19 step %while3A_20  : i32 {
      %get3A_50 = arith.index_cast %while3A_49 : i32 to index
      %get3A_51 = memref.load %arg2[%get3A_50] : memref<8000xi32, #tpu.memory_space<smem>>
      %jit3A = arith.constant 128 : i32
      %div3A_52 = arith.divsi %get3A_51, %jit3A : i32
      %sign3A = arith.constant 0 : i32
      %sign3A_53 = arith.cmpi sgt, %get3A_51, %sign3A : i32
      %sign3A_54 = arith.extui %sign3A_53 : i1 to i32
      %sign3A_55 = arith.constant 0 : i32
      %sign3A_56 = arith.cmpi slt, %get3A_51, %sign3A_55 : i32
      %sign3A_57 = arith.extui %sign3A_56 : i1 to i32
      %sign3A_58 = arith.subi %sign3A_54, %sign3A_57 : i32
      %sign3A_59 = arith.constant 0 : i32
      %sign3A_60 = arith.cmpi sgt, %jit3A, %sign3A_59 : i32
      %sign3A_61 = arith.extui %sign3A_60 : i1 to i32
      %sign3A_62 = arith.constant 0 : i32
      %sign3A_63 = arith.cmpi slt, %jit3A, %sign3A_62 : i32
      %sign3A_64 = arith.extui %sign3A_63 : i1 to i32
      %sign3A_65 = arith.subi %sign3A_61, %sign3A_64 : i32
      %ne3A = arith.cmpi ne, %sign3A_58, %sign3A_65 : i32
      %rem3A = arith.remsi %get3A_51, %jit3A : i32
      %ne3A_66 = arith.constant 0 : i32
      %ne3A_67 = arith.cmpi ne, %rem3A, %ne3A_66 : i32
      %and3A = arith.andi %ne3A, %ne3A_67 : i1
      %sub3A = arith.constant 1 : i32
      %sub3A_68 = arith.subi %div3A_52, %sub3A : i32
      %select_n3A = arith.select %and3A, %sub3A_68, %div3A_52 : i32
      %mul3A = arith.constant 128 : i32
      %mul3A_69 = arith.muli %select_n3A, %mul3A : i32
      %sub3A_70 = arith.subi %get3A_51, %mul3A_69 : i32
      %get3A_71 = arith.index_cast %select_n3A : i32 to index
      %get3A_72 = arith.constant 0 : index
      %get3A_73 = vector.load %arg3[%get3A_71, %get3A_72] : memref<10000x128xf32, #tpu.memory_space<vmem>>, vector<1x2xf32>
      %get3A_74 = arith.index_cast %sub3A_70 : i32 to index
      %get3A_75 = arith.constant 0 : index
      %get3A_76 = vector.load %arg4[%get3A_74, %get3A_75] : memref<128x128xf32, #tpu.memory_space<vmem>>, vector<1x2xf32>
      %add3A_77 = arith.addf %get3A_73, %get3A_76 : vector<1x2xf32>
      %gt3A = arith.constant 0.000000e+00 : f32
      %gt3A_78 = vector.broadcast %gt3A : f32 to vector<1x2xf32>
      %gt3A_79 = arith.cmpf ogt, %add3A_77, %gt3A_78 : vector<1x2xf32>
      %mul3A_80 = arith.constant 2.000000e-01 : f32
      %mul3A_81 = vector.broadcast %mul3A_80 : f32 to vector<1x2xf32>
      %mul3A_82 = arith.mulf %mul3A_81, %add3A_77 : vector<1x2xf32>
      %select_n3A_83 = arith.select %gt3A_79, %add3A_77, %mul3A_82 : vector<1x2xi1>, vector<1x2xf32>
      %exp3A = math.exp %select_n3A_83 : vector<1x2xf32>
      %get3A_84 = arith.index_cast %select_n3A : i32 to index
      %get3A_85 = arith.constant 0 : index
      %get3A_86 = vector.load %arg7[%get3A_84, %get3A_85] : memref<10000x768xf32, #tpu.memory_space<vmem>>, vector<1x768xf32>
      %slice3A = vector.extract_strided_slice %exp3A {offsets = [0, 0], sizes = [1, 1], strides = [1, 1]} : vector<1x2xf32> to vector<1x1xf32>
      %mul3A_87 = vector.broadcast %slice3A : vector<1x1xf32> to vector<1x768xf32>
      %mul3A_88 = arith.mulf %mul3A_87, %get3A_86 : vector<1x768xf32>
      %slice3A_89 = vector.extract_strided_slice %exp3A {offsets = [0, 1], sizes = [1, 1], strides = [1, 1]} : vector<1x2xf32> to vector<1x1xf32>
      %mul3A_90 = vector.broadcast %slice3A_89 : vector<1x1xf32> to vector<1x768xf32>
      %mul3A_91 = arith.mulf %mul3A_90, %get3A_86 : vector<1x768xf32>
      %concatenate3A = tpu.concatenate %mul3A_88, %mul3A_91 in 1 : vector<1x768xf32>, vector<1x768xf32> -> vector<1x1536xf32>
      %get3A_92 = arith.index_cast %sub3A_70 : i32 to index
      %get3A_93 = arith.constant 0 : index
      %get3A_94 = vector.load %arg6[%get3A_92, %get3A_93] : memref<128x1536xf32, #tpu.memory_space<vmem>>, vector<1x1536xf32>
      %add3A_95 = arith.addf %get3A_94, %concatenate3A : vector<1x1536xf32>
      %swap3A_96 = arith.index_cast %sub3A_70 : i32 to index
      %swap3A_97 = arith.constant 0 : index
      %swap3A_98 = vector.load %arg6[%swap3A_96, %swap3A_97] : memref<128x1536xf32, #tpu.memory_space<vmem>>, vector<1x1536xf32>
      tpu.vector_store %arg6[%swap3A_96, %swap3A_97], %add3A_95 {strides = array<i32>} : memref<128x1536xf32, #tpu.memory_space<vmem>>, vector<1x1536xf32>,
      %get3A_99 = arith.index_cast %sub3A_70 : i32 to index
      %get3A_100 = arith.constant 0 : index
      %get3A_101 = vector.load %arg8[%get3A_99, %get3A_100] : memref<128x128xf32, #tpu.memory_space<vmem>>, vector<1x2xf32>
      %add3A_102 = arith.addf %get3A_101, %exp3A : vector<1x2xf32>
      %swap3A_103 = arith.index_cast %sub3A_70 : i32 to index
      %swap3A_104 = arith.constant 0 : index
      %swap3A_105 = vector.load %arg8[%swap3A_103, %swap3A_104] : memref<128x128xf32, #tpu.memory_space<vmem>>, vector<1x2xf32>
      tpu.vector_store %arg8[%swap3A_103, %swap3A_104], %add3A_102 {strides = array<i32>} : memref<128x128xf32, #tpu.memory_space<vmem>>, vector<1x2xf32>,
    }
    %while3A_21 = arith.constant 1 : i32
    scf.for %while3A_49 = %while3A_19 to %while3A_15 step %while3A_21  : i32 {
      %get3A_50 = arith.index_cast %while3A_49 : i32 to index
      %get3A_51 = memref.load %arg2[%get3A_50] : memref<8000xi32, #tpu.memory_space<smem>>
      %jit3A = arith.constant 128 : i32
      %div3A_52 = arith.divsi %get3A_51, %jit3A : i32
      %sign3A = arith.constant 0 : i32
      %sign3A_53 = arith.cmpi sgt, %get3A_51, %sign3A : i32
      %sign3A_54 = arith.extui %sign3A_53 : i1 to i32
      %sign3A_55 = arith.constant 0 : i32
      %sign3A_56 = arith.cmpi slt, %get3A_51, %sign3A_55 : i32
      %sign3A_57 = arith.extui %sign3A_56 : i1 to i32
      %sign3A_58 = arith.subi %sign3A_54, %sign3A_57 : i32
      %sign3A_59 = arith.constant 0 : i32
      %sign3A_60 = arith.cmpi sgt, %jit3A, %sign3A_59 : i32
      %sign3A_61 = arith.extui %sign3A_60 : i1 to i32
      %sign3A_62 = arith.constant 0 : i32
      %sign3A_63 = arith.cmpi slt, %jit3A, %sign3A_62 : i32
      %sign3A_64 = arith.extui %sign3A_63 : i1 to i32
      %sign3A_65 = arith.subi %sign3A_61, %sign3A_64 : i32
      %ne3A = arith.cmpi ne, %sign3A_58, %sign3A_65 : i32
      %rem3A = arith.remsi %get3A_51, %jit3A : i32
      %ne3A_66 = arith.constant 0 : i32
      %ne3A_67 = arith.cmpi ne, %rem3A, %ne3A_66 : i32
      %and3A = arith.andi %ne3A, %ne3A_67 : i1
      %sub3A = arith.constant 1 : i32
      %sub3A_68 = arith.subi %div3A_52, %sub3A : i32
      %select_n3A = arith.select %and3A, %sub3A_68, %div3A_52 : i32
      %mul3A = arith.constant 128 : i32
      %mul3A_69 = arith.muli %select_n3A, %mul3A : i32
      %sub3A_70 = arith.subi %get3A_51, %mul3A_69 : i32
      %get3A_71 = arith.index_cast %select_n3A : i32 to index
      %get3A_72 = arith.constant 0 : index
      %get3A_73 = vector.load %arg3[%get3A_71, %get3A_72] : memref<10000x128xf32, #tpu.memory_space<vmem>>, vector<1x2xf32>
      %get3A_74 = arith.index_cast %sub3A_70 : i32 to index
      %get3A_75 = arith.constant 0 : index
      %get3A_76 = vector.load %arg4[%get3A_74, %get3A_75] : memref<128x128xf32, #tpu.memory_space<vmem>>, vector<1x2xf32>
      %add3A_77 = arith.addf %get3A_73, %get3A_76 : vector<1x2xf32>
      %gt3A = arith.constant 0.000000e+00 : f32
      %gt3A_78 = vector.broadcast %gt3A : f32 to vector<1x2xf32>
      %gt3A_79 = arith.cmpf ogt, %add3A_77, %gt3A_78 : vector<1x2xf32>
      %mul3A_80 = arith.constant 2.000000e-01 : f32
      %mul3A_81 = vector.broadcast %mul3A_80 : f32 to vector<1x2xf32>
      %mul3A_82 = arith.mulf %mul3A_81, %add3A_77 : vector<1x2xf32>
      %select_n3A_83 = arith.select %gt3A_79, %add3A_77, %mul3A_82 : vector<1x2xi1>, vector<1x2xf32>
      %exp3A = math.exp %select_n3A_83 : vector<1x2xf32>
      %get3A_84 = arith.index_cast %select_n3A : i32 to index
      %get3A_85 = arith.constant 0 : index
      %get3A_86 = vector.load %arg7[%get3A_84, %get3A_85] : memref<10000x768xf32, #tpu.memory_space<vmem>>, vector<1x768xf32>
      %slice3A = vector.extract_strided_slice %exp3A {offsets = [0, 0], sizes = [1, 1], strides = [1, 1]} : vector<1x2xf32> to vector<1x1xf32>
      %mul3A_87 = vector.broadcast %slice3A : vector<1x1xf32> to vector<1x768xf32>
      %mul3A_88 = arith.mulf %mul3A_87, %get3A_86 : vector<1x768xf32>
      %slice3A_89 = vector.extract_strided_slice %exp3A {offsets = [0, 1], sizes = [1, 1], strides = [1, 1]} : vector<1x2xf32> to vector<1x1xf32>
      %mul3A_90 = vector.broadcast %slice3A_89 : vector<1x1xf32> to vector<1x768xf32>
      %mul3A_91 = arith.mulf %mul3A_90, %get3A_86 : vector<1x768xf32>
      %concatenate3A = tpu.concatenate %mul3A_88, %mul3A_91 in 1 : vector<1x768xf32>, vector<1x768xf32> -> vector<1x1536xf32>
      %get3A_92 = arith.index_cast %sub3A_70 : i32 to index
      %get3A_93 = arith.constant 0 : index
      %get3A_94 = vector.load %arg6[%get3A_92, %get3A_93] : memref<128x1536xf32, #tpu.memory_space<vmem>>, vector<1x1536xf32>
      %add3A_95 = arith.addf %get3A_94, %concatenate3A : vector<1x1536xf32>
      %swap3A_96 = arith.index_cast %sub3A_70 : i32 to index
      %swap3A_97 = arith.constant 0 : index
      %swap3A_98 = vector.load %arg6[%swap3A_96, %swap3A_97] : memref<128x1536xf32, #tpu.memory_space<vmem>>, vector<1x1536xf32>
      tpu.vector_store %arg6[%swap3A_96, %swap3A_97], %add3A_95 {strides = array<i32>} : memref<128x1536xf32, #tpu.memory_space<vmem>>, vector<1x1536xf32>,
      %get3A_99 = arith.index_cast %sub3A_70 : i32 to index
      %get3A_100 = arith.constant 0 : index
      %get3A_101 = vector.load %arg8[%get3A_99, %get3A_100] : memref<128x128xf32, #tpu.memory_space<vmem>>, vector<1x2xf32>
      %add3A_102 = arith.addf %get3A_101, %exp3A : vector<1x2xf32>
      %swap3A_103 = arith.index_cast %sub3A_70 : i32 to index
      %swap3A_104 = arith.constant 0 : index
      %swap3A_105 = vector.load %arg8[%swap3A_103, %swap3A_104] : memref<128x128xf32, #tpu.memory_space<vmem>>, vector<1x2xf32>
      tpu.vector_store %arg8[%swap3A_103, %swap3A_104], %add3A_102 {strides = array<i32>} : memref<128x128xf32, #tpu.memory_space<vmem>>, vector<1x2xf32>,
    }
    %get3A_22 = arith.constant 0 : index
    %get3A_23 = arith.constant 0 : index
    %get3A_24 = vector.load %arg8[%get3A_22, %get3A_23] : memref<128x128xf32, #tpu.memory_space<vmem>>, vector<128x1xf32>
    %get3A_25 = arith.constant 0 : index
    %get3A_26 = arith.constant 1 : index
    %get3A_27 = vector.load %arg8[%get3A_25, %get3A_26] : memref<128x128xf32, #tpu.memory_space<vmem>>, vector<128x1xf32>
    %get3A_28 = arith.constant 0 : index
    %get3A_29 = arith.constant 0 : index
    %get3A_30 = vector.load %arg6[%get3A_28, %get3A_29] : memref<128x1536xf32, #tpu.memory_space<vmem>>, vector<128x768xf32>
    %add3A_31 = arith.constant 1.000000e-16 : f32
    %add3A_32 = vector.broadcast %add3A_31 : f32 to vector<128x1xf32>
    %add3A_33 = arith.addf %get3A_24, %add3A_32 : vector<128x1xf32>
    %div3A = vector.broadcast %add3A_33 : vector<128x1xf32> to vector<128x768xf32>
    %div3A_34 = arith.divf %get3A_30, %div3A : vector<128x768xf32>
    %swap3A_35 = arith.constant 0 : index
    %swap3A_36 = arith.constant 0 : index
    %swap3A_37 = vector.load %arg6[%swap3A_35, %swap3A_36] : memref<128x1536xf32, #tpu.memory_space<vmem>>, vector<128x768xf32>
    tpu.vector_store %arg6[%swap3A_35, %swap3A_36], %div3A_34 {strides = array<i32>} : memref<128x1536xf32, #tpu.memory_space<vmem>>, vector<128x768xf32>,
    %get3A_38 = arith.constant 0 : index
    %get3A_39 = arith.constant 768 : index
    %get3A_40 = vector.load %arg6[%get3A_38, %get3A_39] : memref<128x1536xf32, #tpu.memory_space<vmem>>, vector<128x768xf32>
    %add3A_41 = arith.constant 1.000000e-16 : f32
    %add3A_42 = vector.broadcast %add3A_41 : f32 to vector<128x1xf32>
    %add3A_43 = arith.addf %get3A_27, %add3A_42 : vector<128x1xf32>
    %div3A_44 = vector.broadcast %add3A_43 : vector<128x1xf32> to vector<128x768xf32>
    %div3A_45 = arith.divf %get3A_40, %div3A_44 : vector<128x768xf32>
    %swap3A_46 = arith.constant 0 : index
    %swap3A_47 = arith.constant 768 : index
    %swap3A_48 = vector.load %arg6[%swap3A_46, %swap3A_47] : memref<128x1536xf32, #tpu.memory_space<vmem>>, vector<128x768xf32>
    tpu.vector_store %arg6[%swap3A_46, %swap3A_47], %div3A_45 {strides = array<i32>} : memref<128x1536xf32, #tpu.memory_space<vmem>>, vector<128x768xf32>,
    return
  }
  func.func @transform_0(%arg0: i32, %arg1: memref<2xi32, #tpu.memory_space<smem>>, %arg2: memref<8000xi32, #tpu.memory_space<smem>>) -> (i32, i32) {
    %c0_i32 = arith.constant 0 : i32
    %c0_i32_0 = arith.constant 0 : i32
    %c0_i32_1 = arith.constant 0 : i32
    return %c0_i32, %c0_i32_0 : i32, i32
  }
  func.func @transform_1(%arg0: i32, %arg1: memref<2xi32, #tpu.memory_space<smem>>, %arg2: memref<8000xi32, #tpu.memory_space<smem>>) -> (i32, i32) {
    %c0_i32 = arith.constant 0 : i32
    %c0_i32_0 = arith.constant 0 : i32
    return %arg0, %c0_i32 : i32, i32
  }
  func.func @transform_3(%arg0: i32, %arg1: memref<2xi32, #tpu.memory_space<smem>>, %arg2: memref<8000xi32, #tpu.memory_space<smem>>) -> (i32, i32) {
    %c0_i32 = arith.constant 0 : i32
    %c0_i32_0 = arith.constant 0 : i32
    return %arg0, %c0_i32 : i32, i32
  }
}

module attributes {stable_mosaic.version = 14 : i64} {
  func.func @_mm_body(%arg0: i32, %arg1: memref<256x1536xf32, #tpu.memory_space<vmem>>, %arg2: memref<1536x1536xf32, #tpu.memory_space<vmem>>, %arg3: memref<8x1536xf32, #tpu.memory_space<vmem>>, %arg4: memref<256x1536xf32, #tpu.memory_space<vmem>>) attributes {dimension_semantics = [#tpu.dimension_semantics<arbitrary>], iteration_bounds = array<i64: 1>, scalar_prefetch = 0 : i64, scratch_operands = 0 : i64, tpu.core_type = #tpu.core_type<tc>, window_params = [{transform_indices = @transform_0, window_bounds = array<i64: 256, 1536>}, {pipeline_mode = #tpu.pipeline_mode<synchronous>, transform_indices = @transform_1, window_bounds = array<i64: 1536, 1536>}, {pipeline_mode = #tpu.pipeline_mode<synchronous>, transform_indices = @transform_2, window_bounds = array<i64: 8, 1536>}, {transform_indices = @transform_3, window_bounds = array<i64: 256, 1536>}]} {
    %get3A = arith.constant 0 : index
    %get3A_0 = arith.constant 0 : index
    %get3A_1 = vector.load %arg1[%get3A, %get3A_0] : memref<256x1536xf32, #tpu.memory_space<vmem>>, vector<256x1536xf32>
    %get3A_2 = arith.constant 0 : index
    %get3A_3 = arith.constant 0 : index
    %get3A_4 = vector.load %arg2[%get3A_2, %get3A_3] : memref<1536x1536xf32, #tpu.memory_space<vmem>>, vector<1536x1536xf32>
    %dot_general3A = arith.constant dense<0.000000e+00> : vector<256x1536xf32>
    %dot_general3A_5 = tpu.matmul %get3A_1, %get3A_4, %dot_general3A {dimension_numbers = #tpu.dot_dimension_numbers<[1], [0], [0], [1], [0, 0, 1, 1], [], []>, transpose_lhs_hint = false} : vector<256x1536xf32>, vector<1536x1536xf32>, vector<256x1536xf32> -> vector<256x1536xf32>
    %get3A_6 = arith.constant 0 : index
    %get3A_7 = arith.constant 0 : index
    %get3A_8 = vector.load %arg3[%get3A_6, %get3A_7] : memref<8x1536xf32, #tpu.memory_space<vmem>>, vector<1x1536xf32>
    %add3A = vector.broadcast %get3A_8 : vector<1x1536xf32> to vector<256x1536xf32>
    %add3A_9 = arith.addf %dot_general3A_5, %add3A : vector<256x1536xf32>
    %max3A = arith.constant 0.000000e+00 : f32
    %max3A_10 = vector.broadcast %max3A : f32 to vector<256x1536xf32>
    %max3A_11 = arith.maximumf %add3A_9, %max3A_10 : vector<256x1536xf32>
    %swap3A = arith.constant 0 : index
    %swap3A_12 = arith.constant 0 : index
    %swap3A_13 = vector.load %arg4[%swap3A, %swap3A_12] : memref<256x1536xf32, #tpu.memory_space<vmem>>, vector<256x1536xf32>
    tpu.vector_store %arg4[%swap3A, %swap3A_12], %max3A_11 {strides = array<i32>} : memref<256x1536xf32, #tpu.memory_space<vmem>>, vector<256x1536xf32>,
    return
  }
  func.func @transform_0(%arg0: i32) -> (i32, i32) {
    %c0_i32 = arith.constant 0 : i32
    %c0_i32_0 = arith.constant 0 : i32
    return %arg0, %c0_i32 : i32, i32
  }
  func.func @transform_1(%arg0: i32) -> (i32, i32) {
    %c0_i32 = arith.constant 0 : i32
    %c0_i32_0 = arith.constant 0 : i32
    %c0_i32_1 = arith.constant 0 : i32
    return %c0_i32, %c0_i32_0 : i32, i32
  }
  func.func @transform_2(%arg0: i32) -> (i32, i32) {
    %c0_i32 = arith.constant 0 : i32
    %c0_i32_0 = arith.constant 0 : i32
    %c0_i32_1 = arith.constant 0 : i32
    return %c0_i32, %c0_i32_0 : i32, i32
  }
  func.func @transform_3(%arg0: i32) -> (i32, i32) {
    %c0_i32 = arith.constant 0 : i32
    %c0_i32_0 = arith.constant 0 : i32
    return %arg0, %c0_i32 : i32, i32
  }
}

module attributes {stable_mosaic.version = 14 : i64} {
  func.func @_mm_body(%arg0: i32, %arg1: memref<256x1536xf32, #tpu.memory_space<vmem>>, %arg2: memref<1536x768xf32, #tpu.memory_space<vmem>>, %arg3: memref<8x768xf32, #tpu.memory_space<vmem>>, %arg4: memref<256x768xf32, #tpu.memory_space<vmem>>) attributes {dimension_semantics = [#tpu.dimension_semantics<arbitrary>], iteration_bounds = array<i64: 1>, scalar_prefetch = 0 : i64, scratch_operands = 0 : i64, tpu.core_type = #tpu.core_type<tc>, window_params = [{transform_indices = @transform_0, window_bounds = array<i64: 256, 1536>}, {pipeline_mode = #tpu.pipeline_mode<synchronous>, transform_indices = @transform_1, window_bounds = array<i64: 1536, 768>}, {pipeline_mode = #tpu.pipeline_mode<synchronous>, transform_indices = @transform_2, window_bounds = array<i64: 8, 768>}, {transform_indices = @transform_3, window_bounds = array<i64: 256, 768>}]} {
    %get3A = arith.constant 0 : index
    %get3A_0 = arith.constant 0 : index
    %get3A_1 = vector.load %arg1[%get3A, %get3A_0] : memref<256x1536xf32, #tpu.memory_space<vmem>>, vector<256x1536xf32>
    %get3A_2 = arith.constant 0 : index
    %get3A_3 = arith.constant 0 : index
    %get3A_4 = vector.load %arg2[%get3A_2, %get3A_3] : memref<1536x768xf32, #tpu.memory_space<vmem>>, vector<1536x768xf32>
    %dot_general3A = arith.constant dense<0.000000e+00> : vector<256x768xf32>
    %dot_general3A_5 = tpu.matmul %get3A_1, %get3A_4, %dot_general3A {dimension_numbers = #tpu.dot_dimension_numbers<[1], [0], [0], [1], [0, 0, 1, 1], [], []>, transpose_lhs_hint = false} : vector<256x1536xf32>, vector<1536x768xf32>, vector<256x768xf32> -> vector<256x768xf32>
    %get3A_6 = arith.constant 0 : index
    %get3A_7 = arith.constant 0 : index
    %get3A_8 = vector.load %arg3[%get3A_6, %get3A_7] : memref<8x768xf32, #tpu.memory_space<vmem>>, vector<1x768xf32>
    %add3A = vector.broadcast %get3A_8 : vector<1x768xf32> to vector<256x768xf32>
    %add3A_9 = arith.addf %dot_general3A_5, %add3A : vector<256x768xf32>
    %max3A = arith.constant 0.000000e+00 : f32
    %max3A_10 = vector.broadcast %max3A : f32 to vector<256x768xf32>
    %max3A_11 = arith.maximumf %add3A_9, %max3A_10 : vector<256x768xf32>
    %swap3A = arith.constant 0 : index
    %swap3A_12 = arith.constant 0 : index
    %swap3A_13 = vector.load %arg4[%swap3A, %swap3A_12] : memref<256x768xf32, #tpu.memory_space<vmem>>, vector<256x768xf32>
    tpu.vector_store %arg4[%swap3A, %swap3A_12], %max3A_11 {strides = array<i32>} : memref<256x768xf32, #tpu.memory_space<vmem>>, vector<256x768xf32>,
    return
  }
  func.func @transform_0(%arg0: i32) -> (i32, i32) {
    %c0_i32 = arith.constant 0 : i32
    %c0_i32_0 = arith.constant 0 : i32
    return %arg0, %c0_i32 : i32, i32
  }
  func.func @transform_1(%arg0: i32) -> (i32, i32) {
    %c0_i32 = arith.constant 0 : i32
    %c0_i32_0 = arith.constant 0 : i32
    %c0_i32_1 = arith.constant 0 : i32
    return %c0_i32, %c0_i32_0 : i32, i32
  }
  func.func @transform_2(%arg0: i32) -> (i32, i32) {
    %c0_i32 = arith.constant 0 : i32
    %c0_i32_0 = arith.constant 0 : i32
    %c0_i32_1 = arith.constant 0 : i32
    return %c0_i32, %c0_i32_0 : i32, i32
  }
  func.func @transform_3(%arg0: i32) -> (i32, i32) {
    %c0_i32 = arith.constant 0 : i32
    %c0_i32_0 = arith.constant 0 : i32
    return %arg0, %c0_i32 : i32, i32
  }
}

module attributes {stable_mosaic.version = 14 : i64} {
  func.func @_mm_body(%arg0: i32, %arg1: memref<256x768xf32, #tpu.memory_space<vmem>>, %arg2: memref<768x768xf32, #tpu.memory_space<vmem>>, %arg3: memref<8x768xf32, #tpu.memory_space<vmem>>, %arg4: memref<256x768xf32, #tpu.memory_space<vmem>>) attributes {dimension_semantics = [#tpu.dimension_semantics<arbitrary>], iteration_bounds = array<i64: 1>, scalar_prefetch = 0 : i64, scratch_operands = 0 : i64, tpu.core_type = #tpu.core_type<tc>, window_params = [{transform_indices = @transform_0, window_bounds = array<i64: 256, 768>}, {pipeline_mode = #tpu.pipeline_mode<synchronous>, transform_indices = @transform_1, window_bounds = array<i64: 768, 768>}, {pipeline_mode = #tpu.pipeline_mode<synchronous>, transform_indices = @transform_2, window_bounds = array<i64: 8, 768>}, {transform_indices = @transform_3, window_bounds = array<i64: 256, 768>}]} {
    %get3A = arith.constant 0 : index
    %get3A_0 = arith.constant 0 : index
    %get3A_1 = vector.load %arg1[%get3A, %get3A_0] : memref<256x768xf32, #tpu.memory_space<vmem>>, vector<256x768xf32>
    %get3A_2 = arith.constant 0 : index
    %get3A_3 = arith.constant 0 : index
    %get3A_4 = vector.load %arg2[%get3A_2, %get3A_3] : memref<768x768xf32, #tpu.memory_space<vmem>>, vector<768x768xf32>
    %dot_general3A = arith.constant dense<0.000000e+00> : vector<256x768xf32>
    %dot_general3A_5 = tpu.matmul %get3A_1, %get3A_4, %dot_general3A {dimension_numbers = #tpu.dot_dimension_numbers<[1], [0], [0], [1], [0, 0, 1, 1], [], []>, transpose_lhs_hint = false} : vector<256x768xf32>, vector<768x768xf32>, vector<256x768xf32> -> vector<256x768xf32>
    %get3A_6 = arith.constant 0 : index
    %get3A_7 = arith.constant 0 : index
    %get3A_8 = vector.load %arg3[%get3A_6, %get3A_7] : memref<8x768xf32, #tpu.memory_space<vmem>>, vector<1x768xf32>
    %add3A = vector.broadcast %get3A_8 : vector<1x768xf32> to vector<256x768xf32>
    %add3A_9 = arith.addf %dot_general3A_5, %add3A : vector<256x768xf32>
    %swap3A = arith.constant 0 : index
    %swap3A_10 = arith.constant 0 : index
    %swap3A_11 = vector.load %arg4[%swap3A, %swap3A_10] : memref<256x768xf32, #tpu.memory_space<vmem>>, vector<256x768xf32>
    tpu.vector_store %arg4[%swap3A, %swap3A_10], %add3A_9 {strides = array<i32>} : memref<256x768xf32, #tpu.memory_space<vmem>>, vector<256x768xf32>,
    return
  }
  func.func @transform_0(%arg0: i32) -> (i32, i32) {
    %c0_i32 = arith.constant 0 : i32
    %c0_i32_0 = arith.constant 0 : i32
    return %arg0, %c0_i32 : i32, i32
  }
  func.func @transform_1(%arg0: i32) -> (i32, i32) {
    %c0_i32 = arith.constant 0 : i32
    %c0_i32_0 = arith.constant 0 : i32
    %c0_i32_1 = arith.constant 0 : i32
    return %c0_i32, %c0_i32_0 : i32, i32
  }
  func.func @transform_2(%arg0: i32) -> (i32, i32) {
    %c0_i32 = arith.constant 0 : i32
    %c0_i32_0 = arith.constant 0 : i32
    %c0_i32_1 = arith.constant 0 : i32
    return %c0_i32, %c0_i32_0 : i32, i32
  }
  func.func @transform_3(%arg0: i32) -> (i32, i32) {
    %c0_i32 = arith.constant 0 : i32
    %c0_i32_0 = arith.constant 0 : i32
    return %arg0, %c0_i32 : i32, i32
  }
}

module attributes {stable_mosaic.version = 14 : i64} {
  func.func @_mm2_body(%arg0: i32, %arg1: memref<256x768xf32, #tpu.memory_space<vmem>>, %arg2: memref<768x768xf32, #tpu.memory_space<vmem>>, %arg3: memref<256x768xf32, #tpu.memory_space<vmem>>, %arg4: memref<768x768xf32, #tpu.memory_space<vmem>>, %arg5: memref<8x768xf32, #tpu.memory_space<vmem>>, %arg6: memref<256x768xf32, #tpu.memory_space<vmem>>) attributes {dimension_semantics = [#tpu.dimension_semantics<arbitrary>], iteration_bounds = array<i64: 1>, scalar_prefetch = 0 : i64, scratch_operands = 0 : i64, tpu.core_type = #tpu.core_type<tc>, window_params = [{transform_indices = @transform_0, window_bounds = array<i64: 256, 768>}, {pipeline_mode = #tpu.pipeline_mode<synchronous>, transform_indices = @transform_1, window_bounds = array<i64: 768, 768>}, {transform_indices = @transform_2, window_bounds = array<i64: 256, 768>}, {pipeline_mode = #tpu.pipeline_mode<synchronous>, transform_indices = @transform_3, window_bounds = array<i64: 768, 768>}, {pipeline_mode = #tpu.pipeline_mode<synchronous>, transform_indices = @transform_4, window_bounds = array<i64: 8, 768>}, {transform_indices = @transform_5, window_bounds = array<i64: 256, 768>}]} {
    %get3A = arith.constant 0 : index
    %get3A_0 = arith.constant 0 : index
    %get3A_1 = vector.load %arg1[%get3A, %get3A_0] : memref<256x768xf32, #tpu.memory_space<vmem>>, vector<256x768xf32>
    %get3A_2 = arith.constant 0 : index
    %get3A_3 = arith.constant 0 : index
    %get3A_4 = vector.load %arg2[%get3A_2, %get3A_3] : memref<768x768xf32, #tpu.memory_space<vmem>>, vector<768x768xf32>
    %dot_general3A = arith.constant dense<0.000000e+00> : vector<256x768xf32>
    %dot_general3A_5 = tpu.matmul %get3A_1, %get3A_4, %dot_general3A {dimension_numbers = #tpu.dot_dimension_numbers<[1], [0], [0], [1], [0, 0, 1, 1], [], []>, transpose_lhs_hint = false} : vector<256x768xf32>, vector<768x768xf32>, vector<256x768xf32> -> vector<256x768xf32>
    %get3A_6 = arith.constant 0 : index
    %get3A_7 = arith.constant 0 : index
    %get3A_8 = vector.load %arg3[%get3A_6, %get3A_7] : memref<256x768xf32, #tpu.memory_space<vmem>>, vector<256x768xf32>
    %get3A_9 = arith.constant 0 : index
    %get3A_10 = arith.constant 0 : index
    %get3A_11 = vector.load %arg4[%get3A_9, %get3A_10] : memref<768x768xf32, #tpu.memory_space<vmem>>, vector<768x768xf32>
    %dot_general3A_12 = arith.constant dense<0.000000e+00> : vector<256x768xf32>
    %dot_general3A_13 = tpu.matmul %get3A_8, %get3A_11, %dot_general3A_12 {dimension_numbers = #tpu.dot_dimension_numbers<[1], [0], [0], [1], [0, 0, 1, 1], [], []>, transpose_lhs_hint = false} : vector<256x768xf32>, vector<768x768xf32>, vector<256x768xf32> -> vector<256x768xf32>
    %add3A = arith.addf %dot_general3A_5, %dot_general3A_13 : vector<256x768xf32>
    %get3A_14 = arith.constant 0 : index
    %get3A_15 = arith.constant 0 : index
    %get3A_16 = vector.load %arg5[%get3A_14, %get3A_15] : memref<8x768xf32, #tpu.memory_space<vmem>>, vector<1x768xf32>
    %add3A_17 = vector.broadcast %get3A_16 : vector<1x768xf32> to vector<256x768xf32>
    %add3A_18 = arith.addf %add3A, %add3A_17 : vector<256x768xf32>
    %max3A = arith.constant 0.000000e+00 : f32
    %max3A_19 = vector.broadcast %max3A : f32 to vector<256x768xf32>
    %max3A_20 = arith.maximumf %add3A_18, %max3A_19 : vector<256x768xf32>
    %swap3A = arith.constant 0 : index
    %swap3A_21 = arith.constant 0 : index
    %swap3A_22 = vector.load %arg6[%swap3A, %swap3A_21] : memref<256x768xf32, #tpu.memory_space<vmem>>, vector<256x768xf32>
    tpu.vector_store %arg6[%swap3A, %swap3A_21], %max3A_20 {strides = array<i32>} : memref<256x768xf32, #tpu.memory_space<vmem>>, vector<256x768xf32>,
    return
  }
  func.func @transform_0(%arg0: i32) -> (i32, i32) {
    %c0_i32 = arith.constant 0 : i32
    %c0_i32_0 = arith.constant 0 : i32
    return %arg0, %c0_i32 : i32, i32
  }
  func.func @transform_1(%arg0: i32) -> (i32, i32) {
    %c0_i32 = arith.constant 0 : i32
    %c0_i32_0 = arith.constant 0 : i32
    %c0_i32_1 = arith.constant 0 : i32
    return %c0_i32, %c0_i32_0 : i32, i32
  }
  func.func @transform_2(%arg0: i32) -> (i32, i32) {
    %c0_i32 = arith.constant 0 : i32
    %c0_i32_0 = arith.constant 0 : i32
    return %arg0, %c0_i32 : i32, i32
  }
  func.func @transform_3(%arg0: i32) -> (i32, i32) {
    %c0_i32 = arith.constant 0 : i32
    %c0_i32_0 = arith.constant 0 : i32
    %c0_i32_1 = arith.constant 0 : i32
    return %c0_i32, %c0_i32_0 : i32, i32
  }
  func.func @transform_4(%arg0: i32) -> (i32, i32) {
    %c0_i32 = arith.constant 0 : i32
    %c0_i32_0 = arith.constant 0 : i32
    %c0_i32_1 = arith.constant 0 : i32
    return %c0_i32, %c0_i32_0 : i32, i32
  }
  func.func @transform_5(%arg0: i32) -> (i32, i32) {
    %c0_i32 = arith.constant 0 : i32
    %c0_i32_0 = arith.constant 0 : i32
    return %arg0, %c0_i32 : i32, i32
  }
}

module attributes {stable_mosaic.version = 14 : i64} {
  func.func @_mlp_body(%arg0: i32, %arg1: memref<512x768xf32, #tpu.memory_space<vmem>>, %arg2: memref<8x768xf32, #tpu.memory_space<vmem>>, %arg3: memref<768x384xf32, #tpu.memory_space<vmem>>, %arg4: memref<8x384xf32, #tpu.memory_space<vmem>>, %arg5: memref<384x128xf32, #tpu.memory_space<vmem>>, %arg6: memref<8x128xf32, #tpu.memory_space<vmem>>, %arg7: memref<128x128xf32, #tpu.memory_space<vmem>>, %arg8: memref<8x128xf32, #tpu.memory_space<vmem>>, %arg9: memref<512x4xf32, #tpu.memory_space<vmem>>) attributes {dimension_semantics = [#tpu.dimension_semantics<arbitrary>], iteration_bounds = array<i64: 20>, scalar_prefetch = 0 : i64, scratch_operands = 0 : i64, tpu.core_type = #tpu.core_type<tc>, window_params = [{transform_indices = @transform_0, window_bounds = array<i64: 512, 768>}, {pipeline_mode = #tpu.pipeline_mode<synchronous>, transform_indices = @transform_1, window_bounds = array<i64: 8, 768>}, {pipeline_mode = #tpu.pipeline_mode<synchronous>, transform_indices = @transform_2, window_bounds = array<i64: 768, 384>}, {pipeline_mode = #tpu.pipeline_mode<synchronous>, transform_indices = @transform_3, window_bounds = array<i64: 8, 384>}, {pipeline_mode = #tpu.pipeline_mode<synchronous>, transform_indices = @transform_4, window_bounds = array<i64: 384, 128>}, {pipeline_mode = #tpu.pipeline_mode<synchronous>, transform_indices = @transform_5, window_bounds = array<i64: 8, 128>}, {pipeline_mode = #tpu.pipeline_mode<synchronous>, transform_indices = @transform_6, window_bounds = array<i64: 128, 128>}, {pipeline_mode = #tpu.pipeline_mode<synchronous>, transform_indices = @transform_7, window_bounds = array<i64: 8, 128>}, {transform_indices = @transform_8, window_bounds = array<i64: 512, 4>}]} {
    %get3A = arith.constant 0 : index
    %get3A_0 = arith.constant 0 : index
    %get3A_1 = vector.load %arg1[%get3A, %get3A_0] : memref<512x768xf32, #tpu.memory_space<vmem>>, vector<512x768xf32>
    %get3A_2 = arith.constant 0 : index
    %get3A_3 = arith.constant 0 : index
    %get3A_4 = vector.load %arg2[%get3A_2, %get3A_3] : memref<8x768xf32, #tpu.memory_space<vmem>>, vector<1x768xf32>
    %add3A = vector.broadcast %get3A_4 : vector<1x768xf32> to vector<512x768xf32>
    %add3A_5 = arith.addf %get3A_1, %add3A : vector<512x768xf32>
    %max3A = arith.constant 0.000000e+00 : f32
    %max3A_6 = vector.broadcast %max3A : f32 to vector<512x768xf32>
    %max3A_7 = arith.maximumf %add3A_5, %max3A_6 : vector<512x768xf32>
    %get3A_8 = arith.constant 0 : index
    %get3A_9 = arith.constant 0 : index
    %get3A_10 = vector.load %arg3[%get3A_8, %get3A_9] : memref<768x384xf32, #tpu.memory_space<vmem>>, vector<768x384xf32>
    %dot_general3A = arith.constant dense<0.000000e+00> : vector<512x384xf32>
    %dot_general3A_11 = tpu.matmul %max3A_7, %get3A_10, %dot_general3A {dimension_numbers = #tpu.dot_dimension_numbers<[1], [0], [0], [1], [0, 0, 1, 1], [], []>, transpose_lhs_hint = false} : vector<512x768xf32>, vector<768x384xf32>, vector<512x384xf32> -> vector<512x384xf32>
    %get3A_12 = arith.constant 0 : index
    %get3A_13 = arith.constant 0 : index
    %get3A_14 = vector.load %arg4[%get3A_12, %get3A_13] : memref<8x384xf32, #tpu.memory_space<vmem>>, vector<1x384xf32>
    %add3A_15 = vector.broadcast %get3A_14 : vector<1x384xf32> to vector<512x384xf32>
    %add3A_16 = arith.addf %dot_general3A_11, %add3A_15 : vector<512x384xf32>
    %max3A_17 = arith.constant 0.000000e+00 : f32
    %max3A_18 = vector.broadcast %max3A_17 : f32 to vector<512x384xf32>
    %max3A_19 = arith.maximumf %add3A_16, %max3A_18 : vector<512x384xf32>
    %get3A_20 = arith.constant 0 : index
    %get3A_21 = arith.constant 0 : index
    %get3A_22 = vector.load %arg5[%get3A_20, %get3A_21] : memref<384x128xf32, #tpu.memory_space<vmem>>, vector<384x128xf32>
    %dot_general3A_23 = arith.constant dense<0.000000e+00> : vector<512x128xf32>
    %dot_general3A_24 = tpu.matmul %max3A_19, %get3A_22, %dot_general3A_23 {dimension_numbers = #tpu.dot_dimension_numbers<[1], [0], [0], [1], [0, 0, 1, 1], [], []>, transpose_lhs_hint = false} : vector<512x384xf32>, vector<384x128xf32>, vector<512x128xf32> -> vector<512x128xf32>
    %get3A_25 = arith.constant 0 : index
    %get3A_26 = arith.constant 0 : index
    %get3A_27 = vector.load %arg6[%get3A_25, %get3A_26] : memref<8x128xf32, #tpu.memory_space<vmem>>, vector<1x128xf32>
    %add3A_28 = vector.broadcast %get3A_27 : vector<1x128xf32> to vector<512x128xf32>
    %add3A_29 = arith.addf %dot_general3A_24, %add3A_28 : vector<512x128xf32>
    %max3A_30 = arith.constant 0.000000e+00 : f32
    %max3A_31 = vector.broadcast %max3A_30 : f32 to vector<512x128xf32>
    %max3A_32 = arith.maximumf %add3A_29, %max3A_31 : vector<512x128xf32>
    %get3A_33 = arith.constant 0 : index
    %get3A_34 = arith.constant 0 : index
    %get3A_35 = vector.load %arg7[%get3A_33, %get3A_34] : memref<128x128xf32, #tpu.memory_space<vmem>>, vector<128x128xf32>
    %dot_general3A_36 = arith.constant dense<0.000000e+00> : vector<512x128xf32>
    %dot_general3A_37 = tpu.matmul %max3A_32, %get3A_35, %dot_general3A_36 {dimension_numbers = #tpu.dot_dimension_numbers<[1], [0], [0], [1], [0, 0, 1, 1], [], []>, transpose_lhs_hint = false} : vector<512x128xf32>, vector<128x128xf32>, vector<512x128xf32> -> vector<512x128xf32>
    %get3A_38 = arith.constant 0 : index
    %get3A_39 = arith.constant 0 : index
    %get3A_40 = vector.load %arg8[%get3A_38, %get3A_39] : memref<8x128xf32, #tpu.memory_space<vmem>>, vector<1x128xf32>
    %add3A_41 = vector.broadcast %get3A_40 : vector<1x128xf32> to vector<512x128xf32>
    %add3A_42 = arith.addf %dot_general3A_37, %add3A_41 : vector<512x128xf32>
    %slice3A = vector.extract_strided_slice %add3A_42 {offsets = [0, 0], sizes = [512, 1], strides = [1, 1]} : vector<512x128xf32> to vector<512x1xf32>
    %neg3A = arith.constant 0.000000e+00 : f32
    %neg3A_43 = vector.broadcast %neg3A : f32 to vector<512x1xf32>
    %neg3A_44 = arith.subf %neg3A_43, %slice3A : vector<512x1xf32>
    %exp3A = math.exp %neg3A_44 : vector<512x1xf32>
    %add3A_45 = arith.constant 1.000000e+00 : f32
    %add3A_46 = vector.broadcast %add3A_45 : f32 to vector<512x1xf32>
    %add3A_47 = arith.addf %add3A_46, %exp3A : vector<512x1xf32>
    %div3A = arith.constant 1.000000e+00 : f32
    %div3A_48 = vector.broadcast %div3A : f32 to vector<512x1xf32>
    %div3A_49 = arith.divf %div3A_48, %add3A_47 : vector<512x1xf32>
    %get3A_50 = arith.constant 1 : index
    %get3A_51 = arith.constant 0 : index
    %get3A_52 = vector.load %arg2[%get3A_50, %get3A_51] : memref<8x768xf32, #tpu.memory_space<vmem>>, vector<1x768xf32>
    %add3A_53 = vector.broadcast %get3A_52 : vector<1x768xf32> to vector<512x768xf32>
    %add3A_54 = arith.addf %get3A_1, %add3A_53 : vector<512x768xf32>
    %max3A_55 = arith.constant 0.000000e+00 : f32
    %max3A_56 = vector.broadcast %max3A_55 : f32 to vector<512x768xf32>
    %max3A_57 = arith.maximumf %add3A_54, %max3A_56 : vector<512x768xf32>
    %get3A_58 = arith.constant 0 : index
    %get3A_59 = arith.constant 0 : index
    %get3A_60 = vector.load %arg3[%get3A_58, %get3A_59] : memref<768x384xf32, #tpu.memory_space<vmem>>, vector<768x384xf32>
    %dot_general3A_61 = arith.constant dense<0.000000e+00> : vector<512x384xf32>
    %dot_general3A_62 = tpu.matmul %max3A_57, %get3A_60, %dot_general3A_61 {dimension_numbers = #tpu.dot_dimension_numbers<[1], [0], [0], [1], [0, 0, 1, 1], [], []>, transpose_lhs_hint = false} : vector<512x768xf32>, vector<768x384xf32>, vector<512x384xf32> -> vector<512x384xf32>
    %get3A_63 = arith.constant 0 : index
    %get3A_64 = arith.constant 0 : index
    %get3A_65 = vector.load %arg4[%get3A_63, %get3A_64] : memref<8x384xf32, #tpu.memory_space<vmem>>, vector<1x384xf32>
    %add3A_66 = vector.broadcast %get3A_65 : vector<1x384xf32> to vector<512x384xf32>
    %add3A_67 = arith.addf %dot_general3A_62, %add3A_66 : vector<512x384xf32>
    %max3A_68 = arith.constant 0.000000e+00 : f32
    %max3A_69 = vector.broadcast %max3A_68 : f32 to vector<512x384xf32>
    %max3A_70 = arith.maximumf %add3A_67, %max3A_69 : vector<512x384xf32>
    %get3A_71 = arith.constant 0 : index
    %get3A_72 = arith.constant 0 : index
    %get3A_73 = vector.load %arg5[%get3A_71, %get3A_72] : memref<384x128xf32, #tpu.memory_space<vmem>>, vector<384x128xf32>
    %dot_general3A_74 = arith.constant dense<0.000000e+00> : vector<512x128xf32>
    %dot_general3A_75 = tpu.matmul %max3A_70, %get3A_73, %dot_general3A_74 {dimension_numbers = #tpu.dot_dimension_numbers<[1], [0], [0], [1], [0, 0, 1, 1], [], []>, transpose_lhs_hint = false} : vector<512x384xf32>, vector<384x128xf32>, vector<512x128xf32> -> vector<512x128xf32>
    %get3A_76 = arith.constant 0 : index
    %get3A_77 = arith.constant 0 : index
    %get3A_78 = vector.load %arg6[%get3A_76, %get3A_77] : memref<8x128xf32, #tpu.memory_space<vmem>>, vector<1x128xf32>
    %add3A_79 = vector.broadcast %get3A_78 : vector<1x128xf32> to vector<512x128xf32>
    %add3A_80 = arith.addf %dot_general3A_75, %add3A_79 : vector<512x128xf32>
    %max3A_81 = arith.constant 0.000000e+00 : f32
    %max3A_82 = vector.broadcast %max3A_81 : f32 to vector<512x128xf32>
    %max3A_83 = arith.maximumf %add3A_80, %max3A_82 : vector<512x128xf32>
    %get3A_84 = arith.constant 0 : index
    %get3A_85 = arith.constant 0 : index
    %get3A_86 = vector.load %arg7[%get3A_84, %get3A_85] : memref<128x128xf32, #tpu.memory_space<vmem>>, vector<128x128xf32>
    %dot_general3A_87 = arith.constant dense<0.000000e+00> : vector<512x128xf32>
    %dot_general3A_88 = tpu.matmul %max3A_83, %get3A_86, %dot_general3A_87 {dimension_numbers = #tpu.dot_dimension_numbers<[1], [0], [0], [1], [0, 0, 1, 1], [], []>, transpose_lhs_hint = false} : vector<512x128xf32>, vector<128x128xf32>, vector<512x128xf32> -> vector<512x128xf32>
    %get3A_89 = arith.constant 0 : index
    %get3A_90 = arith.constant 0 : index
    %get3A_91 = vector.load %arg8[%get3A_89, %get3A_90] : memref<8x128xf32, #tpu.memory_space<vmem>>, vector<1x128xf32>
    %add3A_92 = vector.broadcast %get3A_91 : vector<1x128xf32> to vector<512x128xf32>
    %add3A_93 = arith.addf %dot_general3A_88, %add3A_92 : vector<512x128xf32>
    %slice3A_94 = vector.extract_strided_slice %add3A_93 {offsets = [0, 0], sizes = [512, 1], strides = [1, 1]} : vector<512x128xf32> to vector<512x1xf32>
    %neg3A_95 = arith.constant 0.000000e+00 : f32
    %neg3A_96 = vector.broadcast %neg3A_95 : f32 to vector<512x1xf32>
    %neg3A_97 = arith.subf %neg3A_96, %slice3A_94 : vector<512x1xf32>
    %exp3A_98 = math.exp %neg3A_97 : vector<512x1xf32>
    %add3A_99 = arith.constant 1.000000e+00 : f32
    %add3A_100 = vector.broadcast %add3A_99 : f32 to vector<512x1xf32>
    %add3A_101 = arith.addf %add3A_100, %exp3A_98 : vector<512x1xf32>
    %div3A_102 = arith.constant 1.000000e+00 : f32
    %div3A_103 = vector.broadcast %div3A_102 : f32 to vector<512x1xf32>
    %div3A_104 = arith.divf %div3A_103, %add3A_101 : vector<512x1xf32>
    %get3A_105 = arith.constant 2 : index
    %get3A_106 = arith.constant 0 : index
    %get3A_107 = vector.load %arg2[%get3A_105, %get3A_106] : memref<8x768xf32, #tpu.memory_space<vmem>>, vector<1x768xf32>
    %add3A_108 = vector.broadcast %get3A_107 : vector<1x768xf32> to vector<512x768xf32>
    %add3A_109 = arith.addf %get3A_1, %add3A_108 : vector<512x768xf32>
    %max3A_110 = arith.constant 0.000000e+00 : f32
    %max3A_111 = vector.broadcast %max3A_110 : f32 to vector<512x768xf32>
    %max3A_112 = arith.maximumf %add3A_109, %max3A_111 : vector<512x768xf32>
    %get3A_113 = arith.constant 0 : index
    %get3A_114 = arith.constant 0 : index
    %get3A_115 = vector.load %arg3[%get3A_113, %get3A_114] : memref<768x384xf32, #tpu.memory_space<vmem>>, vector<768x384xf32>
    %dot_general3A_116 = arith.constant dense<0.000000e+00> : vector<512x384xf32>
    %dot_general3A_117 = tpu.matmul %max3A_112, %get3A_115, %dot_general3A_116 {dimension_numbers = #tpu.dot_dimension_numbers<[1], [0], [0], [1], [0, 0, 1, 1], [], []>, transpose_lhs_hint = false} : vector<512x768xf32>, vector<768x384xf32>, vector<512x384xf32> -> vector<512x384xf32>
    %get3A_118 = arith.constant 0 : index
    %get3A_119 = arith.constant 0 : index
    %get3A_120 = vector.load %arg4[%get3A_118, %get3A_119] : memref<8x384xf32, #tpu.memory_space<vmem>>, vector<1x384xf32>
    %add3A_121 = vector.broadcast %get3A_120 : vector<1x384xf32> to vector<512x384xf32>
    %add3A_122 = arith.addf %dot_general3A_117, %add3A_121 : vector<512x384xf32>
    %max3A_123 = arith.constant 0.000000e+00 : f32
    %max3A_124 = vector.broadcast %max3A_123 : f32 to vector<512x384xf32>
    %max3A_125 = arith.maximumf %add3A_122, %max3A_124 : vector<512x384xf32>
    %get3A_126 = arith.constant 0 : index
    %get3A_127 = arith.constant 0 : index
    %get3A_128 = vector.load %arg5[%get3A_126, %get3A_127] : memref<384x128xf32, #tpu.memory_space<vmem>>, vector<384x128xf32>
    %dot_general3A_129 = arith.constant dense<0.000000e+00> : vector<512x128xf32>
    %dot_general3A_130 = tpu.matmul %max3A_125, %get3A_128, %dot_general3A_129 {dimension_numbers = #tpu.dot_dimension_numbers<[1], [0], [0], [1], [0, 0, 1, 1], [], []>, transpose_lhs_hint = false} : vector<512x384xf32>, vector<384x128xf32>, vector<512x128xf32> -> vector<512x128xf32>
    %get3A_131 = arith.constant 0 : index
    %get3A_132 = arith.constant 0 : index
    %get3A_133 = vector.load %arg6[%get3A_131, %get3A_132] : memref<8x128xf32, #tpu.memory_space<vmem>>, vector<1x128xf32>
    %add3A_134 = vector.broadcast %get3A_133 : vector<1x128xf32> to vector<512x128xf32>
    %add3A_135 = arith.addf %dot_general3A_130, %add3A_134 : vector<512x128xf32>
    %max3A_136 = arith.constant 0.000000e+00 : f32
    %max3A_137 = vector.broadcast %max3A_136 : f32 to vector<512x128xf32>
    %max3A_138 = arith.maximumf %add3A_135, %max3A_137 : vector<512x128xf32>
    %get3A_139 = arith.constant 0 : index
    %get3A_140 = arith.constant 0 : index
    %get3A_141 = vector.load %arg7[%get3A_139, %get3A_140] : memref<128x128xf32, #tpu.memory_space<vmem>>, vector<128x128xf32>
    %dot_general3A_142 = arith.constant dense<0.000000e+00> : vector<512x128xf32>
    %dot_general3A_143 = tpu.matmul %max3A_138, %get3A_141, %dot_general3A_142 {dimension_numbers = #tpu.dot_dimension_numbers<[1], [0], [0], [1], [0, 0, 1, 1], [], []>, transpose_lhs_hint = false} : vector<512x128xf32>, vector<128x128xf32>, vector<512x128xf32> -> vector<512x128xf32>
    %get3A_144 = arith.constant 0 : index
    %get3A_145 = arith.constant 0 : index
    %get3A_146 = vector.load %arg8[%get3A_144, %get3A_145] : memref<8x128xf32, #tpu.memory_space<vmem>>, vector<1x128xf32>
    %add3A_147 = vector.broadcast %get3A_146 : vector<1x128xf32> to vector<512x128xf32>
    %add3A_148 = arith.addf %dot_general3A_143, %add3A_147 : vector<512x128xf32>
    %slice3A_149 = vector.extract_strided_slice %add3A_148 {offsets = [0, 0], sizes = [512, 1], strides = [1, 1]} : vector<512x128xf32> to vector<512x1xf32>
    %neg3A_150 = arith.constant 0.000000e+00 : f32
    %neg3A_151 = vector.broadcast %neg3A_150 : f32 to vector<512x1xf32>
    %neg3A_152 = arith.subf %neg3A_151, %slice3A_149 : vector<512x1xf32>
    %exp3A_153 = math.exp %neg3A_152 : vector<512x1xf32>
    %add3A_154 = arith.constant 1.000000e+00 : f32
    %add3A_155 = vector.broadcast %add3A_154 : f32 to vector<512x1xf32>
    %add3A_156 = arith.addf %add3A_155, %exp3A_153 : vector<512x1xf32>
    %div3A_157 = arith.constant 1.000000e+00 : f32
    %div3A_158 = vector.broadcast %div3A_157 : f32 to vector<512x1xf32>
    %div3A_159 = arith.divf %div3A_158, %add3A_156 : vector<512x1xf32>
    %get3A_160 = arith.constant 3 : index
    %get3A_161 = arith.constant 0 : index
    %get3A_162 = vector.load %arg2[%get3A_160, %get3A_161] : memref<8x768xf32, #tpu.memory_space<vmem>>, vector<1x768xf32>
    %add3A_163 = vector.broadcast %get3A_162 : vector<1x768xf32> to vector<512x768xf32>
    %add3A_164 = arith.addf %get3A_1, %add3A_163 : vector<512x768xf32>
    %max3A_165 = arith.constant 0.000000e+00 : f32
    %max3A_166 = vector.broadcast %max3A_165 : f32 to vector<512x768xf32>
    %max3A_167 = arith.maximumf %add3A_164, %max3A_166 : vector<512x768xf32>
    %get3A_168 = arith.constant 0 : index
    %get3A_169 = arith.constant 0 : index
    %get3A_170 = vector.load %arg3[%get3A_168, %get3A_169] : memref<768x384xf32, #tpu.memory_space<vmem>>, vector<768x384xf32>
    %dot_general3A_171 = arith.constant dense<0.000000e+00> : vector<512x384xf32>
    %dot_general3A_172 = tpu.matmul %max3A_167, %get3A_170, %dot_general3A_171 {dimension_numbers = #tpu.dot_dimension_numbers<[1], [0], [0], [1], [0, 0, 1, 1], [], []>, transpose_lhs_hint = false} : vector<512x768xf32>, vector<768x384xf32>, vector<512x384xf32> -> vector<512x384xf32>
    %get3A_173 = arith.constant 0 : index
    %get3A_174 = arith.constant 0 : index
    %get3A_175 = vector.load %arg4[%get3A_173, %get3A_174] : memref<8x384xf32, #tpu.memory_space<vmem>>, vector<1x384xf32>
    %add3A_176 = vector.broadcast %get3A_175 : vector<1x384xf32> to vector<512x384xf32>
    %add3A_177 = arith.addf %dot_general3A_172, %add3A_176 : vector<512x384xf32>
    %max3A_178 = arith.constant 0.000000e+00 : f32
    %max3A_179 = vector.broadcast %max3A_178 : f32 to vector<512x384xf32>
    %max3A_180 = arith.maximumf %add3A_177, %max3A_179 : vector<512x384xf32>
    %get3A_181 = arith.constant 0 : index
    %get3A_182 = arith.constant 0 : index
    %get3A_183 = vector.load %arg5[%get3A_181, %get3A_182] : memref<384x128xf32, #tpu.memory_space<vmem>>, vector<384x128xf32>
    %dot_general3A_184 = arith.constant dense<0.000000e+00> : vector<512x128xf32>
    %dot_general3A_185 = tpu.matmul %max3A_180, %get3A_183, %dot_general3A_184 {dimension_numbers = #tpu.dot_dimension_numbers<[1], [0], [0], [1], [0, 0, 1, 1], [], []>, transpose_lhs_hint = false} : vector<512x384xf32>, vector<384x128xf32>, vector<512x128xf32> -> vector<512x128xf32>
    %get3A_186 = arith.constant 0 : index
    %get3A_187 = arith.constant 0 : index
    %get3A_188 = vector.load %arg6[%get3A_186, %get3A_187] : memref<8x128xf32, #tpu.memory_space<vmem>>, vector<1x128xf32>
    %add3A_189 = vector.broadcast %get3A_188 : vector<1x128xf32> to vector<512x128xf32>
    %add3A_190 = arith.addf %dot_general3A_185, %add3A_189 : vector<512x128xf32>
    %max3A_191 = arith.constant 0.000000e+00 : f32
    %max3A_192 = vector.broadcast %max3A_191 : f32 to vector<512x128xf32>
    %max3A_193 = arith.maximumf %add3A_190, %max3A_192 : vector<512x128xf32>
    %get3A_194 = arith.constant 0 : index
    %get3A_195 = arith.constant 0 : index
    %get3A_196 = vector.load %arg7[%get3A_194, %get3A_195] : memref<128x128xf32, #tpu.memory_space<vmem>>, vector<128x128xf32>
    %dot_general3A_197 = arith.constant dense<0.000000e+00> : vector<512x128xf32>
    %dot_general3A_198 = tpu.matmul %max3A_193, %get3A_196, %dot_general3A_197 {dimension_numbers = #tpu.dot_dimension_numbers<[1], [0], [0], [1], [0, 0, 1, 1], [], []>, transpose_lhs_hint = false} : vector<512x128xf32>, vector<128x128xf32>, vector<512x128xf32> -> vector<512x128xf32>
    %get3A_199 = arith.constant 0 : index
    %get3A_200 = arith.constant 0 : index
    %get3A_201 = vector.load %arg8[%get3A_199, %get3A_200] : memref<8x128xf32, #tpu.memory_space<vmem>>, vector<1x128xf32>
    %add3A_202 = vector.broadcast %get3A_201 : vector<1x128xf32> to vector<512x128xf32>
    %add3A_203 = arith.addf %dot_general3A_198, %add3A_202 : vector<512x128xf32>
    %slice3A_204 = vector.extract_strided_slice %add3A_203 {offsets = [0, 0], sizes = [512, 1], strides = [1, 1]} : vector<512x128xf32> to vector<512x1xf32>
    %neg3A_205 = arith.constant 0.000000e+00 : f32
    %neg3A_206 = vector.broadcast %neg3A_205 : f32 to vector<512x1xf32>
    %neg3A_207 = arith.subf %neg3A_206, %slice3A_204 : vector<512x1xf32>
    %exp3A_208 = math.exp %neg3A_207 : vector<512x1xf32>
    %add3A_209 = arith.constant 1.000000e+00 : f32
    %add3A_210 = vector.broadcast %add3A_209 : f32 to vector<512x1xf32>
    %add3A_211 = arith.addf %add3A_210, %exp3A_208 : vector<512x1xf32>
    %div3A_212 = arith.constant 1.000000e+00 : f32
    %div3A_213 = vector.broadcast %div3A_212 : f32 to vector<512x1xf32>
    %div3A_214 = arith.divf %div3A_213, %add3A_211 : vector<512x1xf32>
    %concatenate3A = tpu.concatenate %div3A_49, %div3A_104, %div3A_159, %div3A_214 in 1 : vector<512x1xf32>, vector<512x1xf32>, vector<512x1xf32>, vector<512x1xf32> -> vector<512x4xf32>
    %swap3A = arith.constant 0 : index
    %swap3A_215 = arith.constant 0 : index
    %swap3A_216 = vector.load %arg9[%swap3A, %swap3A_215] : memref<512x4xf32, #tpu.memory_space<vmem>>, vector<512x4xf32>
    tpu.vector_store %arg9[%swap3A, %swap3A_215], %concatenate3A {strides = array<i32>} : memref<512x4xf32, #tpu.memory_space<vmem>>, vector<512x4xf32>,
    return
  }
  func.func @transform_0(%arg0: i32) -> (i32, i32) {
    %c0_i32 = arith.constant 0 : i32
    %c0_i32_0 = arith.constant 0 : i32
    return %arg0, %c0_i32 : i32, i32
  }
  func.func @transform_1(%arg0: i32) -> (i32, i32) {
    %c0_i32 = arith.constant 0 : i32
    %c0_i32_0 = arith.constant 0 : i32
    %c0_i32_1 = arith.constant 0 : i32
    return %c0_i32, %c0_i32_0 : i32, i32
  }
  func.func @transform_2(%arg0: i32) -> (i32, i32) {
    %c0_i32 = arith.constant 0 : i32
    %c0_i32_0 = arith.constant 0 : i32
    %c0_i32_1 = arith.constant 0 : i32
    return %c0_i32, %c0_i32_0 : i32, i32
  }
  func.func @transform_3(%arg0: i32) -> (i32, i32) {
    %c0_i32 = arith.constant 0 : i32
    %c0_i32_0 = arith.constant 0 : i32
    %c0_i32_1 = arith.constant 0 : i32
    return %c0_i32, %c0_i32_0 : i32, i32
  }
  func.func @transform_4(%arg0: i32) -> (i32, i32) {
    %c0_i32 = arith.constant 0 : i32
    %c0_i32_0 = arith.constant 0 : i32
    %c0_i32_1 = arith.constant 0 : i32
    return %c0_i32, %c0_i32_0 : i32, i32
  }
  func.func @transform_5(%arg0: i32) -> (i32, i32) {
    %c0_i32 = arith.constant 0 : i32
    %c0_i32_0 = arith.constant 0 : i32
    %c0_i32_1 = arith.constant 0 : i32
    return %c0_i32, %c0_i32_0 : i32, i32
  }
  func.func @transform_6(%arg0: i32) -> (i32, i32) {
    %c0_i32 = arith.constant 0 : i32
    %c0_i32_0 = arith.constant 0 : i32
    %c0_i32_1 = arith.constant 0 : i32
    return %c0_i32, %c0_i32_0 : i32, i32
  }
  func.func @transform_7(%arg0: i32) -> (i32, i32) {
    %c0_i32 = arith.constant 0 : i32
    %c0_i32_0 = arith.constant 0 : i32
    %c0_i32_1 = arith.constant 0 : i32
    return %c0_i32, %c0_i32_0 : i32, i32
  }
  func.func @transform_8(%arg0: i32) -> (i32, i32) {
    %c0_i32 = arith.constant 0 : i32
    %c0_i32_0 = arith.constant 0 : i32
    return %arg0, %c0_i32 : i32, i32
  }
}

</mosaic_0001>

<sc_bundles>
// kernel: gather_offload_async_start.1
scs
__scs_entry_jumppad:
0x0: {  	(pc) =	sbr.rel $0x88, $3  }
0x1: {  	(tag) =	ssettag $0x0;
	lr =	simm.s32 $0x1  }
0x2: {  	[smem:$0x3F67] =	sst lr;
	_ =	strace $0xD0000000  }
0x3: {  	_ = 	snop  }
0x4: {  	_ = 	snop  }
0x5: {  	_ = 	snop  }
0x6: {  	_ = 	snop  }
0x7: {  	_ = 	snop  }
__scs_overlays_trampoline_lowered:
0x8: {  	[smem:$0x3F76] =	sst s0  }
0x9: {  	[smem:$0x3F77] =	sst s1  }
0xa: {  	[smem:$0x3F78] =	sst s2  }
0xb: {  	[smem:$0x3F79] =	sst s3  }
0xc: {  	[smem:$0x3F7A] =	sst s4  }
0xd: {  	[smem:$0x3F7B] =	sst s5  }
0xe: {  	[smem:$0x3F7C] =	sst s6  }
0xf: {  	[smem:$0x3F7D] =	sst s7  }
0x10: {  	[smem:$0x3F7E] =	sst s8  }
0x11: {  	[smem:$0x3F7F] =	sst s9;
	s0 =	simm.s32 @!p0 $0x0  }
0x12: {  	s1 =	sld [smem:$0x3F65];
	s0 =	simm.s32 @p0 $0x1  }
0x13: {  	[smem:$0x3F80] =	sst s0;
	s0 =	simm.s32 @!p1 $0x0  }
0x14: {  	s2 =	sld [smem:$0x3F64];
	s0 =	simm.s32 @p1 $0x1  }
0x15: {  	[smem:$0x3F81] =	sst s0;
	s0 =	simm.s32 @!p2 $0x0  }
0x16: {  	s3 =	sld [smem:$0x3FDB];
	s0 =	simm.s32 @p2 $0x1  }
0x17: {  	s4 =	simm.s32 $0x1BF5;
	[smem:$0x3F83] =	sst s0  }
0x18: {  	s0 =	sld [smem:$0x3F66];
	_ =	swait.ge [sflag:s4], $0x0  }
0x19: {  	s7 =	sld [smem:$0x3F67]  }
0x1a: {  	s8 =	sadd.s32 $0xFFFFE003, lr  }
0x1b: {  	s9 =	sadd.s32 $0xFFFFFEF7, lr;
	s5 =	simm.s32 $0xFFFFFFFF;
	p2 =	slt.u32 s8, $0xFFFFF086  }
0x1c: {  	p1 =	slt.u32 s9, $0xF7A;
	s5 =	simm.s32 @!p2 $0x0  }
0x1d: {  	s5 =	simm.s32 @p1 $0x1;
	p0 =	seq.s32 s7, s2  }
0x1e: {  	s7 =	smul.u32 @!p0 $0xF7A, s2;
	p2 =	seq.s32 @!p0 s5, $0x0  }
0x1f: {  	s9 =	smul.u32 $0xF7A, s1;
	s8 =	simm.s32 @!p0 $0x1BF5;
	p2 =	por !p2, p0  }
0x20: {  	[sflag:s8] =	ssyncset.s32 @!p0 $0xFFFFF086;
	s6 =	sadd.s32 @!p0 s3, s7;
	s7 =	simm.s32 @!p0 $0x108  }
0x21: {  	s3 =	sadd.s32 s3, s9;
	s6 =	sadd.s32 @!p0 $0x88, s6;
	s7 =	simm.s32 @p2 $0x1082  }
0x22: {  	[simem:s7], [sflag:s8] =	dma.local @!p0 [hbm:s6], $0xF7A  }
0x23: {  	s9 =	sor.u32 $0xD0000000, s2;
	s6 =	simm.s32 $0x108;
	_ =	swait.ge @!p0 [sflag:s8], $0x0  }
0x24: {  	s3 =	sadd.s32 $0x88, s3;
	s6 =	simm.s32 @!p1 $0x1082;
	[sflag:s4] =	ssyncset.s32 $0xFFFFF086  }
0x25: {  	[simem:s6], [sflag:s4] =	dma.local [hbm:s3], $0xF7A  }
0x26: {  	[smem:$0x3F67] =	sst s1;
	(tag) =	ssettag s2;
	_ =	strace s9  }
0x27: {  	s1 =	sld [smem:$0x3F77]  }
0x28: {  	s2 =	sld [smem:$0x3F78]  }
0x29: {  	s4 =	sld [smem:$0x3F7A]  }
0x2a: {  	p0 =	seq.s32 s5, $0x0;
	s5 =	sld [smem:$0x3F7B]  }
0x2b: {  	s6 =	sld [smem:$0x3F7C]  }
0x2c: {  	s7 =	sld [smem:$0x3F7D]  }
0x2d: {  	s3 =	simm.s32 $0x108;
	s8 =	sld [smem:$0x3F7E]  }
0x2e: {  	s3 =	simm.s32 @!p0 $0x1082;
	s9 =	sld [smem:$0x3F7F]  }
0x2f: {  	lr =	sadd.s32 s0, s3;
	s0 =	sld [smem:$0x3F76]  }
0x30: {  	s3 =	sld [smem:$0x3F79]  }
0x31: {  	[smem:$0x3F82] =	sst s10  }
0x32: {  	s10 =	sld [smem:$0x3F80];
	_ =	sdelay $0x3  }
0x33: {  	p0 =	seq.s32 s10, $0x1;
	s10 =	sld [smem:$0x3F82];
	_ =	sdelay $0x3  }
0x34: {  	[smem:$0x3F82] =	sst s10  }
0x35: {  	s10 =	sld [smem:$0x3F81];
	_ =	sdelay $0x3  }
0x36: {  	p1 =	seq.s32 s10, $0x1;
	s10 =	sld [smem:$0x3F82];
	_ =	sdelay $0x3  }
0x37: {  	[smem:$0x3F82] =	sst s10  }
0x38: {  	s10 =	sld [smem:$0x3F83]  }
0x39: {  	_ = 	snop;
	(pc) =	sbr.ind lr, $3  }
0x3a: {  	_ = 	snop  }
0x3b: {  	_ = 	snop  }
0x3c: {  	p2 =	seq.s32 s10, $0x1;
	s10 =	sld [smem:$0x3F82]  }
0x3d: {  	_ =	shalt  }
0x3e: {  	_ =	shalt  }
0x3f: {  	_ =	shalt  }
0x40: {  	_ =	shalt  }
0x41: {  	_ =	shalt  }
0x42: {  	_ =	shalt  }
0x43: {  	_ =	shalt  }
0x44: {  	_ =	shalt  }
0x45: {  	_ =	shalt  }
0x46: {  	_ =	shalt  }
0x47: {  	_ =	shalt  }
0x48: {  	_ =	shalt  }
0x49: {  	_ =	shalt  }
0x4a: {  	_ =	shalt  }
0x4b: {  	_ =	shalt  }
0x4c: {  	_ =	shalt  }
0x4d: {  	_ =	shalt  }
0x4e: {  	_ =	shalt  }
0x4f: {  	_ =	shalt  }
0x50: {  	_ =	shalt  }
0x51: {  	_ =	shalt  }
0x52: {  	_ =	shalt  }
0x53: {  	_ =	shalt  }
0x54: {  	_ =	shalt  }
0x55: {  	_ =	shalt  }
0x56: {  	_ =	shalt  }
0x57: {  	_ =	shalt  }
0x58: {  	_ =	shalt  }
0x59: {  	_ =	shalt  }
0x5a: {  	_ =	shalt  }
0x5b: {  	_ =	shalt  }
0x5c: {  	_ =	shalt  }
0x5d: {  	_ =	shalt  }
0x5e: {  	_ =	shalt  }
0x5f: {  	_ =	shalt  }
0x60: {  	_ =	shalt  }
0x61: {  	_ =	shalt  }
0x62: {  	_ =	shalt  }
0x63: {  	_ =	shalt  }
0x64: {  	_ =	shalt  }
0x65: {  	_ =	shalt  }
0x66: {  	_ =	shalt  }
0x67: {  	_ =	shalt  }
0x68: {  	_ =	shalt  }
0x69: {  	_ =	shalt  }
0x6a: {  	_ =	shalt  }
0x6b: {  	_ =	shalt  }
0x6c: {  	_ =	shalt  }
0x6d: {  	_ =	shalt  }
0x6e: {  	_ =	shalt  }
0x6f: {  	_ =	shalt  }
0x70: {  	_ =	shalt  }
0x71: {  	_ =	shalt  }
0x72: {  	_ =	shalt  }
0x73: {  	_ =	shalt  }
0x74: {  	_ =	shalt  }
0x75: {  	_ =	shalt  }
0x76: {  	_ =	shalt  }
0x77: {  	_ =	shalt  }
0x78: {  	_ =	shalt  }
0x79: {  	_ =	shalt  }
0x7a: {  	_ =	shalt  }
0x7b: {  	_ =	shalt  }
0x7c: {  	_ =	shalt  }
0x7d: {  	_ =	shalt  }
0x7e: {  	_ =	shalt  }
0x7f: {  	_ =	shalt  }
0x80: {  	_ =	shalt  }
0x81: {  	_ =	shalt  }
0x82: {  	_ =	shalt  }
0x83: {  	_ =	shalt  }
0x84: {  	_ =	shalt  }
0x85: {  	_ =	shalt  }
0x86: {  	_ =	shalt  }
0x87: {  	_ =	shalt  }
.Lfunc_end0:
.L_simem_size_0:
called_computation.1_lowered:
.L_overlay_start_0:
0x88: {  	s0 =	sld [smem:$0x3FD9]  }
0x89: {  	s1 =	sld [smem:$0x3FFE];
	_ =	sdelay $0x3  }
0x8a: {  	s0 =	sadd.s32 s1, s0  }
0x8b: {  	[smem:$0x3F8E] =	sst s0  }
0x8c: {  	_ = 	snop  }
0x8d: {  	(tm) =	ssettm $0x1  }
0x8e: {  	s15 =	sld [smem:$0x3FFB];
	_ =	sdelay $0x3  }
0x8f: {  	_ =	strace s15  }
0x90: {  	s0 =	sld [smem:$0x3FFC];
	_ =	sdelay $0x3  }
0x91: {  	_ =	strace s0  }
0x92: {  	s0 =	sld [smem:$0x3FFD];
	_ =	sdelay $0x3  }
0x93: {  	_ =	strace s0  }
0x94: {  	_ =	strace $0x8FFFFFFF  }
0x95: {  	s16 =	sld [smem:$0x3FDB];
	_ =	sdelay $0x1  }
0x96: {  	s17 =	simm.s32 $_scs_section_size  }
0x97: {  	s2 =	simm.s32 $_size__tile_overlayer_lowered;
	s3 =	simm.s32 $_tile_overlayer_lowered  }
0x98: {  	s20 =	simm.s32 $0x1BFF;
	s19 =	sshll.u32 s3, $0x1;
	s0 =	sadd.s32 s17, s16  }
0x99: {  	s4 =	simm.s32 $0x0;
	s18 =	sshll.u32 s2, $0x1;
	s2 =	sadd.s32 s19, s0  }
0x9a: {  	[timem:s4], [sflag:s20] =	dma.local [hbm:s2], s18  }
0x9b: {  	_ =	swait.ge [sflag:s20], s18  }
0x9c: {  	s1 =	ssub.s32 $0x0, s18;
	[sflag:s20] =	ssyncset.done $0x0  }
0x9d: {  	[sflag:s20] =	ssyncadd.s32 s1;
	_ =	sdelay $0x1  }
0x9e: {  	s21 =	simm.s32 $0x1B8B  }
0x9f: {  	_ =	swait.ge [sflag:s21], $0x1  }
0xa0: {  	[sflag:s21] =	ssyncset.done $0x0  }
0xa1: {  	s23 =	simm.s32 $0x1B8E;
	s22 =	sld [smem:$0x3FFE];
	[sflag:s21] =	ssyncadd.s32 $0xFFFFFFFF  }
0xa2: {  	s24 =	simm.s32 $execute0_lowered;
	[smem:$0x3FD2] =	sst s23  }
0xa3: {  	s2 =	sshll.u32 s24, $0x1;
	_ =	strace $0x80000049;
	[dreg:$0x1] =	wrdreg $0xFFFFFFFF  }
0xa4: {  	s25 =	simm.s32 $_size_execute0_lowered;
	s0 =	sadd.s32 s0, s2;
	[dreg:$0x0] =	wrdreg $0x0  }
0xa5: {  	s2 =	sshll.u32 s25, $0x1;
	[dreg:$0x2] =	wrdreg s0  }
0xa6: {  	[dreg:$0x3] =	wrdreg s2  }
0xa7: {  	[dreg:$0x4] =	wrdreg $0xC0  }
0xa8: {  	_ =	task [dreg:s4], $0x5FFFF  }
0xa9: {  	[dreg:$0x1] =	wrdreg $0xFFFFFFFF  }
0xaa: {  	[dreg:$0x0] =	wrdreg $0x60  }
0xab: {  	[dreg:$0x2] =	wrdreg s22  }
0xac: {  	[dreg:$0x3] =	wrdreg $0x9  }
0xad: {  	_ =	task.clear_ibuf [dreg:s4], $0x4FFFF;
	_ =	strace $0x90000049  }
0xae: {  	s26 =	simm.s32 $0x9;
	_ =	strace $0x8000004B  }
0xaf: {  	_ =	swait.ge [sflag:s26], $0x1  }
0xb0: {  	[sflag:s26] =	ssyncadd.s32 $0xFFFFFFFF  }
0xb1: {  	_ =	strace $0x9000004B  }
0xb2: {  	_ =	sfence  }
0xb3: {  	s28 =	sld [smem:$0x0];
	_ =	sdelay $0x1  }
0xb4: {  	s29 =	srdreg.scid  }
0xb5: {  	s30 =	sshll.u32 s29, $0xD;
	s31 =	sshrl.u32 s29, $0x2  }
0xb6: {  	s1 =	sand.u32 $0x1, s29;
	s2 =	sand.u32 $0x4000, s30;
	s0 =	sadd.s32 s31, s28  }
0xb7: {  	s1 =	sor.u32 s2, s1;
	s0 =	sshll.u32 s0, $0x11  }
0xb8: {  	s0 =	sor.u32 s0, s1  }
0xb9: {  	s0 =	sadd.s32 $0x8F2B, s0  }
0xba: {  	[sflag:s0] =	ssyncadd.remote.s32 $0x1  }
0xbb: {  	_ =	sfence.sel $0xFFFF  }
0xbc: {  	[dreg:$0x0] =	wrdreg $0xFFFFFFFF;
	(pc) =	sbr.abs _section_cstart, $3  }
0xbd: {  	[dreg:$0x1] =	wrdreg $0xFFFFFFFF  }
0xbe: {  	_ =	task.clear_ibuf [dreg:s4], $0x2FFFF;
	_ =	strace $0x9FFFFFFF  }
0xbf: {  	(tm) =	ssettm $0x7FFFFFFF  }
tec
execute0_lowered:
.L_overlay_start_1:
0x0: {  	(tag) =	ssettag $0x1  }
0x1: {  	s8 =	rddreg [dreg:$0x0]  }
0x2: {  	s0 =	rddreg [dreg:$0x1];
	_ =	strace $0x8000004A  }
0x3: {  	s4 =	simm.s32 $0x1;
	s1 =	stileid.u32;
	s7 =	simm.s32 $0x1  }
0x4: {  	s9 =	simm.s32 $0x1;
	s6 =	simm.s32 $0x2;
	s10 =	simm.s32 $0x3  }
0x5: {  	s13 =	simm.s32 $0x0;
	s12 =	simm.s32 $0x0;
	s2 =	sadd.s32 $0x94B400, s8  }
.Ltmp0:
0x6: {  	s3 =	sadd.s32 $0x94E800, s8;
	p0 =	slt.u32 s1, $0xA;
	(pc) =	sbr.rel .LBB2_1-.Ltmp0, $4  }
0x7: {  	[sflag:s4] =	ssyncpa.u1 $0x0;
	s7 =	simm.s32 @!p0 $0x0;
	p0 =	sne.s32 s1, $0x9  }
0x8: {  	s5 =	smul.u32 $0x7D0, s1;
	[sflag:s6] =	ssyncpa.u1 $0x0;
	s9 =	simm.s32 @!p0 $0x0  }
0x9: {  	s8 =	sadd.s32 $0x25400, s8;
	[sflag:s10] =	ssyncpa.u1 $0x0;
	s7 =	sadd.s32 s9, s7  }
0xa: {  	vm0 =	vmmov $0xffff;
	s10 =	simm.s32 $0x0;
	s11 =	smov.u32 s5;
	s9 =	sadd.s32 $0x1, s7  }
.LBB2_4:
0xb: {  	v2 =	vnsel vm1, $0x0, v2  }
0xc: {  	vm1 =	vgt.s32 v0, $0x0;
	v2 =	vmin.u32 v2, $0xC34F  }
0xd: {  	v0 =	vnsel vm1, $0x0, v0  }
0xe: {  	v0 =	vmin.u32 v0, $0xC34F  }
0xf: {  	[tilespmem:s18], [sflag:$0x1] =	stream.indirect_vreg.gather [hbm4b:s2+s10], $0x1, v1, vm0, $0x4038;
	[tilespmem:$0x1F40] =	vst v63  }
0x10: {  	(ifvalue) =	ssetifvalue $0x7FFFFFFF  }
0x11: {  	[tilespmem:s15], [sflag:$0x1] =	stream.indirect_vreg.gather [hbm4b:s2+s10], $0x1, v2, vm0, $0x4038;
	[tilespmem:$0x1F40] =	vst v63  }
0x12: {  	s29 =	sadd.s32 $0x10, s15;
	(ifvalue) =	ssetifvalue $0x7FFFFFFF  }
0x13: {  	[tilespmem:s29], [sflag:$0x1] =	stream.indirect_vreg.gather [hbm4b:s2+s10], $0x1, v0, vm0, $0x4038;
	[tilespmem:$0x1F40] =	vst v63  }
0x14: {  	_ =	swait.ge [sflag:s4], $0x7D0  }
0x15: {  	s30 =	sshrl.u32 s13, $0x3;
	[sflag:s4] =	ssyncset.done $0x0  }
0x16: {  	s31 =	sand.u32 $0x7, s13;
	s15 =	sadd.s32 s8, s30;
	[sflag:s4] =	ssyncadd.s32 $0xFFFFF830  }
0x17: {  	[hbm4b:s15+s31] =	stream.linear.scatter [tilespmem:s14], [sflag:$0x3], $0x7D0, $0x38;
	[tilespmem:$0x1F40] =	vst v63  }
.LBB2_5:
0x18: {  	s15 =	sadd.s32 $0x7D00, s11  }
0x19: {  	p1 =	sgt.s32 s15, $0xC34F  }
0x1a: {  	s15 =	smov.u32 @p1 s5;
	p1 =	sne.s32 s12, s9  }
.Ltmp1:
0x1b: {  	p0 =	slt.u32 s12, $0x2;
	(pc) =	sbr.rel @!p1 .LBB2_6-.Ltmp1, $4  }
0x1c: {  	s14 =	simm.s32 @!p0 $0x3  }
0x1d: {  	_ =	swait.ge @!p0 [sflag:s14], $0x7D0  }
0x1e: {  	s16 =	sadd.s32 $0x1, s12;
	s13 =	smov.u32 s11;
	[sflag:s14] =	ssyncset.done @!p0 $0x0  }
0x1f: {  	s12 =	smov.u32 s16;
	s11 =	smov.u32 s15;
	[sflag:s14] =	ssyncadd.s32 @!p0 $0xFFFFF830  }
.LBB2_1:
0x20: {  	p0 =	sge.u32 s12, s7  }
0x21: {  	s14 =	sxor.u32 @!p0 $0x1, s12  }
0x22: {  	s14 =	smul.u32 @!p0 $0x1F40, s14  }
0x23: {  	s31 =	sadd.s32 $0xFFFFFFFF, s12;
	s15 =	sshrl.u32 @!p0 s11, $0x3  }
0x24: {  	s16 =	sand.u32 @!p0 $0x7, s11;
	s15 =	sadd.s32 @!p0 s3, s15;
	s14 =	sshra.s32 @!p0 s14, $0x2  }
0x25: {  	[tilespmem:s14], [sflag:$0x2] =	stream.linear.gather @!p0 [hbm4b:s15+s16], $0x7D0, $0x38;
	[tilespmem:$0x1F40] =	vst v63  }
0x26: {  	p0 =	sge.u32 s31, s7  }
.Ltmp2:
0x27: {  	_ = 	snop;
	(pc) =	sbr.rel @p0 .LBB2_5-.Ltmp2, $1  }
0x28: {  	_ =	sdelay $0x3  }
0x29: {  	s14 =	sand.u32 $0x1, s12  }
0x2a: {  	_ =	swait.ge [sflag:s6], $0x7D0;
	p0 =	seq.s32 s14, $0x1;
	s14 =	simm.s32 $0x7D0  }
0x2b: {  	[sflag:s6] =	ssyncset.done $0x0;
	s14 =	simm.s32 @!p0 $0x0  }
0x2c: {  	[sflag:s6] =	ssyncadd.s32 $0xFFFFF830;
	(ifvalue) =	ssetifvalue $0x7FFFFFFF;
	v0 =	vld.msk [tilespmem:s14+$0x0 ss:$0x1], $0xffff;
	_ =	sdelay $0x4  }
0x2d: {  	s15 =	sadd.s32 $0x10, s14;
	vm1 =	vgt.s32 v0, $0x0  }
0x2e: {  	v2 =	vld.msk [tilespmem:s15+$0x0 ss:$0x1], $0xffff;
	v1 =	vnsel vm1, $0x0, v0  }
0x2f: {  	v1 =	vmin.u32 v1, $0xC34F;
	_ =	sdelay $0x2  }
0x30: {  	s17 =	simm.s32 $0x20;
	s14 =	sadd.s32 $0xFA0, s14;
	s16 =	sadd.s32 $0x10, s15  }
0x31: {  	s15 =	sadd.s32 $0x10, s14;
	s18 =	smov.u32 s14;
	v0 =	vld.msk [tilespmem:s16+$0x0 ss:$0x1], $0xffff;
	vm1 =	vgt.s32 v2, $0x0;
	(ifvalue) =	ssetifvalue $0x7FFFFFFF  }
.LBB2_3:
0x32: {  	[tilespmem:s18], [sflag:$0x1] =	stream.indirect_vreg.gather [hbm4b:s2+s10], $0x1, v1, vm0, $0x4038;
	[tilespmem:$0x1F40] =	vst v63  }
0x33: {  	s17 =	sadd.s32 $0x10, s17  }
0x34: {  	v2 =	vnsel vm1, $0x0, v2;
	p0 =	slt.u32 s17, $0x7C0  }
.Ltmp3:
0x35: {  	s18 =	smov.u32 s15;
	v1 =	vmin.u32 v2, $0xC34F;
	(pc) =	sbr.rel @p0 .LBB2_3-.Ltmp3, $3  }
0x36: {  	_ =	sdelay $0x1  }
0x37: {  	s16 =	sadd.s32 $0x10, s16  }
0x38: {  	vm1 =	vgt.s32 v0, $0x0;
	s15 =	sadd.s32 $0x10, s15;
	v2 =	vmov v0;
	(ifvalue) =	ssetifvalue $0x7FFFFFFF;
	v0 =	vld.msk [tilespmem:s16+$0x0 ss:$0x1], $0xffff  }
.Ltmp4:
0x39: {  	_ = 	snop;
	(pc) =	sbr.rel .LBB2_4-.Ltmp4, $1  }
0x3a: {  	_ =	sdelay $0x3  }
.LBB2_6:
0x3b: {  	_ =	sfence.sel $0x180000  }
0x3c: {  	s2 =	simm.s32 $0x2;
	[bflag:$0x0] =	sbarrier.arrive $0xFFFF  }
0x3d: {  	s30 =	simm.s32 $0x3;
	[sflag:s2] =	ssyncpa.u1 $0x1  }
0x3e: {  	s31 =	simm.s32 $0x1;
	[sflag:s30] =	ssyncpa.u1 $0x1  }
0x3f: {  	[sflag:s31] =	ssyncpa.u1 $0x1  }
0x40: {  	p0 =	sne.s32 s1, $0x0;
	_ =	strace $0x9000004A  }
0x41: {  	s0 =	sadd.s32 @!p0 $0x100000, s0;
	[bflag:$0x2] =	sbarrier.arrive $0xFFFF  }
0x42: {  	[sflag:s0] =	ssyncadd.tile.s32 @!p0 $0x1;
	_ =	shalt  }
.Lfunc_end2:
_tile_overlayer_lowered:
.L_overlay_start_2:
0x43: {  	(tag) =	ssettag $0x2  }
0x44: {  	s0 =	rddreg [dreg:$0x0];
	s2 =	stileid.u32  }
0x45: {  	s1 =	rddreg [dreg:$0x1];
	p0 =	sne.s32 s2, $0x0  }
0x46: {  	s3 =	rddreg [dreg:$0x2];
	[bflag:$0x3] =	sbarrier.arrive $0xFFFF;
	s2 =	simm.s32 @!p0 $0x1C01  }
0x47: {  	[timem:s3], [sflag:s2] =	dma.local @!p0 [hbm:s0], s1  }
0x48: {  	s0 =	simm.s32 @!p0 $0x1  }
0x49: {  	_ =	swait.ge @!p0 [sflag:s0], s1  }
0x4a: {  	s1 =	ssub.s32 @!p0 $0x0, s1;
	[sflag:s0] =	ssyncset.done @!p0 $0x0  }
0x4b: {  	[sflag:s0] =	ssyncadd.s32 @!p0 s1  }
0x4c: {  	[bflag:$0x3] =	sbarrier.arrive $0xFFFF  }
0x4d: {  	_ =	shalt  }

// kernel: gather_offload_async_start.2
scs
__scs_entry_jumppad:
0x0: {  	(pc) =	sbr.rel $0x88, $3  }
0x1: {  	(tag) =	ssettag $0x0;
	lr =	simm.s32 $0x1  }
0x2: {  	[smem:$0x3F67] =	sst lr;
	_ =	strace $0xD0000000  }
0x3: {  	_ = 	snop  }
0x4: {  	_ = 	snop  }
0x5: {  	_ = 	snop  }
0x6: {  	_ = 	snop  }
0x7: {  	_ = 	snop  }
__scs_overlays_trampoline_lowered:
0x8: {  	[smem:$0x3F76] =	sst s0  }
0x9: {  	[smem:$0x3F77] =	sst s1  }
0xa: {  	[smem:$0x3F78] =	sst s2  }
0xb: {  	[smem:$0x3F79] =	sst s3  }
0xc: {  	[smem:$0x3F7A] =	sst s4  }
0xd: {  	[smem:$0x3F7B] =	sst s5  }
0xe: {  	[smem:$0x3F7C] =	sst s6  }
0xf: {  	[smem:$0x3F7D] =	sst s7  }
0x10: {  	[smem:$0x3F7E] =	sst s8  }
0x11: {  	[smem:$0x3F7F] =	sst s9;
	s0 =	simm.s32 @!p0 $0x0  }
0x12: {  	s1 =	sld [smem:$0x3F65];
	s0 =	simm.s32 @p0 $0x1  }
0x13: {  	[smem:$0x3F80] =	sst s0;
	s0 =	simm.s32 @!p1 $0x0  }
0x14: {  	s2 =	sld [smem:$0x3F64];
	s0 =	simm.s32 @p1 $0x1  }
0x15: {  	[smem:$0x3F81] =	sst s0;
	s0 =	simm.s32 @!p2 $0x0  }
0x16: {  	s3 =	sld [smem:$0x3FDB];
	s0 =	simm.s32 @p2 $0x1  }
0x17: {  	s4 =	simm.s32 $0x1BF5;
	[smem:$0x3F83] =	sst s0  }
0x18: {  	s0 =	sld [smem:$0x3F66];
	_ =	swait.ge [sflag:s4], $0x0  }
0x19: {  	s7 =	sld [smem:$0x3F67]  }
0x1a: {  	s8 =	sadd.s32 $0xFFFFE003, lr  }
0x1b: {  	s9 =	sadd.s32 $0xFFFFFEF7, lr;
	s5 =	simm.s32 $0xFFFFFFFF;
	p2 =	slt.u32 s8, $0xFFFFF086  }
0x1c: {  	p1 =	slt.u32 s9, $0xF7A;
	s5 =	simm.s32 @!p2 $0x0  }
0x1d: {  	s5 =	simm.s32 @p1 $0x1;
	p0 =	seq.s32 s7, s2  }
0x1e: {  	s7 =	smul.u32 @!p0 $0xF7A, s2;
	p2 =	seq.s32 @!p0 s5, $0x0  }
0x1f: {  	s9 =	smul.u32 $0xF7A, s1;
	s8 =	simm.s32 @!p0 $0x1BF5;
	p2 =	por !p2, p0  }
0x20: {  	[sflag:s8] =	ssyncset.s32 @!p0 $0xFFFFF086;
	s6 =	sadd.s32 @!p0 s3, s7;
	s7 =	simm.s32 @!p0 $0x108  }
0x21: {  	s3 =	sadd.s32 s3, s9;
	s6 =	sadd.s32 @!p0 $0x88, s6;
	s7 =	simm.s32 @p2 $0x1082  }
0x22: {  	[simem:s7], [sflag:s8] =	dma.local @!p0 [hbm:s6], $0xF7A  }
0x23: {  	s9 =	sor.u32 $0xD0000000, s2;
	s6 =	simm.s32 $0x108;
	_ =	swait.ge @!p0 [sflag:s8], $0x0  }
0x24: {  	s3 =	sadd.s32 $0x88, s3;
	s6 =	simm.s32 @!p1 $0x1082;
	[sflag:s4] =	ssyncset.s32 $0xFFFFF086  }
0x25: {  	[simem:s6], [sflag:s4] =	dma.local [hbm:s3], $0xF7A  }
0x26: {  	[smem:$0x3F67] =	sst s1;
	(tag) =	ssettag s2;
	_ =	strace s9  }
0x27: {  	s1 =	sld [smem:$0x3F77]  }
0x28: {  	s2 =	sld [smem:$0x3F78]  }
0x29: {  	s4 =	sld [smem:$0x3F7A]  }
0x2a: {  	p0 =	seq.s32 s5, $0x0;
	s5 =	sld [smem:$0x3F7B]  }
0x2b: {  	s6 =	sld [smem:$0x3F7C]  }
0x2c: {  	s7 =	sld [smem:$0x3F7D]  }
0x2d: {  	s3 =	simm.s32 $0x108;
	s8 =	sld [smem:$0x3F7E]  }
0x2e: {  	s3 =	simm.s32 @!p0 $0x1082;
	s9 =	sld [smem:$0x3F7F]  }
0x2f: {  	lr =	sadd.s32 s0, s3;
	s0 =	sld [smem:$0x3F76]  }
0x30: {  	s3 =	sld [smem:$0x3F79]  }
0x31: {  	[smem:$0x3F82] =	sst s10  }
0x32: {  	s10 =	sld [smem:$0x3F80];
	_ =	sdelay $0x3  }
0x33: {  	p0 =	seq.s32 s10, $0x1;
	s10 =	sld [smem:$0x3F82];
	_ =	sdelay $0x3  }
0x34: {  	[smem:$0x3F82] =	sst s10  }
0x35: {  	s10 =	sld [smem:$0x3F81];
	_ =	sdelay $0x3  }
0x36: {  	p1 =	seq.s32 s10, $0x1;
	s10 =	sld [smem:$0x3F82];
	_ =	sdelay $0x3  }
0x37: {  	[smem:$0x3F82] =	sst s10  }
0x38: {  	s10 =	sld [smem:$0x3F83]  }
0x39: {  	_ = 	snop;
	(pc) =	sbr.ind lr, $3  }
0x3a: {  	_ = 	snop  }
0x3b: {  	_ = 	snop  }
0x3c: {  	p2 =	seq.s32 s10, $0x1;
	s10 =	sld [smem:$0x3F82]  }
0x3d: {  	_ =	shalt  }
0x3e: {  	_ =	shalt  }
0x3f: {  	_ =	shalt  }
0x40: {  	_ =	shalt  }
0x41: {  	_ =	shalt  }
0x42: {  	_ =	shalt  }
0x43: {  	_ =	shalt  }
0x44: {  	_ =	shalt  }
0x45: {  	_ =	shalt  }
0x46: {  	_ =	shalt  }
0x47: {  	_ =	shalt  }
0x48: {  	_ =	shalt  }
0x49: {  	_ =	shalt  }
0x4a: {  	_ =	shalt  }
0x4b: {  	_ =	shalt  }
0x4c: {  	_ =	shalt  }
0x4d: {  	_ =	shalt  }
0x4e: {  	_ =	shalt  }
0x4f: {  	_ =	shalt  }
0x50: {  	_ =	shalt  }
0x51: {  	_ =	shalt  }
0x52: {  	_ =	shalt  }
0x53: {  	_ =	shalt  }
0x54: {  	_ =	shalt  }
0x55: {  	_ =	shalt  }
0x56: {  	_ =	shalt  }
0x57: {  	_ =	shalt  }
0x58: {  	_ =	shalt  }
0x59: {  	_ =	shalt  }
0x5a: {  	_ =	shalt  }
0x5b: {  	_ =	shalt  }
0x5c: {  	_ =	shalt  }
0x5d: {  	_ =	shalt  }
0x5e: {  	_ =	shalt  }
0x5f: {  	_ =	shalt  }
0x60: {  	_ =	shalt  }
0x61: {  	_ =	shalt  }
0x62: {  	_ =	shalt  }
0x63: {  	_ =	shalt  }
0x64: {  	_ =	shalt  }
0x65: {  	_ =	shalt  }
0x66: {  	_ =	shalt  }
0x67: {  	_ =	shalt  }
0x68: {  	_ =	shalt  }
0x69: {  	_ =	shalt  }
0x6a: {  	_ =	shalt  }
0x6b: {  	_ =	shalt  }
0x6c: {  	_ =	shalt  }
0x6d: {  	_ =	shalt  }
0x6e: {  	_ =	shalt  }
0x6f: {  	_ =	shalt  }
0x70: {  	_ =	shalt  }
0x71: {  	_ =	shalt  }
0x72: {  	_ =	shalt  }
0x73: {  	_ =	shalt  }
0x74: {  	_ =	shalt  }
0x75: {  	_ =	shalt  }
0x76: {  	_ =	shalt  }
0x77: {  	_ =	shalt  }
0x78: {  	_ =	shalt  }
0x79: {  	_ =	shalt  }
0x7a: {  	_ =	shalt  }
0x7b: {  	_ =	shalt  }
0x7c: {  	_ =	shalt  }
0x7d: {  	_ =	shalt  }
0x7e: {  	_ =	shalt  }
0x7f: {  	_ =	shalt  }
0x80: {  	_ =	shalt  }
0x81: {  	_ =	shalt  }
0x82: {  	_ =	shalt  }
0x83: {  	_ =	shalt  }
0x84: {  	_ =	shalt  }
0x85: {  	_ =	shalt  }
0x86: {  	_ =	shalt  }
0x87: {  	_ =	shalt  }
.Lfunc_end0:
.L_simem_size_0:
called_computation.2_lowered:
.L_overlay_start_0:
0x88: {  	s0 =	sld [smem:$0x3FD9]  }
0x89: {  	s1 =	sld [smem:$0x3FFE];
	_ =	sdelay $0x3  }
0x8a: {  	s0 =	sadd.s32 s1, s0  }
0x8b: {  	[smem:$0x3F8E] =	sst s0  }
0x8c: {  	_ = 	snop  }
0x8d: {  	(tm) =	ssettm $0x1  }
0x8e: {  	s15 =	sld [smem:$0x3FFB];
	_ =	sdelay $0x3  }
0x8f: {  	_ =	strace s15  }
0x90: {  	s0 =	sld [smem:$0x3FFC];
	_ =	sdelay $0x3  }
0x91: {  	_ =	strace s0  }
0x92: {  	s0 =	sld [smem:$0x3FFD];
	_ =	sdelay $0x3  }
0x93: {  	_ =	strace s0  }
0x94: {  	_ =	strace $0x8FFFFFFF  }
0x95: {  	s16 =	sld [smem:$0x3FDB];
	_ =	sdelay $0x1  }
0x96: {  	s17 =	simm.s32 $_scs_section_size  }
0x97: {  	s2 =	simm.s32 $_size__tile_overlayer_lowered;
	s3 =	simm.s32 $_tile_overlayer_lowered  }
0x98: {  	s20 =	simm.s32 $0x1BFF;
	s19 =	sshll.u32 s3, $0x1;
	s0 =	sadd.s32 s17, s16  }
0x99: {  	s4 =	simm.s32 $0x0;
	s18 =	sshll.u32 s2, $0x1;
	s2 =	sadd.s32 s19, s0  }
0x9a: {  	[timem:s4], [sflag:s20] =	dma.local [hbm:s2], s18  }
0x9b: {  	_ =	swait.ge [sflag:s20], s18  }
0x9c: {  	s1 =	ssub.s32 $0x0, s18;
	[sflag:s20] =	ssyncset.done $0x0  }
0x9d: {  	[sflag:s20] =	ssyncadd.s32 s1;
	_ =	sdelay $0x1  }
0x9e: {  	s21 =	simm.s32 $0x1B8B  }
0x9f: {  	_ =	swait.ge [sflag:s21], $0x1  }
0xa0: {  	[sflag:s21] =	ssyncset.done $0x0  }
0xa1: {  	s23 =	simm.s32 $0x1B8E;
	s22 =	sld [smem:$0x3FFE];
	[sflag:s21] =	ssyncadd.s32 $0xFFFFFFFF  }
0xa2: {  	s24 =	simm.s32 $execute0_lowered;
	[smem:$0x3FD2] =	sst s23  }
0xa3: {  	s2 =	sshll.u32 s24, $0x1;
	_ =	strace $0x8000004C;
	[dreg:$0x1] =	wrdreg $0xFFFFFFFF  }
0xa4: {  	s25 =	simm.s32 $_size_execute0_lowered;
	s0 =	sadd.s32 s0, s2;
	[dreg:$0x0] =	wrdreg $0x0  }
0xa5: {  	s2 =	sshll.u32 s25, $0x1;
	[dreg:$0x2] =	wrdreg s0  }
0xa6: {  	[dreg:$0x3] =	wrdreg s2  }
0xa7: {  	[dreg:$0x4] =	wrdreg $0xC0  }
0xa8: {  	_ =	task [dreg:s4], $0x5FFFF  }
0xa9: {  	[dreg:$0x1] =	wrdreg $0xFFFFFFFF  }
0xaa: {  	[dreg:$0x0] =	wrdreg $0x60  }
0xab: {  	[dreg:$0x2] =	wrdreg s22  }
0xac: {  	[dreg:$0x3] =	wrdreg $0x9  }
0xad: {  	_ =	task.clear_ibuf [dreg:s4], $0x4FFFF;
	_ =	strace $0x9000004C  }
0xae: {  	s26 =	simm.s32 $0x9;
	_ =	strace $0x8000004E  }
0xaf: {  	_ =	swait.ge [sflag:s26], $0x1  }
0xb0: {  	[sflag:s26] =	ssyncadd.s32 $0xFFFFFFFF  }
0xb1: {  	_ =	strace $0x9000004E  }
0xb2: {  	_ =	sfence  }
0xb3: {  	s28 =	sld [smem:$0x0];
	_ =	sdelay $0x1  }
0xb4: {  	s29 =	srdreg.scid  }
0xb5: {  	s30 =	sshll.u32 s29, $0xD;
	s31 =	sshrl.u32 s29, $0x2  }
0xb6: {  	s1 =	sand.u32 $0x1, s29;
	s2 =	sand.u32 $0x4000, s30;
	s0 =	sadd.s32 s31, s28  }
0xb7: {  	s1 =	sor.u32 s2, s1;
	s0 =	sshll.u32 s0, $0x11  }
0xb8: {  	s0 =	sor.u32 s0, s1  }
0xb9: {  	s0 =	sadd.s32 $0x8F2B, s0  }
0xba: {  	[sflag:s0] =	ssyncadd.remote.s32 $0x1  }
0xbb: {  	_ =	sfence.sel $0xFFFF  }
0xbc: {  	[dreg:$0x0] =	wrdreg $0xFFFFFFFF;
	(pc) =	sbr.abs _section_cstart, $3  }
0xbd: {  	[dreg:$0x1] =	wrdreg $0xFFFFFFFF  }
0xbe: {  	_ =	task.clear_ibuf [dreg:s4], $0x2FFFF;
	_ =	strace $0x9FFFFFFF  }
0xbf: {  	(tm) =	ssettm $0x7FFFFFFF  }
tec
execute0_lowered:
.L_overlay_start_1:
0x0: {  	(tag) =	ssettag $0x1  }
0x1: {  	s8 =	rddreg [dreg:$0x0]  }
0x2: {  	s0 =	rddreg [dreg:$0x1];
	_ =	strace $0x8000004D  }
0x3: {  	s4 =	simm.s32 $0x1;
	s1 =	stileid.u32;
	s7 =	simm.s32 $0x1  }
0x4: {  	s9 =	simm.s32 $0x1;
	s6 =	simm.s32 $0x2;
	s10 =	simm.s32 $0x3  }
0x5: {  	s13 =	simm.s32 $0x0;
	s12 =	simm.s32 $0x0;
	s2 =	sadd.s32 $0x94B400, s8  }
.Ltmp0:
0x6: {  	s3 =	sadd.s32 $0x1EA600, s8;
	p0 =	slt.u32 s1, $0xA;
	(pc) =	sbr.rel .LBB2_1-.Ltmp0, $4  }
0x7: {  	[sflag:s4] =	ssyncpa.u1 $0x0;
	s7 =	simm.s32 @!p0 $0x0;
	p0 =	sne.s32 s1, $0x9  }
0x8: {  	s5 =	smul.u32 $0x7D0, s1;
	[sflag:s6] =	ssyncpa.u1 $0x0;
	s9 =	simm.s32 @!p0 $0x0  }
0x9: {  	s8 =	sadd.s32 $0x38E400, s8;
	[sflag:s10] =	ssyncpa.u1 $0x0;
	s7 =	sadd.s32 s9, s7  }
0xa: {  	vm0 =	vmmov $0xffff;
	s10 =	simm.s32 $0x0;
	s11 =	smov.u32 s5;
	s9 =	sadd.s32 $0x1, s7  }
.LBB2_4:
0xb: {  	v2 =	vnsel vm1, $0x0, v2  }
0xc: {  	vm1 =	vgt.s32 v0, $0x0;
	v2 =	vmin.u32 v2, $0xC34F  }
0xd: {  	v0 =	vnsel vm1, $0x0, v0  }
0xe: {  	v0 =	vmin.u32 v0, $0xC34F  }
0xf: {  	[tilespmem:s18], [sflag:$0x1] =	stream.indirect_vreg.gather [hbm4b:s2+s10], $0x1, v1, vm0, $0x4038;
	[tilespmem:$0x1F40] =	vst v63  }
0x10: {  	(ifvalue) =	ssetifvalue $0x7FFFFFFF  }
0x11: {  	[tilespmem:s15], [sflag:$0x1] =	stream.indirect_vreg.gather [hbm4b:s2+s10], $0x1, v2, vm0, $0x4038;
	[tilespmem:$0x1F40] =	vst v63  }
0x12: {  	s29 =	sadd.s32 $0x10, s15;
	(ifvalue) =	ssetifvalue $0x7FFFFFFF  }
0x13: {  	[tilespmem:s29], [sflag:$0x1] =	stream.indirect_vreg.gather [hbm4b:s2+s10], $0x1, v0, vm0, $0x4038;
	[tilespmem:$0x1F40] =	vst v63  }
0x14: {  	_ =	swait.ge [sflag:s4], $0x7D0  }
0x15: {  	s30 =	sshrl.u32 s13, $0x3;
	[sflag:s4] =	ssyncset.done $0x0  }
0x16: {  	s31 =	sand.u32 $0x7, s13;
	s15 =	sadd.s32 s8, s30;
	[sflag:s4] =	ssyncadd.s32 $0xFFFFF830  }
0x17: {  	[hbm4b:s15+s31] =	stream.linear.scatter [tilespmem:s14], [sflag:$0x3], $0x7D0, $0x38;
	[tilespmem:$0x1F40] =	vst v63  }
.LBB2_5:
0x18: {  	s15 =	sadd.s32 $0x7D00, s11  }
0x19: {  	p1 =	sgt.s32 s15, $0xC34F  }
0x1a: {  	s15 =	smov.u32 @p1 s5;
	p1 =	sne.s32 s12, s9  }
.Ltmp1:
0x1b: {  	p0 =	slt.u32 s12, $0x2;
	(pc) =	sbr.rel @!p1 .LBB2_6-.Ltmp1, $4  }
0x1c: {  	s14 =	simm.s32 @!p0 $0x3  }
0x1d: {  	_ =	swait.ge @!p0 [sflag:s14], $0x7D0  }
0x1e: {  	s16 =	sadd.s32 $0x1, s12;
	s13 =	smov.u32 s11;
	[sflag:s14] =	ssyncset.done @!p0 $0x0  }
0x1f: {  	s12 =	smov.u32 s16;
	s11 =	smov.u32 s15;
	[sflag:s14] =	ssyncadd.s32 @!p0 $0xFFFFF830  }
.LBB2_1:
0x20: {  	p0 =	sge.u32 s12, s7  }
0x21: {  	s14 =	sxor.u32 @!p0 $0x1, s12  }
0x22: {  	s14 =	smul.u32 @!p0 $0x1F40, s14  }
0x23: {  	s31 =	sadd.s32 $0xFFFFFFFF, s12;
	s15 =	sshrl.u32 @!p0 s11, $0x3  }
0x24: {  	s16 =	sand.u32 @!p0 $0x7, s11;
	s15 =	sadd.s32 @!p0 s3, s15;
	s14 =	sshra.s32 @!p0 s14, $0x2  }
0x25: {  	[tilespmem:s14], [sflag:$0x2] =	stream.linear.gather @!p0 [hbm4b:s15+s16], $0x7D0, $0x38;
	[tilespmem:$0x1F40] =	vst v63  }
0x26: {  	p0 =	sge.u32 s31, s7  }
.Ltmp2:
0x27: {  	_ = 	snop;
	(pc) =	sbr.rel @p0 .LBB2_5-.Ltmp2, $1  }
0x28: {  	_ =	sdelay $0x3  }
0x29: {  	s14 =	sand.u32 $0x1, s12  }
0x2a: {  	_ =	swait.ge [sflag:s6], $0x7D0;
	p0 =	seq.s32 s14, $0x1;
	s14 =	simm.s32 $0x7D0  }
0x2b: {  	[sflag:s6] =	ssyncset.done $0x0;
	s14 =	simm.s32 @!p0 $0x0  }
0x2c: {  	[sflag:s6] =	ssyncadd.s32 $0xFFFFF830;
	(ifvalue) =	ssetifvalue $0x7FFFFFFF;
	v0 =	vld.msk [tilespmem:s14+$0x0 ss:$0x1], $0xffff;
	_ =	sdelay $0x4  }
0x2d: {  	s15 =	sadd.s32 $0x10, s14;
	vm1 =	vgt.s32 v0, $0x0  }
0x2e: {  	v2 =	vld.msk [tilespmem:s15+$0x0 ss:$0x1], $0xffff;
	v1 =	vnsel vm1, $0x0, v0  }
0x2f: {  	v1 =	vmin.u32 v1, $0xC34F;
	_ =	sdelay $0x2  }
0x30: {  	s17 =	simm.s32 $0x20;
	s14 =	sadd.s32 $0xFA0, s14;
	s16 =	sadd.s32 $0x10, s15  }
0x31: {  	s15 =	sadd.s32 $0x10, s14;
	s18 =	smov.u32 s14;
	v0 =	vld.msk [tilespmem:s16+$0x0 ss:$0x1], $0xffff;
	vm1 =	vgt.s32 v2, $0x0;
	(ifvalue) =	ssetifvalue $0x7FFFFFFF  }
.LBB2_3:
0x32: {  	[tilespmem:s18], [sflag:$0x1] =	stream.indirect_vreg.gather [hbm4b:s2+s10], $0x1, v1, vm0, $0x4038;
	[tilespmem:$0x1F40] =	vst v63  }
0x33: {  	s17 =	sadd.s32 $0x10, s17  }
0x34: {  	v2 =	vnsel vm1, $0x0, v2;
	p0 =	slt.u32 s17, $0x7C0  }
.Ltmp3:
0x35: {  	s18 =	smov.u32 s15;
	v1 =	vmin.u32 v2, $0xC34F;
	(pc) =	sbr.rel @p0 .LBB2_3-.Ltmp3, $3  }
0x36: {  	_ =	sdelay $0x1  }
0x37: {  	s16 =	sadd.s32 $0x10, s16  }
0x38: {  	vm1 =	vgt.s32 v0, $0x0;
	s15 =	sadd.s32 $0x10, s15;
	v2 =	vmov v0;
	(ifvalue) =	ssetifvalue $0x7FFFFFFF;
	v0 =	vld.msk [tilespmem:s16+$0x0 ss:$0x1], $0xffff  }
.Ltmp4:
0x39: {  	_ = 	snop;
	(pc) =	sbr.rel .LBB2_4-.Ltmp4, $1  }
0x3a: {  	_ =	sdelay $0x3  }
.LBB2_6:
0x3b: {  	_ =	sfence.sel $0x180000  }
0x3c: {  	s2 =	simm.s32 $0x2;
	[bflag:$0x0] =	sbarrier.arrive $0xFFFF  }
0x3d: {  	s30 =	simm.s32 $0x3;
	[sflag:s2] =	ssyncpa.u1 $0x1  }
0x3e: {  	s31 =	simm.s32 $0x1;
	[sflag:s30] =	ssyncpa.u1 $0x1  }
0x3f: {  	[sflag:s31] =	ssyncpa.u1 $0x1  }
0x40: {  	p0 =	sne.s32 s1, $0x0;
	_ =	strace $0x9000004D  }
0x41: {  	s0 =	sadd.s32 @!p0 $0x100000, s0;
	[bflag:$0x2] =	sbarrier.arrive $0xFFFF  }
0x42: {  	[sflag:s0] =	ssyncadd.tile.s32 @!p0 $0x1;
	_ =	shalt  }
.Lfunc_end2:
_tile_overlayer_lowered:
.L_overlay_start_2:
0x43: {  	(tag) =	ssettag $0x2  }
0x44: {  	s0 =	rddreg [dreg:$0x0];
	s2 =	stileid.u32  }
0x45: {  	s1 =	rddreg [dreg:$0x1];
	p0 =	sne.s32 s2, $0x0  }
0x46: {  	s3 =	rddreg [dreg:$0x2];
	[bflag:$0x3] =	sbarrier.arrive $0xFFFF;
	s2 =	simm.s32 @!p0 $0x1C01  }
0x47: {  	[timem:s3], [sflag:s2] =	dma.local @!p0 [hbm:s0], s1  }
0x48: {  	s0 =	simm.s32 @!p0 $0x1  }
0x49: {  	_ =	swait.ge @!p0 [sflag:s0], s1  }
0x4a: {  	s1 =	ssub.s32 @!p0 $0x0, s1;
	[sflag:s0] =	ssyncset.done @!p0 $0x0  }
0x4b: {  	[sflag:s0] =	ssyncadd.s32 @!p0 s1  }
0x4c: {  	[bflag:$0x3] =	sbarrier.arrive $0xFFFF  }
0x4d: {  	_ =	shalt  }

// kernel: gather_offload_async_start.3
scs
__scs_entry_jumppad:
0x0: {  	(pc) =	sbr.rel $0x88, $3  }
0x1: {  	(tag) =	ssettag $0x0;
	lr =	simm.s32 $0x1  }
0x2: {  	[smem:$0x3F67] =	sst lr;
	_ =	strace $0xD0000000  }
0x3: {  	_ = 	snop  }
0x4: {  	_ = 	snop  }
0x5: {  	_ = 	snop  }
0x6: {  	_ = 	snop  }
0x7: {  	_ = 	snop  }
__scs_overlays_trampoline_lowered:
0x8: {  	[smem:$0x3F76] =	sst s0  }
0x9: {  	[smem:$0x3F77] =	sst s1  }
0xa: {  	[smem:$0x3F78] =	sst s2  }
0xb: {  	[smem:$0x3F79] =	sst s3  }
0xc: {  	[smem:$0x3F7A] =	sst s4  }
0xd: {  	[smem:$0x3F7B] =	sst s5  }
0xe: {  	[smem:$0x3F7C] =	sst s6  }
0xf: {  	[smem:$0x3F7D] =	sst s7  }
0x10: {  	[smem:$0x3F7E] =	sst s8  }
0x11: {  	[smem:$0x3F7F] =	sst s9;
	s0 =	simm.s32 @!p0 $0x0  }
0x12: {  	s1 =	sld [smem:$0x3F65];
	s0 =	simm.s32 @p0 $0x1  }
0x13: {  	[smem:$0x3F80] =	sst s0;
	s0 =	simm.s32 @!p1 $0x0  }
0x14: {  	s2 =	sld [smem:$0x3F64];
	s0 =	simm.s32 @p1 $0x1  }
0x15: {  	[smem:$0x3F81] =	sst s0;
	s0 =	simm.s32 @!p2 $0x0  }
0x16: {  	s3 =	sld [smem:$0x3FDB];
	s0 =	simm.s32 @p2 $0x1  }
0x17: {  	s4 =	simm.s32 $0x1BF5;
	[smem:$0x3F83] =	sst s0  }
0x18: {  	s0 =	sld [smem:$0x3F66];
	_ =	swait.ge [sflag:s4], $0x0  }
0x19: {  	s7 =	sld [smem:$0x3F67]  }
0x1a: {  	s8 =	sadd.s32 $0xFFFFE003, lr  }
0x1b: {  	s9 =	sadd.s32 $0xFFFFFEF7, lr;
	s5 =	simm.s32 $0xFFFFFFFF;
	p2 =	slt.u32 s8, $0xFFFFF086  }
0x1c: {  	p1 =	slt.u32 s9, $0xF7A;
	s5 =	simm.s32 @!p2 $0x0  }
0x1d: {  	s5 =	simm.s32 @p1 $0x1;
	p0 =	seq.s32 s7, s2  }
0x1e: {  	s7 =	smul.u32 @!p0 $0xF7A, s2;
	p2 =	seq.s32 @!p0 s5, $0x0  }
0x1f: {  	s9 =	smul.u32 $0xF7A, s1;
	s8 =	simm.s32 @!p0 $0x1BF5;
	p2 =	por !p2, p0  }
0x20: {  	[sflag:s8] =	ssyncset.s32 @!p0 $0xFFFFF086;
	s6 =	sadd.s32 @!p0 s3, s7;
	s7 =	simm.s32 @!p0 $0x108  }
0x21: {  	s3 =	sadd.s32 s3, s9;
	s6 =	sadd.s32 @!p0 $0x88, s6;
	s7 =	simm.s32 @p2 $0x1082  }
0x22: {  	[simem:s7], [sflag:s8] =	dma.local @!p0 [hbm:s6], $0xF7A  }
0x23: {  	s9 =	sor.u32 $0xD0000000, s2;
	s6 =	simm.s32 $0x108;
	_ =	swait.ge @!p0 [sflag:s8], $0x0  }
0x24: {  	s3 =	sadd.s32 $0x88, s3;
	s6 =	simm.s32 @!p1 $0x1082;
	[sflag:s4] =	ssyncset.s32 $0xFFFFF086  }
0x25: {  	[simem:s6], [sflag:s4] =	dma.local [hbm:s3], $0xF7A  }
0x26: {  	[smem:$0x3F67] =	sst s1;
	(tag) =	ssettag s2;
	_ =	strace s9  }
0x27: {  	s1 =	sld [smem:$0x3F77]  }
0x28: {  	s2 =	sld [smem:$0x3F78]  }
0x29: {  	s4 =	sld [smem:$0x3F7A]  }
0x2a: {  	p0 =	seq.s32 s5, $0x0;
	s5 =	sld [smem:$0x3F7B]  }
0x2b: {  	s6 =	sld [smem:$0x3F7C]  }
0x2c: {  	s7 =	sld [smem:$0x3F7D]  }
0x2d: {  	s3 =	simm.s32 $0x108;
	s8 =	sld [smem:$0x3F7E]  }
0x2e: {  	s3 =	simm.s32 @!p0 $0x1082;
	s9 =	sld [smem:$0x3F7F]  }
0x2f: {  	lr =	sadd.s32 s0, s3;
	s0 =	sld [smem:$0x3F76]  }
0x30: {  	s3 =	sld [smem:$0x3F79]  }
0x31: {  	[smem:$0x3F82] =	sst s10  }
0x32: {  	s10 =	sld [smem:$0x3F80];
	_ =	sdelay $0x3  }
0x33: {  	p0 =	seq.s32 s10, $0x1;
	s10 =	sld [smem:$0x3F82];
	_ =	sdelay $0x3  }
0x34: {  	[smem:$0x3F82] =	sst s10  }
0x35: {  	s10 =	sld [smem:$0x3F81];
	_ =	sdelay $0x3  }
0x36: {  	p1 =	seq.s32 s10, $0x1;
	s10 =	sld [smem:$0x3F82];
	_ =	sdelay $0x3  }
0x37: {  	[smem:$0x3F82] =	sst s10  }
0x38: {  	s10 =	sld [smem:$0x3F83]  }
0x39: {  	_ = 	snop;
	(pc) =	sbr.ind lr, $3  }
0x3a: {  	_ = 	snop  }
0x3b: {  	_ = 	snop  }
0x3c: {  	p2 =	seq.s32 s10, $0x1;
	s10 =	sld [smem:$0x3F82]  }
0x3d: {  	_ =	shalt  }
0x3e: {  	_ =	shalt  }
0x3f: {  	_ =	shalt  }
0x40: {  	_ =	shalt  }
0x41: {  	_ =	shalt  }
0x42: {  	_ =	shalt  }
0x43: {  	_ =	shalt  }
0x44: {  	_ =	shalt  }
0x45: {  	_ =	shalt  }
0x46: {  	_ =	shalt  }
0x47: {  	_ =	shalt  }
0x48: {  	_ =	shalt  }
0x49: {  	_ =	shalt  }
0x4a: {  	_ =	shalt  }
0x4b: {  	_ =	shalt  }
0x4c: {  	_ =	shalt  }
0x4d: {  	_ =	shalt  }
0x4e: {  	_ =	shalt  }
0x4f: {  	_ =	shalt  }
0x50: {  	_ =	shalt  }
0x51: {  	_ =	shalt  }
0x52: {  	_ =	shalt  }
0x53: {  	_ =	shalt  }
0x54: {  	_ =	shalt  }
0x55: {  	_ =	shalt  }
0x56: {  	_ =	shalt  }
0x57: {  	_ =	shalt  }
0x58: {  	_ =	shalt  }
0x59: {  	_ =	shalt  }
0x5a: {  	_ =	shalt  }
0x5b: {  	_ =	shalt  }
0x5c: {  	_ =	shalt  }
0x5d: {  	_ =	shalt  }
0x5e: {  	_ =	shalt  }
0x5f: {  	_ =	shalt  }
0x60: {  	_ =	shalt  }
0x61: {  	_ =	shalt  }
0x62: {  	_ =	shalt  }
0x63: {  	_ =	shalt  }
0x64: {  	_ =	shalt  }
0x65: {  	_ =	shalt  }
0x66: {  	_ =	shalt  }
0x67: {  	_ =	shalt  }
0x68: {  	_ =	shalt  }
0x69: {  	_ =	shalt  }
0x6a: {  	_ =	shalt  }
0x6b: {  	_ =	shalt  }
0x6c: {  	_ =	shalt  }
0x6d: {  	_ =	shalt  }
0x6e: {  	_ =	shalt  }
0x6f: {  	_ =	shalt  }
0x70: {  	_ =	shalt  }
0x71: {  	_ =	shalt  }
0x72: {  	_ =	shalt  }
0x73: {  	_ =	shalt  }
0x74: {  	_ =	shalt  }
0x75: {  	_ =	shalt  }
0x76: {  	_ =	shalt  }
0x77: {  	_ =	shalt  }
0x78: {  	_ =	shalt  }
0x79: {  	_ =	shalt  }
0x7a: {  	_ =	shalt  }
0x7b: {  	_ =	shalt  }
0x7c: {  	_ =	shalt  }
0x7d: {  	_ =	shalt  }
0x7e: {  	_ =	shalt  }
0x7f: {  	_ =	shalt  }
0x80: {  	_ =	shalt  }
0x81: {  	_ =	shalt  }
0x82: {  	_ =	shalt  }
0x83: {  	_ =	shalt  }
0x84: {  	_ =	shalt  }
0x85: {  	_ =	shalt  }
0x86: {  	_ =	shalt  }
0x87: {  	_ =	shalt  }
.Lfunc_end0:
.L_simem_size_0:
called_computation.3_lowered:
.L_overlay_start_0:
0x88: {  	s0 =	sld [smem:$0x3FD9]  }
0x89: {  	s1 =	sld [smem:$0x3FFE];
	_ =	sdelay $0x3  }
0x8a: {  	s0 =	sadd.s32 s1, s0  }
0x8b: {  	[smem:$0x3F8E] =	sst s0  }
0x8c: {  	_ = 	snop  }
0x8d: {  	s0 =	sld [smem:$0x3FD0];
	_ =	sdelay $0x2  }
0x8e: {  	s13 =	simm.s32 $0xA;
	s2 =	simm.s32 $0x10  }
0x8f: {  	[smem:s2], [sflag:s13] =	dma.local [hbm:s0], $0x1  }
0x90: {  	_ =	swait.eq [sflag:s13], $0x1  }
0x91: {  	[sflag:s13] =	ssyncset.done $0x0  }
0x92: {  	[sflag:s13] =	ssyncadd.s32 $0xFFFFFFFF  }
0x93: {  	s14 =	sld [smem:$0x11];
	(tm) =	ssettm $0x1  }
0x94: {  	s15 =	sld [smem:$0x3FFB];
	_ =	sdelay $0x3  }
0x95: {  	_ =	strace s15  }
0x96: {  	s1 =	sld [smem:$0x3FFC];
	_ =	sdelay $0x3  }
0x97: {  	_ =	strace s1  }
0x98: {  	s1 =	sld [smem:$0x3FFD];
	_ =	sdelay $0x3  }
0x99: {  	_ =	strace s1  }
0x9a: {  	_ =	strace $0x8FFFFFFF  }
0x9b: {  	s16 =	sld [smem:$0x3FDB];
	_ =	sdelay $0x1  }
0x9c: {  	s17 =	simm.s32 $_scs_section_size  }
0x9d: {  	s3 =	simm.s32 $_size__tile_overlayer_lowered;
	s4 =	simm.s32 $_tile_overlayer_lowered  }
0x9e: {  	s20 =	simm.s32 $0x1BFF;
	s19 =	sshll.u32 s4, $0x1;
	s1 =	sadd.s32 s17, s16  }
0x9f: {  	s5 =	simm.s32 $0x0;
	s18 =	sshll.u32 s3, $0x1;
	s3 =	sadd.s32 s19, s1  }
0xa0: {  	[timem:s5], [sflag:s20] =	dma.local [hbm:s3], s18  }
0xa1: {  	_ =	swait.ge [sflag:s20], s18  }
0xa2: {  	s2 =	ssub.s32 $0x0, s18;
	[sflag:s20] =	ssyncset.done $0x0  }
0xa3: {  	[sflag:s20] =	ssyncadd.s32 s2;
	_ =	sdelay $0x1  }
0xa4: {  	s21 =	simm.s32 $0x1B8B  }
0xa5: {  	_ =	swait.ge [sflag:s21], $0x1  }
0xa6: {  	[sflag:s21] =	ssyncset.done $0x0  }
0xa7: {  	s23 =	simm.s32 $0x1B8E;
	s22 =	sld [smem:$0x3FFE];
	[sflag:s21] =	ssyncadd.s32 $0xFFFFFFFF  }
0xa8: {  	s24 =	simm.s32 $execute0_lowered;
	[smem:$0x3FD2] =	sst s23  }
0xa9: {  	s3 =	sshll.u32 s24, $0x1;
	_ =	strace $0x8000004F;
	[dreg:$0x1] =	wrdreg $0xFFFFFFFF  }
0xaa: {  	s25 =	simm.s32 $_size_execute0_lowered;
	s1 =	sadd.s32 s1, s3;
	[dreg:$0x0] =	wrdreg $0x0  }
0xab: {  	s3 =	sshll.u32 s25, $0x1;
	[dreg:$0x2] =	wrdreg s1  }
0xac: {  	[dreg:$0x3] =	wrdreg s3  }
0xad: {  	[dreg:$0x4] =	wrdreg $0xC0  }
0xae: {  	_ =	task [dreg:s5], $0x5FFFF  }
0xaf: {  	[dreg:$0x1] =	wrdreg $0xFFFFFFFF  }
0xb0: {  	[dreg:$0x0] =	wrdreg $0x60  }
0xb1: {  	[dreg:$0x2] =	wrdreg s22  }
0xb2: {  	[dreg:$0x3] =	wrdreg s14  }
0xb3: {  	[dreg:$0x4] =	wrdreg $0x9  }
0xb4: {  	_ =	task.clear_ibuf [dreg:s5], $0x5FFFF;
	_ =	strace $0x9000004F  }
0xb5: {  	s26 =	simm.s32 $0x9;
	_ =	strace $0x80000051  }
0xb6: {  	_ =	swait.ge [sflag:s26], $0x1  }
0xb7: {  	[sflag:s26] =	ssyncadd.s32 $0xFFFFFFFF  }
0xb8: {  	_ =	strace $0x90000051  }
0xb9: {  	_ =	sfence  }
0xba: {  	s28 =	sld [smem:$0x0];
	_ =	sdelay $0x1  }
0xbb: {  	s29 =	srdreg.scid  }
0xbc: {  	s30 =	sshll.u32 s29, $0xD;
	s31 =	sshrl.u32 s29, $0x2  }
0xbd: {  	s2 =	sand.u32 $0x4000, s30;
	s1 =	sand.u32 $0x1, s29;
	s0 =	sadd.s32 s31, s28  }
0xbe: {  	s1 =	sor.u32 s2, s1;
	s0 =	sshll.u32 s0, $0x11  }
0xbf: {  	s0 =	sor.u32 s0, s1  }
0xc0: {  	s0 =	sadd.s32 $0x8F2B, s0  }
0xc1: {  	[sflag:s0] =	ssyncadd.remote.s32 $0x1  }
0xc2: {  	_ =	sfence.sel $0xFFFF  }
0xc3: {  	[dreg:$0x0] =	wrdreg $0xFFFFFFFF;
	(pc) =	sbr.abs _section_cstart, $3  }
0xc4: {  	[dreg:$0x1] =	wrdreg $0xFFFFFFFF  }
0xc5: {  	_ =	task.clear_ibuf [dreg:s5], $0x2FFFF;
	_ =	strace $0x9FFFFFFF  }
0xc6: {  	(tm) =	ssettm $0x7FFFFFFF  }
0xc7: {  	_ =	shalt  }
tec
execute0_lowered:
.L_overlay_start_1:
0x0: {  	(tag) =	ssettag $0x1  }
0x1: {  	s8 =	rddreg [dreg:$0x0]  }
0x2: {  	s2 =	rddreg [dreg:$0x1]  }
0x3: {  	s0 =	rddreg [dreg:$0x2]  }
0x4: {  	_ =	strace $0x80000050;
	s4 =	simm.s32 $0x1;
	s1 =	stileid.u32  }
0x5: {  	s7 =	simm.s32 $0x1;
	s9 =	simm.s32 $0x1;
	s6 =	simm.s32 $0x2  }
0x6: {  	s10 =	simm.s32 $0x3;
	s13 =	simm.s32 $0x0;
	s12 =	simm.s32 $0x0  }
.Ltmp0:
0x7: {  	s3 =	sadd.s32 $0x94CE00, s8;
	p0 =	slt.u32 s1, $0xA;
	(pc) =	sbr.rel .LBB2_1-.Ltmp0, $4  }
0x8: {  	[sflag:s4] =	ssyncpa.u1 $0x0;
	s7 =	simm.s32 @!p0 $0x0;
	p0 =	sne.s32 s1, $0x9  }
0x9: {  	s5 =	smul.u32 $0x7D0, s1;
	[sflag:s6] =	ssyncpa.u1 $0x0;
	s9 =	simm.s32 @!p0 $0x0  }
0xa: {  	s8 =	sadd.s32 $0x1EA600, s8;
	[sflag:s10] =	ssyncpa.u1 $0x0;
	s7 =	sadd.s32 s9, s7  }
0xb: {  	vm0 =	vmmov $0xffff;
	s10 =	simm.s32 $0x0;
	s11 =	smov.u32 s5;
	s9 =	sadd.s32 $0x1, s7  }
.LBB2_4:
0xc: {  	v2 =	vnsel vm1, $0x0, v2  }
0xd: {  	vm1 =	vgt.s32 v0, $0x0;
	v2 =	vmin.u32 v2, $0xC34F  }
0xe: {  	v0 =	vnsel vm1, $0x0, v0  }
0xf: {  	v0 =	vmin.u32 v0, $0xC34F  }
0x10: {  	[tilespmem:s18], [sflag:$0x1] =	stream.indirect_vreg.gather [hbm4b:s3+s10], $0x1, v1, vm0, $0x4038;
	[tilespmem:$0x1F40] =	vst v63  }
0x11: {  	(ifvalue) =	ssetifvalue $0x7FFFFFFF  }
0x12: {  	[tilespmem:s15], [sflag:$0x1] =	stream.indirect_vreg.gather [hbm4b:s3+s10], $0x1, v2, vm0, $0x4038;
	[tilespmem:$0x1F40] =	vst v63  }
0x13: {  	s29 =	sadd.s32 $0x10, s15;
	(ifvalue) =	ssetifvalue $0x7FFFFFFF  }
0x14: {  	[tilespmem:s29], [sflag:$0x1] =	stream.indirect_vreg.gather [hbm4b:s3+s10], $0x1, v0, vm0, $0x4038;
	[tilespmem:$0x1F40] =	vst v63  }
0x15: {  	_ =	swait.ge [sflag:s4], $0x7D0  }
0x16: {  	s30 =	sshrl.u32 s13, $0x3;
	[sflag:s4] =	ssyncset.done $0x0  }
0x17: {  	s31 =	sand.u32 $0x7, s13;
	s15 =	sadd.s32 s2, s30;
	[sflag:s4] =	ssyncadd.s32 $0xFFFFF830  }
0x18: {  	[hbm4b:s15+s31] =	stream.linear.scatter [tilespmem:s14], [sflag:$0x3], $0x7D0, $0x38;
	[tilespmem:$0x1F40] =	vst v63  }
.LBB2_5:
0x19: {  	s15 =	sadd.s32 $0x7D00, s11  }
0x1a: {  	p1 =	sgt.s32 s15, $0xC34F  }
0x1b: {  	s15 =	smov.u32 @p1 s5;
	p1 =	sne.s32 s12, s9  }
.Ltmp1:
0x1c: {  	p0 =	slt.u32 s12, $0x2;
	(pc) =	sbr.rel @!p1 .LBB2_6-.Ltmp1, $4  }
0x1d: {  	s14 =	simm.s32 @!p0 $0x3  }
0x1e: {  	_ =	swait.ge @!p0 [sflag:s14], $0x7D0  }
0x1f: {  	s16 =	sadd.s32 $0x1, s12;
	s13 =	smov.u32 s11;
	[sflag:s14] =	ssyncset.done @!p0 $0x0  }
0x20: {  	s12 =	smov.u32 s16;
	s11 =	smov.u32 s15;
	[sflag:s14] =	ssyncadd.s32 @!p0 $0xFFFFF830  }
.LBB2_1:
0x21: {  	p0 =	sge.u32 s12, s7  }
0x22: {  	s14 =	sxor.u32 @!p0 $0x1, s12  }
0x23: {  	s14 =	smul.u32 @!p0 $0x1F40, s14  }
0x24: {  	s31 =	sadd.s32 $0xFFFFFFFF, s12;
	s15 =	sshrl.u32 @!p0 s11, $0x3  }
0x25: {  	s16 =	sand.u32 @!p0 $0x7, s11;
	s15 =	sadd.s32 @!p0 s8, s15;
	s14 =	sshra.s32 @!p0 s14, $0x2  }
0x26: {  	[tilespmem:s14], [sflag:$0x2] =	stream.linear.gather @!p0 [hbm4b:s15+s16], $0x7D0, $0x38;
	[tilespmem:$0x1F40] =	vst v63  }
0x27: {  	p0 =	sge.u32 s31, s7  }
.Ltmp2:
0x28: {  	_ = 	snop;
	(pc) =	sbr.rel @p0 .LBB2_5-.Ltmp2, $1  }
0x29: {  	_ =	sdelay $0x3  }
0x2a: {  	s14 =	sand.u32 $0x1, s12  }
0x2b: {  	_ =	swait.ge [sflag:s6], $0x7D0;
	p0 =	seq.s32 s14, $0x1;
	s14 =	simm.s32 $0x7D0  }
0x2c: {  	[sflag:s6] =	ssyncset.done $0x0;
	s14 =	simm.s32 @!p0 $0x0  }
0x2d: {  	[sflag:s6] =	ssyncadd.s32 $0xFFFFF830;
	(ifvalue) =	ssetifvalue $0x7FFFFFFF;
	v0 =	vld.msk [tilespmem:s14+$0x0 ss:$0x1], $0xffff;
	_ =	sdelay $0x4  }
0x2e: {  	s15 =	sadd.s32 $0x10, s14;
	vm1 =	vgt.s32 v0, $0x0  }
0x2f: {  	v2 =	vld.msk [tilespmem:s15+$0x0 ss:$0x1], $0xffff;
	v1 =	vnsel vm1, $0x0, v0  }
0x30: {  	v1 =	vmin.u32 v1, $0xC34F;
	_ =	sdelay $0x2  }
0x31: {  	s17 =	simm.s32 $0x20;
	s14 =	sadd.s32 $0xFA0, s14;
	s16 =	sadd.s32 $0x10, s15  }
0x32: {  	s15 =	sadd.s32 $0x10, s14;
	s18 =	smov.u32 s14;
	v0 =	vld.msk [tilespmem:s16+$0x0 ss:$0x1], $0xffff;
	vm1 =	vgt.s32 v2, $0x0;
	(ifvalue) =	ssetifvalue $0x7FFFFFFF  }
.LBB2_3:
0x33: {  	[tilespmem:s18], [sflag:$0x1] =	stream.indirect_vreg.gather [hbm4b:s3+s10], $0x1, v1, vm0, $0x4038;
	[tilespmem:$0x1F40] =	vst v63  }
0x34: {  	s17 =	sadd.s32 $0x10, s17  }
0x35: {  	v2 =	vnsel vm1, $0x0, v2;
	p0 =	slt.u32 s17, $0x7C0  }
.Ltmp3:
0x36: {  	s18 =	smov.u32 s15;
	v1 =	vmin.u32 v2, $0xC34F;
	(pc) =	sbr.rel @p0 .LBB2_3-.Ltmp3, $3  }
0x37: {  	_ =	sdelay $0x1  }
0x38: {  	s16 =	sadd.s32 $0x10, s16  }
0x39: {  	vm1 =	vgt.s32 v0, $0x0;
	s15 =	sadd.s32 $0x10, s15;
	v2 =	vmov v0;
	(ifvalue) =	ssetifvalue $0x7FFFFFFF;
	v0 =	vld.msk [tilespmem:s16+$0x0 ss:$0x1], $0xffff  }
.Ltmp4:
0x3a: {  	_ = 	snop;
	(pc) =	sbr.rel .LBB2_4-.Ltmp4, $1  }
0x3b: {  	_ =	sdelay $0x3  }
.LBB2_6:
0x3c: {  	_ =	sfence.sel $0x180000  }
0x3d: {  	s2 =	simm.s32 $0x2;
	[bflag:$0x0] =	sbarrier.arrive $0xFFFF  }
0x3e: {  	s30 =	simm.s32 $0x3;
	[sflag:s2] =	ssyncpa.u1 $0x1  }
0x3f: {  	s31 =	simm.s32 $0x1;
	[sflag:s30] =	ssyncpa.u1 $0x1  }
0x40: {  	[sflag:s31] =	ssyncpa.u1 $0x1  }
0x41: {  	p0 =	sne.s32 s1, $0x0;
	_ =	strace $0x90000050  }
0x42: {  	s0 =	sadd.s32 @!p0 $0x100000, s0;
	[bflag:$0x2] =	sbarrier.arrive $0xFFFF  }
0x43: {  	[sflag:s0] =	ssyncadd.tile.s32 @!p0 $0x1;
	_ =	shalt  }
.Lfunc_end2:
_tile_overlayer_lowered:
.L_overlay_start_2:
0x44: {  	(tag) =	ssettag $0x2  }
0x45: {  	s0 =	rddreg [dreg:$0x0];
	s2 =	stileid.u32  }
0x46: {  	s1 =	rddreg [dreg:$0x1];
	p0 =	sne.s32 s2, $0x0  }
0x47: {  	s3 =	rddreg [dreg:$0x2];
	[bflag:$0x3] =	sbarrier.arrive $0xFFFF;
	s2 =	simm.s32 @!p0 $0x1C01  }
0x48: {  	[timem:s3], [sflag:s2] =	dma.local @!p0 [hbm:s0], s1  }
0x49: {  	s0 =	simm.s32 @!p0 $0x1  }
0x4a: {  	_ =	swait.ge @!p0 [sflag:s0], s1  }
0x4b: {  	s1 =	ssub.s32 @!p0 $0x0, s1;
	[sflag:s0] =	ssyncset.done @!p0 $0x0  }
0x4c: {  	[sflag:s0] =	ssyncadd.s32 @!p0 s1  }
0x4d: {  	[bflag:$0x3] =	sbarrier.arrive $0xFFFF  }
0x4e: {  	_ =	shalt  }

// kernel: gather_offload_async_start.4
scs
__scs_entry_jumppad:
0x0: {  	(pc) =	sbr.rel $0x88, $3  }
0x1: {  	(tag) =	ssettag $0x0;
	lr =	simm.s32 $0x1  }
0x2: {  	[smem:$0x3F67] =	sst lr;
	_ =	strace $0xD0000000  }
0x3: {  	_ = 	snop  }
0x4: {  	_ = 	snop  }
0x5: {  	_ = 	snop  }
0x6: {  	_ = 	snop  }
0x7: {  	_ = 	snop  }
__scs_overlays_trampoline_lowered:
0x8: {  	[smem:$0x3F76] =	sst s0  }
0x9: {  	[smem:$0x3F77] =	sst s1  }
0xa: {  	[smem:$0x3F78] =	sst s2  }
0xb: {  	[smem:$0x3F79] =	sst s3  }
0xc: {  	[smem:$0x3F7A] =	sst s4  }
0xd: {  	[smem:$0x3F7B] =	sst s5  }
0xe: {  	[smem:$0x3F7C] =	sst s6  }
0xf: {  	[smem:$0x3F7D] =	sst s7  }
0x10: {  	[smem:$0x3F7E] =	sst s8  }
0x11: {  	[smem:$0x3F7F] =	sst s9;
	s0 =	simm.s32 @!p0 $0x0  }
0x12: {  	s1 =	sld [smem:$0x3F65];
	s0 =	simm.s32 @p0 $0x1  }
0x13: {  	[smem:$0x3F80] =	sst s0;
	s0 =	simm.s32 @!p1 $0x0  }
0x14: {  	s2 =	sld [smem:$0x3F64];
	s0 =	simm.s32 @p1 $0x1  }
0x15: {  	[smem:$0x3F81] =	sst s0;
	s0 =	simm.s32 @!p2 $0x0  }
0x16: {  	s3 =	sld [smem:$0x3FDB];
	s0 =	simm.s32 @p2 $0x1  }
0x17: {  	s4 =	simm.s32 $0x1BF5;
	[smem:$0x3F83] =	sst s0  }
0x18: {  	s0 =	sld [smem:$0x3F66];
	_ =	swait.ge [sflag:s4], $0x0  }
0x19: {  	s7 =	sld [smem:$0x3F67]  }
0x1a: {  	s8 =	sadd.s32 $0xFFFFE003, lr  }
0x1b: {  	s9 =	sadd.s32 $0xFFFFFEF7, lr;
	s5 =	simm.s32 $0xFFFFFFFF;
	p2 =	slt.u32 s8, $0xFFFFF086  }
0x1c: {  	p1 =	slt.u32 s9, $0xF7A;
	s5 =	simm.s32 @!p2 $0x0  }
0x1d: {  	s5 =	simm.s32 @p1 $0x1;
	p0 =	seq.s32 s7, s2  }
0x1e: {  	s7 =	smul.u32 @!p0 $0xF7A, s2;
	p2 =	seq.s32 @!p0 s5, $0x0  }
0x1f: {  	s9 =	smul.u32 $0xF7A, s1;
	s8 =	simm.s32 @!p0 $0x1BF5;
	p2 =	por !p2, p0  }
0x20: {  	[sflag:s8] =	ssyncset.s32 @!p0 $0xFFFFF086;
	s6 =	sadd.s32 @!p0 s3, s7;
	s7 =	simm.s32 @!p0 $0x108  }
0x21: {  	s3 =	sadd.s32 s3, s9;
	s6 =	sadd.s32 @!p0 $0x88, s6;
	s7 =	simm.s32 @p2 $0x1082  }
0x22: {  	[simem:s7], [sflag:s8] =	dma.local @!p0 [hbm:s6], $0xF7A  }
0x23: {  	s9 =	sor.u32 $0xD0000000, s2;
	s6 =	simm.s32 $0x108;
	_ =	swait.ge @!p0 [sflag:s8], $0x0  }
0x24: {  	s3 =	sadd.s32 $0x88, s3;
	s6 =	simm.s32 @!p1 $0x1082;
	[sflag:s4] =	ssyncset.s32 $0xFFFFF086  }
0x25: {  	[simem:s6], [sflag:s4] =	dma.local [hbm:s3], $0xF7A  }
0x26: {  	[smem:$0x3F67] =	sst s1;
	(tag) =	ssettag s2;
	_ =	strace s9  }
0x27: {  	s1 =	sld [smem:$0x3F77]  }
0x28: {  	s2 =	sld [smem:$0x3F78]  }
0x29: {  	s4 =	sld [smem:$0x3F7A]  }
0x2a: {  	p0 =	seq.s32 s5, $0x0;
	s5 =	sld [smem:$0x3F7B]  }
0x2b: {  	s6 =	sld [smem:$0x3F7C]  }
0x2c: {  	s7 =	sld [smem:$0x3F7D]  }
0x2d: {  	s3 =	simm.s32 $0x108;
	s8 =	sld [smem:$0x3F7E]  }
0x2e: {  	s3 =	simm.s32 @!p0 $0x1082;
	s9 =	sld [smem:$0x3F7F]  }
0x2f: {  	lr =	sadd.s32 s0, s3;
	s0 =	sld [smem:$0x3F76]  }
0x30: {  	s3 =	sld [smem:$0x3F79]  }
0x31: {  	[smem:$0x3F82] =	sst s10  }
0x32: {  	s10 =	sld [smem:$0x3F80];
	_ =	sdelay $0x3  }
0x33: {  	p0 =	seq.s32 s10, $0x1;
	s10 =	sld [smem:$0x3F82];
	_ =	sdelay $0x3  }
0x34: {  	[smem:$0x3F82] =	sst s10  }
0x35: {  	s10 =	sld [smem:$0x3F81];
	_ =	sdelay $0x3  }
0x36: {  	p1 =	seq.s32 s10, $0x1;
	s10 =	sld [smem:$0x3F82];
	_ =	sdelay $0x3  }
0x37: {  	[smem:$0x3F82] =	sst s10  }
0x38: {  	s10 =	sld [smem:$0x3F83]  }
0x39: {  	_ = 	snop;
	(pc) =	sbr.ind lr, $3  }
0x3a: {  	_ = 	snop  }
0x3b: {  	_ = 	snop  }
0x3c: {  	p2 =	seq.s32 s10, $0x1;
	s10 =	sld [smem:$0x3F82]  }
0x3d: {  	_ =	shalt  }
0x3e: {  	_ =	shalt  }
0x3f: {  	_ =	shalt  }
0x40: {  	_ =	shalt  }
0x41: {  	_ =	shalt  }
0x42: {  	_ =	shalt  }
0x43: {  	_ =	shalt  }
0x44: {  	_ =	shalt  }
0x45: {  	_ =	shalt  }
0x46: {  	_ =	shalt  }
0x47: {  	_ =	shalt  }
0x48: {  	_ =	shalt  }
0x49: {  	_ =	shalt  }
0x4a: {  	_ =	shalt  }
0x4b: {  	_ =	shalt  }
0x4c: {  	_ =	shalt  }
0x4d: {  	_ =	shalt  }
0x4e: {  	_ =	shalt  }
0x4f: {  	_ =	shalt  }
0x50: {  	_ =	shalt  }
0x51: {  	_ =	shalt  }
0x52: {  	_ =	shalt  }
0x53: {  	_ =	shalt  }
0x54: {  	_ =	shalt  }
0x55: {  	_ =	shalt  }
0x56: {  	_ =	shalt  }
0x57: {  	_ =	shalt  }
0x58: {  	_ =	shalt  }
0x59: {  	_ =	shalt  }
0x5a: {  	_ =	shalt  }
0x5b: {  	_ =	shalt  }
0x5c: {  	_ =	shalt  }
0x5d: {  	_ =	shalt  }
0x5e: {  	_ =	shalt  }
0x5f: {  	_ =	shalt  }
0x60: {  	_ =	shalt  }
0x61: {  	_ =	shalt  }
0x62: {  	_ =	shalt  }
0x63: {  	_ =	shalt  }
0x64: {  	_ =	shalt  }
0x65: {  	_ =	shalt  }
0x66: {  	_ =	shalt  }
0x67: {  	_ =	shalt  }
0x68: {  	_ =	shalt  }
0x69: {  	_ =	shalt  }
0x6a: {  	_ =	shalt  }
0x6b: {  	_ =	shalt  }
0x6c: {  	_ =	shalt  }
0x6d: {  	_ =	shalt  }
0x6e: {  	_ =	shalt  }
0x6f: {  	_ =	shalt  }
0x70: {  	_ =	shalt  }
0x71: {  	_ =	shalt  }
0x72: {  	_ =	shalt  }
0x73: {  	_ =	shalt  }
0x74: {  	_ =	shalt  }
0x75: {  	_ =	shalt  }
0x76: {  	_ =	shalt  }
0x77: {  	_ =	shalt  }
0x78: {  	_ =	shalt  }
0x79: {  	_ =	shalt  }
0x7a: {  	_ =	shalt  }
0x7b: {  	_ =	shalt  }
0x7c: {  	_ =	shalt  }
0x7d: {  	_ =	shalt  }
0x7e: {  	_ =	shalt  }
0x7f: {  	_ =	shalt  }
0x80: {  	_ =	shalt  }
0x81: {  	_ =	shalt  }
0x82: {  	_ =	shalt  }
0x83: {  	_ =	shalt  }
0x84: {  	_ =	shalt  }
0x85: {  	_ =	shalt  }
0x86: {  	_ =	shalt  }
0x87: {  	_ =	shalt  }
.Lfunc_end0:
.L_simem_size_0:
called_computation.4_lowered:
.L_overlay_start_0:
0x88: {  	s2 =	sld [smem:$0x3FD9]  }
0x89: {  	s3 =	sld [smem:$0x3FFE];
	_ =	sdelay $0x1  }
0x8a: {  	s1 =	srdreg.scid  }
0x8b: {  	s0 =	sand.u32 $0x1, s1  }
0x8c: {  	s16 =	sshll.u32 s0, $0xA;
	s2 =	sadd.s32 s3, s2  }
0x8d: {  	s2 =	sadd.s32 s2, s16  }
0x8e: {  	[smem:$0x3F8E] =	sst s2  }
0x8f: {  	_ = 	snop  }
0x90: {  	(tm) =	ssettm $0x1  }
0x91: {  	s17 =	sld [smem:$0x3FFB];
	_ =	sdelay $0x3  }
0x92: {  	_ =	strace s17  }
0x93: {  	s2 =	sld [smem:$0x3FFC];
	_ =	sdelay $0x3  }
0x94: {  	_ =	strace s2  }
0x95: {  	s2 =	sld [smem:$0x3FFD];
	_ =	sdelay $0x3  }
0x96: {  	_ =	strace s2  }
0x97: {  	_ =	strace $0x8FFFFFFF  }
0x98: {  	s18 =	sld [smem:$0x3FDB];
	_ =	sdelay $0x1  }
0x99: {  	s19 =	simm.s32 $_scs_section_size  }
0x9a: {  	s4 =	simm.s32 $_size__tile_overlayer_lowered;
	s5 =	simm.s32 $_tile_overlayer_lowered  }
0x9b: {  	s22 =	simm.s32 $0x1BFF;
	s21 =	sshll.u32 s5, $0x1;
	s2 =	sadd.s32 s19, s18  }
0x9c: {  	s6 =	simm.s32 $0x0;
	s20 =	sshll.u32 s4, $0x1;
	s4 =	sadd.s32 s21, s2  }
0x9d: {  	[timem:s6], [sflag:s22] =	dma.local [hbm:s4], s20  }
0x9e: {  	_ =	swait.ge [sflag:s22], s20  }
0x9f: {  	s3 =	ssub.s32 $0x0, s20;
	[sflag:s22] =	ssyncset.done $0x0  }
0xa0: {  	[sflag:s22] =	ssyncadd.s32 s3;
	_ =	sdelay $0x1  }
0xa1: {  	s23 =	simm.s32 $0x1B8B  }
0xa2: {  	_ =	swait.ge [sflag:s23], $0x1  }
0xa3: {  	[sflag:s23] =	ssyncset.done $0x0  }
0xa4: {  	s25 =	simm.s32 $0x1B8E;
	s24 =	sld [smem:$0x3FFE];
	[sflag:s23] =	ssyncadd.s32 $0xFFFFFFFF  }
0xa5: {  	s26 =	simm.s32 $execute0_lowered;
	[smem:$0x3FD2] =	sst s25  }
0xa6: {  	s4 =	sshll.u32 s26, $0x1;
	_ =	strace $0x80000052;
	[dreg:$0x1] =	wrdreg $0xFFFFFFFF  }
0xa7: {  	s28 =	simm.s32 $_size_execute0_lowered;
	s2 =	sadd.s32 s2, s4;
	[dreg:$0x0] =	wrdreg $0x0  }
0xa8: {  	s4 =	sshll.u32 s28, $0x1;
	[dreg:$0x2] =	wrdreg s2  }
0xa9: {  	[dreg:$0x3] =	wrdreg s4  }
0xaa: {  	[dreg:$0x4] =	wrdreg $0xC0  }
0xab: {  	_ =	task [dreg:s6], $0x5FFFF  }
0xac: {  	[dreg:$0x1] =	wrdreg $0xFFFFFFFF  }
0xad: {  	[dreg:$0x0] =	wrdreg $0x60  }
0xae: {  	[dreg:$0x2] =	wrdreg s24  }
0xaf: {  	[dreg:$0x3] =	wrdreg $0x9  }
0xb0: {  	_ =	task.clear_ibuf [dreg:s6], $0x4FFFF;
	_ =	strace $0x90000052  }
0xb1: {  	s29 =	simm.s32 $0x9;
	_ =	strace $0x80000054  }
0xb2: {  	_ =	swait.ge [sflag:s29], $0x1  }
0xb3: {  	[sflag:s29] =	ssyncadd.s32 $0xFFFFFFFF  }
0xb4: {  	_ =	strace $0x90000054  }
0xb5: {  	_ =	sfence  }
0xb6: {  	s30 =	sld [smem:$0x0];
	_ =	sdelay $0x2  }
0xb7: {  	s31 =	sshll.u32 s1, $0xD;
	s1 =	sshrl.u32 s1, $0x2  }
0xb8: {  	s3 =	sand.u32 $0x4000, s31;
	s1 =	sadd.s32 s1, s30  }
0xb9: {  	s0 =	sor.u32 s3, s0;
	s1 =	sshll.u32 s1, $0x11  }
0xba: {  	s0 =	sor.u32 s1, s0  }
0xbb: {  	s0 =	sadd.s32 $0x8F2B, s0  }
0xbc: {  	[sflag:s0] =	ssyncadd.remote.s32 $0x1  }
0xbd: {  	_ =	sfence.sel $0xFFFF  }
0xbe: {  	[dreg:$0x0] =	wrdreg $0xFFFFFFFF;
	(pc) =	sbr.abs _section_cstart, $3  }
0xbf: {  	[dreg:$0x1] =	wrdreg $0xFFFFFFFF  }
0xc0: {  	_ =	task.clear_ibuf [dreg:s6], $0x2FFFF;
	_ =	strace $0x9FFFFFFF  }
0xc1: {  	(tm) =	ssettm $0x7FFFFFFF  }
tec
execute0_lowered:
.L_overlay_start_1:
0x0: {  	(tag) =	ssettag $0x1  }
0x1: {  	s8 =	rddreg [dreg:$0x0];
	s1 =	stileid.u32  }
0x2: {  	s2 =	srdreg.scid;
	s0 =	rddreg [dreg:$0x1]  }
0x3: {  	_ =	strace $0x80000053;
	s5 =	simm.s32 $0x1;
	s9 =	simm.s32 $0x1  }
0x4: {  	s10 =	simm.s32 $0x3;
	s3 =	sand.u32 $0x1, s2;
	s4 =	sshll.u32 s1, $0x1  }
0x5: {  	s13 =	simm.s32 $0x0;
	s12 =	simm.s32 $0x0;
	s6 =	sor.u32 s4, s3  }
0x6: {  	s2 =	sadd.s32 $0x25B400, s8;
	[sflag:s5] =	ssyncpa.u1 $0x0;
	s4 =	smul.u32 $0xA0, s6  }
0x7: {  	s3 =	sadd.s32 $0x25B800, s8;
	p0 =	slt.u32 s6, $0x13;
	s6 =	simm.s32 $0x1400  }
.Ltmp0:
0x8: {  	s6 =	simm.s32 @!p0 $0x0;
	s7 =	ssub.s32 $0x1F40, s4;
	(pc) =	sbr.rel .LBB2_1-.Ltmp0, $4  }
0x9: {  	s9 =	simm.s32 @!p0 $0x0;
	p0 =	sne.s32 s7, s6;
	s7 =	simm.s32 $0x1  }
0xa: {  	s8 =	sadd.s32 $0x38E400, s8;
	s6 =	simm.s32 $0x2;
	s7 =	simm.s32 @!p0 $0x0  }
0xb: {  	s11 =	smov.u32 s4;
	[sflag:s6] =	ssyncpa.u1 $0x0;
	s7 =	sadd.s32 s9, s7  }
0xc: {  	vm0 =	vmmov $0xffff;
	[sflag:s10] =	ssyncpa.u1 $0x0;
	s10 =	simm.s32 $0x0;
	s9 =	sadd.s32 $0x1, s7  }
.LBB2_4:
0xd: {  	v2 =	vnsel vm1, $0x0, v2  }
0xe: {  	vm1 =	vgt.s32 v0, $0x0;
	v2 =	vmin.u32 v2, $0x1F3F  }
0xf: {  	v0 =	vnsel vm1, $0x0, v0  }
0x10: {  	v0 =	vmin.u32 v0, $0x1F3F  }
0x11: {  	[tilespmem:s18], [sflag:$0x1] =	stream.indirect_vreg.gather [hbm4b:s2+s10], $0x1, v1, vm0, $0x4038;
	[tilespmem:$0x280] =	vst v63  }
0x12: {  	(ifvalue) =	ssetifvalue $0x7FFFFFFF  }
0x13: {  	[tilespmem:s15], [sflag:$0x1] =	stream.indirect_vreg.gather [hbm4b:s2+s10], $0x1, v2, vm0, $0x4038;
	[tilespmem:$0x280] =	vst v63  }
0x14: {  	s29 =	sadd.s32 $0x10, s15;
	(ifvalue) =	ssetifvalue $0x7FFFFFFF  }
0x15: {  	[tilespmem:s29], [sflag:$0x1] =	stream.indirect_vreg.gather [hbm4b:s2+s10], $0x1, v0, vm0, $0x4038;
	[tilespmem:$0x280] =	vst v63  }
0x16: {  	_ =	swait.ge [sflag:s5], $0xA0  }
0x17: {  	s30 =	sshrl.u32 s13, $0x3;
	[sflag:s5] =	ssyncset.done $0x0  }
0x18: {  	s31 =	sand.u32 $0x7, s13;
	s15 =	sadd.s32 s8, s30;
	[sflag:s5] =	ssyncadd.s32 $0xFFFFFF60  }
0x19: {  	[hbm4b:s15+s31] =	stream.linear.scatter [tilespmem:s14], [sflag:$0x3], $0xA0, $0x38;
	[tilespmem:$0x280] =	vst v63  }
.LBB2_5:
0x1a: {  	s15 =	sadd.s32 $0x1400, s11  }
0x1b: {  	p1 =	sgt.s32 s15, $0x1F3F  }
0x1c: {  	s15 =	smov.u32 @p1 s4;
	p1 =	sne.s32 s12, s9  }
.Ltmp1:
0x1d: {  	p0 =	slt.u32 s12, $0x2;
	(pc) =	sbr.rel @!p1 .LBB2_6-.Ltmp1, $4  }
0x1e: {  	s14 =	simm.s32 @!p0 $0x3  }
0x1f: {  	_ =	swait.ge @!p0 [sflag:s14], $0xA0  }
0x20: {  	s16 =	sadd.s32 $0x1, s12;
	s13 =	smov.u32 s11;
	[sflag:s14] =	ssyncset.done @!p0 $0x0  }
0x21: {  	s12 =	smov.u32 s16;
	s11 =	smov.u32 s15;
	[sflag:s14] =	ssyncadd.s32 @!p0 $0xFFFFFF60  }
.LBB2_1:
0x22: {  	p0 =	sge.u32 s12, s7  }
0x23: {  	s14 =	sxor.u32 @!p0 $0x1, s12  }
0x24: {  	s14 =	smul.u32 @!p0 $0x280, s14  }
0x25: {  	s31 =	sadd.s32 $0xFFFFFFFF, s12;
	s15 =	sshrl.u32 @!p0 s11, $0x3  }
0x26: {  	s16 =	sand.u32 @!p0 $0x7, s11;
	s15 =	sadd.s32 @!p0 s3, s15;
	s14 =	sshra.s32 @!p0 s14, $0x2  }
0x27: {  	[tilespmem:s14], [sflag:$0x2] =	stream.linear.gather @!p0 [hbm4b:s15+s16], $0xA0, $0x38;
	[tilespmem:$0x280] =	vst v63  }
0x28: {  	p0 =	sge.u32 s31, s7  }
.Ltmp2:
0x29: {  	_ = 	snop;
	(pc) =	sbr.rel @p0 .LBB2_5-.Ltmp2, $1  }
0x2a: {  	_ =	sdelay $0x3  }
0x2b: {  	s14 =	sand.u32 $0x1, s12  }
0x2c: {  	_ =	swait.ge [sflag:s6], $0xA0;
	p0 =	seq.s32 s14, $0x1;
	s14 =	simm.s32 $0xA0  }
0x2d: {  	[sflag:s6] =	ssyncset.done $0x0;
	s14 =	simm.s32 @!p0 $0x0  }
0x2e: {  	[sflag:s6] =	ssyncadd.s32 $0xFFFFFF60;
	(ifvalue) =	ssetifvalue $0x7FFFFFFF;
	v0 =	vld.msk [tilespmem:s14+$0x0 ss:$0x1], $0xffff;
	_ =	sdelay $0x4  }
0x2f: {  	s15 =	sadd.s32 $0x10, s14;
	vm1 =	vgt.s32 v0, $0x0  }
0x30: {  	v2 =	vld.msk [tilespmem:s15+$0x0 ss:$0x1], $0xffff;
	v1 =	vnsel vm1, $0x0, v0  }
0x31: {  	v1 =	vmin.u32 v1, $0x1F3F;
	_ =	sdelay $0x2  }
0x32: {  	s17 =	simm.s32 $0x20;
	s14 =	sor.u32 $0x140, s14;
	s16 =	sadd.s32 $0x10, s15  }
0x33: {  	s15 =	sadd.s32 $0x10, s14;
	s18 =	smov.u32 s14;
	v0 =	vld.msk [tilespmem:s16+$0x0 ss:$0x1], $0xffff;
	vm1 =	vgt.s32 v2, $0x0;
	(ifvalue) =	ssetifvalue $0x7FFFFFFF  }
.LBB2_3:
0x34: {  	[tilespmem:s18], [sflag:$0x1] =	stream.indirect_vreg.gather [hbm4b:s2+s10], $0x1, v1, vm0, $0x4038;
	[tilespmem:$0x280] =	vst v63  }
0x35: {  	s17 =	sadd.s32 $0x10, s17  }
0x36: {  	v2 =	vnsel vm1, $0x0, v2;
	p0 =	slt.u32 s17, $0x90  }
.Ltmp3:
0x37: {  	s18 =	smov.u32 s15;
	v1 =	vmin.u32 v2, $0x1F3F;
	(pc) =	sbr.rel @p0 .LBB2_3-.Ltmp3, $3  }
0x38: {  	_ =	sdelay $0x1  }
0x39: {  	s16 =	sadd.s32 $0x10, s16  }
0x3a: {  	vm1 =	vgt.s32 v0, $0x0;
	s15 =	sadd.s32 $0x10, s15;
	v2 =	vmov v0;
	(ifvalue) =	ssetifvalue $0x7FFFFFFF;
	v0 =	vld.msk [tilespmem:s16+$0x0 ss:$0x1], $0xffff  }
.Ltmp4:
0x3b: {  	_ = 	snop;
	(pc) =	sbr.rel .LBB2_4-.Ltmp4, $1  }
0x3c: {  	_ =	sdelay $0x3  }
.LBB2_6:
0x3d: {  	_ =	sfence.sel $0x180000  }
0x3e: {  	s2 =	simm.s32 $0x2;
	[bflag:$0x0] =	sbarrier.arrive $0xFFFF  }
0x3f: {  	s30 =	simm.s32 $0x3;
	[sflag:s2] =	ssyncpa.u1 $0x1  }
0x40: {  	s31 =	simm.s32 $0x1;
	[sflag:s30] =	ssyncpa.u1 $0x1  }
0x41: {  	[sflag:s31] =	ssyncpa.u1 $0x1  }
0x42: {  	p0 =	sne.s32 s1, $0x0;
	_ =	strace $0x90000053  }
0x43: {  	s0 =	sadd.s32 @!p0 $0x100000, s0;
	[bflag:$0x2] =	sbarrier.arrive $0xFFFF  }
0x44: {  	[sflag:s0] =	ssyncadd.tile.s32 @!p0 $0x1;
	_ =	shalt  }
.Lfunc_end2:
_tile_overlayer_lowered:
.L_overlay_start_2:
0x45: {  	(tag) =	ssettag $0x2  }
0x46: {  	s0 =	rddreg [dreg:$0x0];
	s2 =	stileid.u32  }
0x47: {  	s1 =	rddreg [dreg:$0x1];
	p0 =	sne.s32 s2, $0x0  }
0x48: {  	s3 =	rddreg [dreg:$0x2];
	[bflag:$0x3] =	sbarrier.arrive $0xFFFF;
	s2 =	simm.s32 @!p0 $0x1C01  }
0x49: {  	[timem:s3], [sflag:s2] =	dma.local @!p0 [hbm:s0], s1  }
0x4a: {  	s0 =	simm.s32 @!p0 $0x1  }
0x4b: {  	_ =	swait.ge @!p0 [sflag:s0], s1  }
0x4c: {  	s1 =	ssub.s32 @!p0 $0x0, s1;
	[sflag:s0] =	ssyncset.done @!p0 $0x0  }
0x4d: {  	[sflag:s0] =	ssyncadd.s32 @!p0 s1  }
0x4e: {  	[bflag:$0x3] =	sbarrier.arrive $0xFFFF  }
0x4f: {  	_ =	shalt  }

// kernel: gather_offload_async_start.5
scs
__scs_entry_jumppad:
0x0: {  	(pc) =	sbr.rel $0x88, $3  }
0x1: {  	(tag) =	ssettag $0x0;
	lr =	simm.s32 $0x1  }
0x2: {  	[smem:$0x3F67] =	sst lr;
	_ =	strace $0xD0000000  }
0x3: {  	_ = 	snop  }
0x4: {  	_ = 	snop  }
0x5: {  	_ = 	snop  }
0x6: {  	_ = 	snop  }
0x7: {  	_ = 	snop  }
__scs_overlays_trampoline_lowered:
0x8: {  	[smem:$0x3F76] =	sst s0  }
0x9: {  	[smem:$0x3F77] =	sst s1  }
0xa: {  	[smem:$0x3F78] =	sst s2  }
0xb: {  	[smem:$0x3F79] =	sst s3  }
0xc: {  	[smem:$0x3F7A] =	sst s4  }
0xd: {  	[smem:$0x3F7B] =	sst s5  }
0xe: {  	[smem:$0x3F7C] =	sst s6  }
0xf: {  	[smem:$0x3F7D] =	sst s7  }
0x10: {  	[smem:$0x3F7E] =	sst s8  }
0x11: {  	[smem:$0x3F7F] =	sst s9;
	s0 =	simm.s32 @!p0 $0x0  }
0x12: {  	s1 =	sld [smem:$0x3F65];
	s0 =	simm.s32 @p0 $0x1  }
0x13: {  	[smem:$0x3F80] =	sst s0;
	s0 =	simm.s32 @!p1 $0x0  }
0x14: {  	s2 =	sld [smem:$0x3F64];
	s0 =	simm.s32 @p1 $0x1  }
0x15: {  	[smem:$0x3F81] =	sst s0;
	s0 =	simm.s32 @!p2 $0x0  }
0x16: {  	s3 =	sld [smem:$0x3FDB];
	s0 =	simm.s32 @p2 $0x1  }
0x17: {  	s4 =	simm.s32 $0x1BF5;
	[smem:$0x3F83] =	sst s0  }
0x18: {  	s0 =	sld [smem:$0x3F66];
	_ =	swait.ge [sflag:s4], $0x0  }
0x19: {  	s7 =	sld [smem:$0x3F67]  }
0x1a: {  	s8 =	sadd.s32 $0xFFFFE003, lr  }
0x1b: {  	s9 =	sadd.s32 $0xFFFFFEF7, lr;
	s5 =	simm.s32 $0xFFFFFFFF;
	p2 =	slt.u32 s8, $0xFFFFF086  }
0x1c: {  	p1 =	slt.u32 s9, $0xF7A;
	s5 =	simm.s32 @!p2 $0x0  }
0x1d: {  	s5 =	simm.s32 @p1 $0x1;
	p0 =	seq.s32 s7, s2  }
0x1e: {  	s7 =	smul.u32 @!p0 $0xF7A, s2;
	p2 =	seq.s32 @!p0 s5, $0x0  }
0x1f: {  	s9 =	smul.u32 $0xF7A, s1;
	s8 =	simm.s32 @!p0 $0x1BF5;
	p2 =	por !p2, p0  }
0x20: {  	[sflag:s8] =	ssyncset.s32 @!p0 $0xFFFFF086;
	s6 =	sadd.s32 @!p0 s3, s7;
	s7 =	simm.s32 @!p0 $0x108  }
0x21: {  	s3 =	sadd.s32 s3, s9;
	s6 =	sadd.s32 @!p0 $0x88, s6;
	s7 =	simm.s32 @p2 $0x1082  }
0x22: {  	[simem:s7], [sflag:s8] =	dma.local @!p0 [hbm:s6], $0xF7A  }
0x23: {  	s9 =	sor.u32 $0xD0000000, s2;
	s6 =	simm.s32 $0x108;
	_ =	swait.ge @!p0 [sflag:s8], $0x0  }
0x24: {  	s3 =	sadd.s32 $0x88, s3;
	s6 =	simm.s32 @!p1 $0x1082;
	[sflag:s4] =	ssyncset.s32 $0xFFFFF086  }
0x25: {  	[simem:s6], [sflag:s4] =	dma.local [hbm:s3], $0xF7A  }
0x26: {  	[smem:$0x3F67] =	sst s1;
	(tag) =	ssettag s2;
	_ =	strace s9  }
0x27: {  	s1 =	sld [smem:$0x3F77]  }
0x28: {  	s2 =	sld [smem:$0x3F78]  }
0x29: {  	s4 =	sld [smem:$0x3F7A]  }
0x2a: {  	p0 =	seq.s32 s5, $0x0;
	s5 =	sld [smem:$0x3F7B]  }
0x2b: {  	s6 =	sld [smem:$0x3F7C]  }
0x2c: {  	s7 =	sld [smem:$0x3F7D]  }
0x2d: {  	s3 =	simm.s32 $0x108;
	s8 =	sld [smem:$0x3F7E]  }
0x2e: {  	s3 =	simm.s32 @!p0 $0x1082;
	s9 =	sld [smem:$0x3F7F]  }
0x2f: {  	lr =	sadd.s32 s0, s3;
	s0 =	sld [smem:$0x3F76]  }
0x30: {  	s3 =	sld [smem:$0x3F79]  }
0x31: {  	[smem:$0x3F82] =	sst s10  }
0x32: {  	s10 =	sld [smem:$0x3F80];
	_ =	sdelay $0x3  }
0x33: {  	p0 =	seq.s32 s10, $0x1;
	s10 =	sld [smem:$0x3F82];
	_ =	sdelay $0x3  }
0x34: {  	[smem:$0x3F82] =	sst s10  }
0x35: {  	s10 =	sld [smem:$0x3F81];
	_ =	sdelay $0x3  }
0x36: {  	p1 =	seq.s32 s10, $0x1;
	s10 =	sld [smem:$0x3F82];
	_ =	sdelay $0x3  }
0x37: {  	[smem:$0x3F82] =	sst s10  }
0x38: {  	s10 =	sld [smem:$0x3F83]  }
0x39: {  	_ = 	snop;
	(pc) =	sbr.ind lr, $3  }
0x3a: {  	_ = 	snop  }
0x3b: {  	_ = 	snop  }
0x3c: {  	p2 =	seq.s32 s10, $0x1;
	s10 =	sld [smem:$0x3F82]  }
0x3d: {  	_ =	shalt  }
0x3e: {  	_ =	shalt  }
0x3f: {  	_ =	shalt  }
0x40: {  	_ =	shalt  }
0x41: {  	_ =	shalt  }
0x42: {  	_ =	shalt  }
0x43: {  	_ =	shalt  }
0x44: {  	_ =	shalt  }
0x45: {  	_ =	shalt  }
0x46: {  	_ =	shalt  }
0x47: {  	_ =	shalt  }
0x48: {  	_ =	shalt  }
0x49: {  	_ =	shalt  }
0x4a: {  	_ =	shalt  }
0x4b: {  	_ =	shalt  }
0x4c: {  	_ =	shalt  }
0x4d: {  	_ =	shalt  }
0x4e: {  	_ =	shalt  }
0x4f: {  	_ =	shalt  }
0x50: {  	_ =	shalt  }
0x51: {  	_ =	shalt  }
0x52: {  	_ =	shalt  }
0x53: {  	_ =	shalt  }
0x54: {  	_ =	shalt  }
0x55: {  	_ =	shalt  }
0x56: {  	_ =	shalt  }
0x57: {  	_ =	shalt  }
0x58: {  	_ =	shalt  }
0x59: {  	_ =	shalt  }
0x5a: {  	_ =	shalt  }
0x5b: {  	_ =	shalt  }
0x5c: {  	_ =	shalt  }
0x5d: {  	_ =	shalt  }
0x5e: {  	_ =	shalt  }
0x5f: {  	_ =	shalt  }
0x60: {  	_ =	shalt  }
0x61: {  	_ =	shalt  }
0x62: {  	_ =	shalt  }
0x63: {  	_ =	shalt  }
0x64: {  	_ =	shalt  }
0x65: {  	_ =	shalt  }
0x66: {  	_ =	shalt  }
0x67: {  	_ =	shalt  }
0x68: {  	_ =	shalt  }
0x69: {  	_ =	shalt  }
0x6a: {  	_ =	shalt  }
0x6b: {  	_ =	shalt  }
0x6c: {  	_ =	shalt  }
0x6d: {  	_ =	shalt  }
0x6e: {  	_ =	shalt  }
0x6f: {  	_ =	shalt  }
0x70: {  	_ =	shalt  }
0x71: {  	_ =	shalt  }
0x72: {  	_ =	shalt  }
0x73: {  	_ =	shalt  }
0x74: {  	_ =	shalt  }
0x75: {  	_ =	shalt  }
0x76: {  	_ =	shalt  }
0x77: {  	_ =	shalt  }
0x78: {  	_ =	shalt  }
0x79: {  	_ =	shalt  }
0x7a: {  	_ =	shalt  }
0x7b: {  	_ =	shalt  }
0x7c: {  	_ =	shalt  }
0x7d: {  	_ =	shalt  }
0x7e: {  	_ =	shalt  }
0x7f: {  	_ =	shalt  }
0x80: {  	_ =	shalt  }
0x81: {  	_ =	shalt  }
0x82: {  	_ =	shalt  }
0x83: {  	_ =	shalt  }
0x84: {  	_ =	shalt  }
0x85: {  	_ =	shalt  }
0x86: {  	_ =	shalt  }
0x87: {  	_ =	shalt  }
.Lfunc_end0:
.L_simem_size_0:
called_computation.5_lowered:
.L_overlay_start_0:
0x88: {  	s2 =	sld [smem:$0x3FD9]  }
0x89: {  	s3 =	sld [smem:$0x3FFE];
	_ =	sdelay $0x1  }
0x8a: {  	s1 =	srdreg.scid  }
0x8b: {  	s0 =	sand.u32 $0x1, s1  }
0x8c: {  	s16 =	sshll.u32 s0, $0xA;
	s2 =	sadd.s32 s3, s2  }
0x8d: {  	s2 =	sadd.s32 s2, s16  }
0x8e: {  	[smem:$0x3F8E] =	sst s2  }
0x8f: {  	_ = 	snop  }
0x90: {  	(tm) =	ssettm $0x1  }
0x91: {  	s17 =	sld [smem:$0x3FFB];
	_ =	sdelay $0x3  }
0x92: {  	_ =	strace s17  }
0x93: {  	s2 =	sld [smem:$0x3FFC];
	_ =	sdelay $0x3  }
0x94: {  	_ =	strace s2  }
0x95: {  	s2 =	sld [smem:$0x3FFD];
	_ =	sdelay $0x3  }
0x96: {  	_ =	strace s2  }
0x97: {  	_ =	strace $0x8FFFFFFF  }
0x98: {  	s18 =	sld [smem:$0x3FDB];
	_ =	sdelay $0x1  }
0x99: {  	s19 =	simm.s32 $_scs_section_size  }
0x9a: {  	s4 =	simm.s32 $_size__tile_overlayer_lowered;
	s5 =	simm.s32 $_tile_overlayer_lowered  }
0x9b: {  	s22 =	simm.s32 $0x1BFF;
	s21 =	sshll.u32 s5, $0x1;
	s2 =	sadd.s32 s19, s18  }
0x9c: {  	s6 =	simm.s32 $0x0;
	s20 =	sshll.u32 s4, $0x1;
	s4 =	sadd.s32 s21, s2  }
0x9d: {  	[timem:s6], [sflag:s22] =	dma.local [hbm:s4], s20  }
0x9e: {  	_ =	swait.ge [sflag:s22], s20  }
0x9f: {  	s3 =	ssub.s32 $0x0, s20;
	[sflag:s22] =	ssyncset.done $0x0  }
0xa0: {  	[sflag:s22] =	ssyncadd.s32 s3;
	_ =	sdelay $0x1  }
0xa1: {  	s23 =	simm.s32 $0x1B8B  }
0xa2: {  	_ =	swait.ge [sflag:s23], $0x1  }
0xa3: {  	[sflag:s23] =	ssyncset.done $0x0  }
0xa4: {  	s25 =	simm.s32 $0x1B8E;
	s24 =	sld [smem:$0x3FFE];
	[sflag:s23] =	ssyncadd.s32 $0xFFFFFFFF  }
0xa5: {  	s26 =	simm.s32 $execute0_lowered;
	[smem:$0x3FD2] =	sst s25  }
0xa6: {  	s4 =	sshll.u32 s26, $0x1;
	_ =	strace $0x80000055;
	[dreg:$0x1] =	wrdreg $0xFFFFFFFF  }
0xa7: {  	s28 =	simm.s32 $_size_execute0_lowered;
	s2 =	sadd.s32 s2, s4;
	[dreg:$0x0] =	wrdreg $0x0  }
0xa8: {  	s4 =	sshll.u32 s28, $0x1;
	[dreg:$0x2] =	wrdreg s2  }
0xa9: {  	[dreg:$0x3] =	wrdreg s4  }
0xaa: {  	[dreg:$0x4] =	wrdreg $0xC0  }
0xab: {  	_ =	task [dreg:s6], $0x5FFFF  }
0xac: {  	[dreg:$0x1] =	wrdreg $0xFFFFFFFF  }
0xad: {  	[dreg:$0x0] =	wrdreg $0x60  }
0xae: {  	[dreg:$0x2] =	wrdreg s24  }
0xaf: {  	[dreg:$0x3] =	wrdreg $0x9  }
0xb0: {  	_ =	task.clear_ibuf [dreg:s6], $0x4FFFF;
	_ =	strace $0x90000055  }
0xb1: {  	s29 =	simm.s32 $0x9;
	_ =	strace $0x80000057  }
0xb2: {  	_ =	swait.ge [sflag:s29], $0x1  }
0xb3: {  	[sflag:s29] =	ssyncadd.s32 $0xFFFFFFFF  }
0xb4: {  	_ =	strace $0x90000057  }
0xb5: {  	_ =	sfence  }
0xb6: {  	s30 =	sld [smem:$0x0];
	_ =	sdelay $0x2  }
0xb7: {  	s31 =	sshll.u32 s1, $0xD;
	s1 =	sshrl.u32 s1, $0x2  }
0xb8: {  	s3 =	sand.u32 $0x4000, s31;
	s1 =	sadd.s32 s1, s30  }
0xb9: {  	s0 =	sor.u32 s3, s0;
	s1 =	sshll.u32 s1, $0x11  }
0xba: {  	s0 =	sor.u32 s1, s0  }
0xbb: {  	s0 =	sadd.s32 $0x8F2B, s0  }
0xbc: {  	[sflag:s0] =	ssyncadd.remote.s32 $0x1  }
0xbd: {  	_ =	sfence.sel $0xFFFF  }
0xbe: {  	[dreg:$0x0] =	wrdreg $0xFFFFFFFF;
	(pc) =	sbr.abs _section_cstart, $3  }
0xbf: {  	[dreg:$0x1] =	wrdreg $0xFFFFFFFF  }
0xc0: {  	_ =	task.clear_ibuf [dreg:s6], $0x2FFFF;
	_ =	strace $0x9FFFFFFF  }
0xc1: {  	(tm) =	ssettm $0x7FFFFFFF  }
tec
execute0_lowered:
.L_overlay_start_1:
0x0: {  	(tag) =	ssettag $0x1  }
0x1: {  	s8 =	rddreg [dreg:$0x0];
	s1 =	stileid.u32  }
0x2: {  	s2 =	srdreg.scid;
	s0 =	rddreg [dreg:$0x1]  }
0x3: {  	_ =	strace $0x80000056;
	s5 =	simm.s32 $0x1;
	s9 =	simm.s32 $0x1  }
0x4: {  	s10 =	simm.s32 $0x3;
	s2 =	sand.u32 $0x1, s2;
	s3 =	sshll.u32 s1, $0x1  }
0x5: {  	s13 =	simm.s32 $0x0;
	s12 =	simm.s32 $0x0;
	s6 =	sor.u32 s3, s2  }
0x6: {  	[sflag:s5] =	ssyncpa.u1 $0x0;
	s2 =	sadd.s32 $0x25B000, s8;
	s4 =	smul.u32 $0xA0, s6  }
0x7: {  	s3 =	sadd.s32 $0x25B800, s8;
	p0 =	slt.u32 s6, $0x13;
	s6 =	simm.s32 $0x1400  }
.Ltmp0:
0x8: {  	s6 =	simm.s32 @!p0 $0x0;
	s7 =	ssub.s32 $0x1F40, s4;
	(pc) =	sbr.rel .LBB2_1-.Ltmp0, $4  }
0x9: {  	s9 =	simm.s32 @!p0 $0x0;
	p0 =	sne.s32 s7, s6;
	s7 =	simm.s32 $0x1  }
0xa: {  	s8 =	sadd.s32 $0x25B400, s8;
	s6 =	simm.s32 $0x2;
	s7 =	simm.s32 @!p0 $0x0  }
0xb: {  	s11 =	smov.u32 s4;
	[sflag:s6] =	ssyncpa.u1 $0x0;
	s7 =	sadd.s32 s9, s7  }
0xc: {  	vm0 =	vmmov $0xffff;
	[sflag:s10] =	ssyncpa.u1 $0x0;
	s10 =	simm.s32 $0x0;
	s9 =	sadd.s32 $0x1, s7  }
.LBB2_4:
0xd: {  	v2 =	vnsel vm1, $0x0, v2  }
0xe: {  	vm1 =	vgt.s32 v0, $0x0;
	v2 =	vmin.u32 v2, $0x1F3F  }
0xf: {  	v0 =	vnsel vm1, $0x0, v0  }
0x10: {  	v0 =	vmin.u32 v0, $0x1F3F  }
0x11: {  	[tilespmem:s18], [sflag:$0x1] =	stream.indirect_vreg.gather [hbm4b:s2+s10], $0x1, v1, vm0, $0x4038;
	[tilespmem:$0x280] =	vst v63  }
0x12: {  	(ifvalue) =	ssetifvalue $0x7FFFFFFF  }
0x13: {  	[tilespmem:s15], [sflag:$0x1] =	stream.indirect_vreg.gather [hbm4b:s2+s10], $0x1, v2, vm0, $0x4038;
	[tilespmem:$0x280] =	vst v63  }
0x14: {  	s29 =	sadd.s32 $0x10, s15;
	(ifvalue) =	ssetifvalue $0x7FFFFFFF  }
0x15: {  	[tilespmem:s29], [sflag:$0x1] =	stream.indirect_vreg.gather [hbm4b:s2+s10], $0x1, v0, vm0, $0x4038;
	[tilespmem:$0x280] =	vst v63  }
0x16: {  	_ =	swait.ge [sflag:s5], $0xA0  }
0x17: {  	s30 =	sshrl.u32 s13, $0x3;
	[sflag:s5] =	ssyncset.done $0x0  }
0x18: {  	s31 =	sand.u32 $0x7, s13;
	s15 =	sadd.s32 s8, s30;
	[sflag:s5] =	ssyncadd.s32 $0xFFFFFF60  }
0x19: {  	[hbm4b:s15+s31] =	stream.linear.scatter [tilespmem:s14], [sflag:$0x3], $0xA0, $0x38;
	[tilespmem:$0x280] =	vst v63  }
.LBB2_5:
0x1a: {  	s15 =	sadd.s32 $0x1400, s11  }
0x1b: {  	p1 =	sgt.s32 s15, $0x1F3F  }
0x1c: {  	s15 =	smov.u32 @p1 s4;
	p1 =	sne.s32 s12, s9  }
.Ltmp1:
0x1d: {  	p0 =	slt.u32 s12, $0x2;
	(pc) =	sbr.rel @!p1 .LBB2_6-.Ltmp1, $4  }
0x1e: {  	s14 =	simm.s32 @!p0 $0x3  }
0x1f: {  	_ =	swait.ge @!p0 [sflag:s14], $0xA0  }
0x20: {  	s16 =	sadd.s32 $0x1, s12;
	s13 =	smov.u32 s11;
	[sflag:s14] =	ssyncset.done @!p0 $0x0  }
0x21: {  	s12 =	smov.u32 s16;
	s11 =	smov.u32 s15;
	[sflag:s14] =	ssyncadd.s32 @!p0 $0xFFFFFF60  }
.LBB2_1:
0x22: {  	p0 =	sge.u32 s12, s7  }
0x23: {  	s14 =	sxor.u32 @!p0 $0x1, s12  }
0x24: {  	s14 =	smul.u32 @!p0 $0x280, s14  }
0x25: {  	s31 =	sadd.s32 $0xFFFFFFFF, s12;
	s15 =	sshrl.u32 @!p0 s11, $0x3  }
0x26: {  	s16 =	sand.u32 @!p0 $0x7, s11;
	s15 =	sadd.s32 @!p0 s3, s15;
	s14 =	sshra.s32 @!p0 s14, $0x2  }
0x27: {  	[tilespmem:s14], [sflag:$0x2] =	stream.linear.gather @!p0 [hbm4b:s15+s16], $0xA0, $0x38;
	[tilespmem:$0x280] =	vst v63  }
0x28: {  	p0 =	sge.u32 s31, s7  }
.Ltmp2:
0x29: {  	_ = 	snop;
	(pc) =	sbr.rel @p0 .LBB2_5-.Ltmp2, $1  }
0x2a: {  	_ =	sdelay $0x3  }
0x2b: {  	s14 =	sand.u32 $0x1, s12  }
0x2c: {  	_ =	swait.ge [sflag:s6], $0xA0;
	p0 =	seq.s32 s14, $0x1;
	s14 =	simm.s32 $0xA0  }
0x2d: {  	[sflag:s6] =	ssyncset.done $0x0;
	s14 =	simm.s32 @!p0 $0x0  }
0x2e: {  	[sflag:s6] =	ssyncadd.s32 $0xFFFFFF60;
	(ifvalue) =	ssetifvalue $0x7FFFFFFF;
	v0 =	vld.msk [tilespmem:s14+$0x0 ss:$0x1], $0xffff;
	_ =	sdelay $0x4  }
0x2f: {  	s15 =	sadd.s32 $0x10, s14;
	vm1 =	vgt.s32 v0, $0x0  }
0x30: {  	v2 =	vld.msk [tilespmem:s15+$0x0 ss:$0x1], $0xffff;
	v1 =	vnsel vm1, $0x0, v0  }
0x31: {  	v1 =	vmin.u32 v1, $0x1F3F;
	_ =	sdelay $0x2  }
0x32: {  	s17 =	simm.s32 $0x20;
	s14 =	sor.u32 $0x140, s14;
	s16 =	sadd.s32 $0x10, s15  }
0x33: {  	s15 =	sadd.s32 $0x10, s14;
	s18 =	smov.u32 s14;
	v0 =	vld.msk [tilespmem:s16+$0x0 ss:$0x1], $0xffff;
	vm1 =	vgt.s32 v2, $0x0;
	(ifvalue) =	ssetifvalue $0x7FFFFFFF  }
.LBB2_3:
0x34: {  	[tilespmem:s18], [sflag:$0x1] =	stream.indirect_vreg.gather [hbm4b:s2+s10], $0x1, v1, vm0, $0x4038;
	[tilespmem:$0x280] =	vst v63  }
0x35: {  	s17 =	sadd.s32 $0x10, s17  }
0x36: {  	v2 =	vnsel vm1, $0x0, v2;
	p0 =	slt.u32 s17, $0x90  }
.Ltmp3:
0x37: {  	s18 =	smov.u32 s15;
	v1 =	vmin.u32 v2, $0x1F3F;
	(pc) =	sbr.rel @p0 .LBB2_3-.Ltmp3, $3  }
0x38: {  	_ =	sdelay $0x1  }
0x39: {  	s16 =	sadd.s32 $0x10, s16  }
0x3a: {  	vm1 =	vgt.s32 v0, $0x0;
	s15 =	sadd.s32 $0x10, s15;
	v2 =	vmov v0;
	(ifvalue) =	ssetifvalue $0x7FFFFFFF;
	v0 =	vld.msk [tilespmem:s16+$0x0 ss:$0x1], $0xffff  }
.Ltmp4:
0x3b: {  	_ = 	snop;
	(pc) =	sbr.rel .LBB2_4-.Ltmp4, $1  }
0x3c: {  	_ =	sdelay $0x3  }
.LBB2_6:
0x3d: {  	_ =	sfence.sel $0x180000  }
0x3e: {  	s2 =	simm.s32 $0x2;
	[bflag:$0x0] =	sbarrier.arrive $0xFFFF  }
0x3f: {  	s30 =	simm.s32 $0x3;
	[sflag:s2] =	ssyncpa.u1 $0x1  }
0x40: {  	s31 =	simm.s32 $0x1;
	[sflag:s30] =	ssyncpa.u1 $0x1  }
0x41: {  	[sflag:s31] =	ssyncpa.u1 $0x1  }
0x42: {  	p0 =	sne.s32 s1, $0x0;
	_ =	strace $0x90000056  }
0x43: {  	s0 =	sadd.s32 @!p0 $0x100000, s0;
	[bflag:$0x2] =	sbarrier.arrive $0xFFFF  }
0x44: {  	[sflag:s0] =	ssyncadd.tile.s32 @!p0 $0x1;
	_ =	shalt  }
.Lfunc_end2:
_tile_overlayer_lowered:
.L_overlay_start_2:
0x45: {  	(tag) =	ssettag $0x2  }
0x46: {  	s0 =	rddreg [dreg:$0x0];
	s2 =	stileid.u32  }
0x47: {  	s1 =	rddreg [dreg:$0x1];
	p0 =	sne.s32 s2, $0x0  }
0x48: {  	s3 =	rddreg [dreg:$0x2];
	[bflag:$0x3] =	sbarrier.arrive $0xFFFF;
	s2 =	simm.s32 @!p0 $0x1C01  }
0x49: {  	[timem:s3], [sflag:s2] =	dma.local @!p0 [hbm:s0], s1  }
0x4a: {  	s0 =	simm.s32 @!p0 $0x1  }
0x4b: {  	_ =	swait.ge @!p0 [sflag:s0], s1  }
0x4c: {  	s1 =	ssub.s32 @!p0 $0x0, s1;
	[sflag:s0] =	ssyncset.done @!p0 $0x0  }
0x4d: {  	[sflag:s0] =	ssyncadd.s32 @!p0 s1  }
0x4e: {  	[bflag:$0x3] =	sbarrier.arrive $0xFFFF  }
0x4f: {  	_ =	shalt  }

// kernel: gather_offload_async_start
scs
__scs_entry_jumppad:
0x0: {  	(pc) =	sbr.rel $0x88, $3  }
0x1: {  	(tag) =	ssettag $0x0;
	lr =	simm.s32 $0x1  }
0x2: {  	[smem:$0x3F67] =	sst lr;
	_ =	strace $0xD0000000  }
0x3: {  	_ = 	snop  }
0x4: {  	_ = 	snop  }
0x5: {  	_ = 	snop  }
0x6: {  	_ = 	snop  }
0x7: {  	_ = 	snop  }
__scs_overlays_trampoline_lowered:
0x8: {  	[smem:$0x3F76] =	sst s0  }
0x9: {  	[smem:$0x3F77] =	sst s1  }
0xa: {  	[smem:$0x3F78] =	sst s2  }
0xb: {  	[smem:$0x3F79] =	sst s3  }
0xc: {  	[smem:$0x3F7A] =	sst s4  }
0xd: {  	[smem:$0x3F7B] =	sst s5  }
0xe: {  	[smem:$0x3F7C] =	sst s6  }
0xf: {  	[smem:$0x3F7D] =	sst s7  }
0x10: {  	[smem:$0x3F7E] =	sst s8  }
0x11: {  	[smem:$0x3F7F] =	sst s9;
	s0 =	simm.s32 @!p0 $0x0  }
0x12: {  	s1 =	sld [smem:$0x3F65];
	s0 =	simm.s32 @p0 $0x1  }
0x13: {  	[smem:$0x3F80] =	sst s0;
	s0 =	simm.s32 @!p1 $0x0  }
0x14: {  	s2 =	sld [smem:$0x3F64];
	s0 =	simm.s32 @p1 $0x1  }
0x15: {  	[smem:$0x3F81] =	sst s0;
	s0 =	simm.s32 @!p2 $0x0  }
0x16: {  	s3 =	sld [smem:$0x3FDB];
	s0 =	simm.s32 @p2 $0x1  }
0x17: {  	s4 =	simm.s32 $0x1BF5;
	[smem:$0x3F83] =	sst s0  }
0x18: {  	s0 =	sld [smem:$0x3F66];
	_ =	swait.ge [sflag:s4], $0x0  }
0x19: {  	s7 =	sld [smem:$0x3F67]  }
0x1a: {  	s8 =	sadd.s32 $0xFFFFE003, lr  }
0x1b: {  	s9 =	sadd.s32 $0xFFFFFEF7, lr;
	s5 =	simm.s32 $0xFFFFFFFF;
	p2 =	slt.u32 s8, $0xFFFFF086  }
0x1c: {  	p1 =	slt.u32 s9, $0xF7A;
	s5 =	simm.s32 @!p2 $0x0  }
0x1d: {  	s5 =	simm.s32 @p1 $0x1;
	p0 =	seq.s32 s7, s2  }
0x1e: {  	s7 =	smul.u32 @!p0 $0xF7A, s2;
	p2 =	seq.s32 @!p0 s5, $0x0  }
0x1f: {  	s9 =	smul.u32 $0xF7A, s1;
	s8 =	simm.s32 @!p0 $0x1BF5;
	p2 =	por !p2, p0  }
0x20: {  	[sflag:s8] =	ssyncset.s32 @!p0 $0xFFFFF086;
	s6 =	sadd.s32 @!p0 s3, s7;
	s7 =	simm.s32 @!p0 $0x108  }
0x21: {  	s3 =	sadd.s32 s3, s9;
	s6 =	sadd.s32 @!p0 $0x88, s6;
	s7 =	simm.s32 @p2 $0x1082  }
0x22: {  	[simem:s7], [sflag:s8] =	dma.local @!p0 [hbm:s6], $0xF7A  }
0x23: {  	s9 =	sor.u32 $0xD0000000, s2;
	s6 =	simm.s32 $0x108;
	_ =	swait.ge @!p0 [sflag:s8], $0x0  }
0x24: {  	s3 =	sadd.s32 $0x88, s3;
	s6 =	simm.s32 @!p1 $0x1082;
	[sflag:s4] =	ssyncset.s32 $0xFFFFF086  }
0x25: {  	[simem:s6], [sflag:s4] =	dma.local [hbm:s3], $0xF7A  }
0x26: {  	[smem:$0x3F67] =	sst s1;
	(tag) =	ssettag s2;
	_ =	strace s9  }
0x27: {  	s1 =	sld [smem:$0x3F77]  }
0x28: {  	s2 =	sld [smem:$0x3F78]  }
0x29: {  	s4 =	sld [smem:$0x3F7A]  }
0x2a: {  	p0 =	seq.s32 s5, $0x0;
	s5 =	sld [smem:$0x3F7B]  }
0x2b: {  	s6 =	sld [smem:$0x3F7C]  }
0x2c: {  	s7 =	sld [smem:$0x3F7D]  }
0x2d: {  	s3 =	simm.s32 $0x108;
	s8 =	sld [smem:$0x3F7E]  }
0x2e: {  	s3 =	simm.s32 @!p0 $0x1082;
	s9 =	sld [smem:$0x3F7F]  }
0x2f: {  	lr =	sadd.s32 s0, s3;
	s0 =	sld [smem:$0x3F76]  }
0x30: {  	s3 =	sld [smem:$0x3F79]  }
0x31: {  	[smem:$0x3F82] =	sst s10  }
0x32: {  	s10 =	sld [smem:$0x3F80];
	_ =	sdelay $0x3  }
0x33: {  	p0 =	seq.s32 s10, $0x1;
	s10 =	sld [smem:$0x3F82];
	_ =	sdelay $0x3  }
0x34: {  	[smem:$0x3F82] =	sst s10  }
0x35: {  	s10 =	sld [smem:$0x3F81];
	_ =	sdelay $0x3  }
0x36: {  	p1 =	seq.s32 s10, $0x1;
	s10 =	sld [smem:$0x3F82];
	_ =	sdelay $0x3  }
0x37: {  	[smem:$0x3F82] =	sst s10  }
0x38: {  	s10 =	sld [smem:$0x3F83]  }
0x39: {  	_ = 	snop;
	(pc) =	sbr.ind lr, $3  }
0x3a: {  	_ = 	snop  }
0x3b: {  	_ = 	snop  }
0x3c: {  	p2 =	seq.s32 s10, $0x1;
	s10 =	sld [smem:$0x3F82]  }
0x3d: {  	_ =	shalt  }
0x3e: {  	_ =	shalt  }
0x3f: {  	_ =	shalt  }
0x40: {  	_ =	shalt  }
0x41: {  	_ =	shalt  }
0x42: {  	_ =	shalt  }
0x43: {  	_ =	shalt  }
0x44: {  	_ =	shalt  }
0x45: {  	_ =	shalt  }
0x46: {  	_ =	shalt  }
0x47: {  	_ =	shalt  }
0x48: {  	_ =	shalt  }
0x49: {  	_ =	shalt  }
0x4a: {  	_ =	shalt  }
0x4b: {  	_ =	shalt  }
0x4c: {  	_ =	shalt  }
0x4d: {  	_ =	shalt  }
0x4e: {  	_ =	shalt  }
0x4f: {  	_ =	shalt  }
0x50: {  	_ =	shalt  }
0x51: {  	_ =	shalt  }
0x52: {  	_ =	shalt  }
0x53: {  	_ =	shalt  }
0x54: {  	_ =	shalt  }
0x55: {  	_ =	shalt  }
0x56: {  	_ =	shalt  }
0x57: {  	_ =	shalt  }
0x58: {  	_ =	shalt  }
0x59: {  	_ =	shalt  }
0x5a: {  	_ =	shalt  }
0x5b: {  	_ =	shalt  }
0x5c: {  	_ =	shalt  }
0x5d: {  	_ =	shalt  }
0x5e: {  	_ =	shalt  }
0x5f: {  	_ =	shalt  }
0x60: {  	_ =	shalt  }
0x61: {  	_ =	shalt  }
0x62: {  	_ =	shalt  }
0x63: {  	_ =	shalt  }
0x64: {  	_ =	shalt  }
0x65: {  	_ =	shalt  }
0x66: {  	_ =	shalt  }
0x67: {  	_ =	shalt  }
0x68: {  	_ =	shalt  }
0x69: {  	_ =	shalt  }
0x6a: {  	_ =	shalt  }
0x6b: {  	_ =	shalt  }
0x6c: {  	_ =	shalt  }
0x6d: {  	_ =	shalt  }
0x6e: {  	_ =	shalt  }
0x6f: {  	_ =	shalt  }
0x70: {  	_ =	shalt  }
0x71: {  	_ =	shalt  }
0x72: {  	_ =	shalt  }
0x73: {  	_ =	shalt  }
0x74: {  	_ =	shalt  }
0x75: {  	_ =	shalt  }
0x76: {  	_ =	shalt  }
0x77: {  	_ =	shalt  }
0x78: {  	_ =	shalt  }
0x79: {  	_ =	shalt  }
0x7a: {  	_ =	shalt  }
0x7b: {  	_ =	shalt  }
0x7c: {  	_ =	shalt  }
0x7d: {  	_ =	shalt  }
0x7e: {  	_ =	shalt  }
0x7f: {  	_ =	shalt  }
0x80: {  	_ =	shalt  }
0x81: {  	_ =	shalt  }
0x82: {  	_ =	shalt  }
0x83: {  	_ =	shalt  }
0x84: {  	_ =	shalt  }
0x85: {  	_ =	shalt  }
0x86: {  	_ =	shalt  }
0x87: {  	_ =	shalt  }
.Lfunc_end0:
.L_simem_size_0:
called_computation_lowered:
.L_overlay_start_0:
0x88: {  	s0 =	sld [smem:$0x3FD9]  }
0x89: {  	s1 =	sld [smem:$0x3FFE];
	_ =	sdelay $0x3  }
0x8a: {  	s0 =	sadd.s32 s1, s0  }
0x8b: {  	[smem:$0x3F8E] =	sst s0  }
0x8c: {  	_ = 	snop  }
0x8d: {  	(tm) =	ssettm $0x1  }
0x8e: {  	s15 =	sld [smem:$0x3FFB];
	_ =	sdelay $0x3  }
0x8f: {  	_ =	strace s15  }
0x90: {  	s0 =	sld [smem:$0x3FFC];
	_ =	sdelay $0x3  }
0x91: {  	_ =	strace s0  }
0x92: {  	s0 =	sld [smem:$0x3FFD];
	_ =	sdelay $0x3  }
0x93: {  	_ =	strace s0  }
0x94: {  	_ =	strace $0x8FFFFFFF  }
0x95: {  	s16 =	sld [smem:$0x3FDB];
	_ =	sdelay $0x1  }
0x96: {  	s17 =	simm.s32 $_scs_section_size  }
0x97: {  	s2 =	simm.s32 $_size__tile_overlayer_lowered;
	s3 =	simm.s32 $_tile_overlayer_lowered  }
0x98: {  	s20 =	simm.s32 $0x1BFF;
	s19 =	sshll.u32 s3, $0x1;
	s0 =	sadd.s32 s17, s16  }
0x99: {  	s4 =	simm.s32 $0x0;
	s18 =	sshll.u32 s2, $0x1;
	s2 =	sadd.s32 s19, s0  }
0x9a: {  	[timem:s4], [sflag:s20] =	dma.local [hbm:s2], s18  }
0x9b: {  	_ =	swait.ge [sflag:s20], s18  }
0x9c: {  	s1 =	ssub.s32 $0x0, s18;
	[sflag:s20] =	ssyncset.done $0x0  }
0x9d: {  	[sflag:s20] =	ssyncadd.s32 s1;
	_ =	sdelay $0x1  }
0x9e: {  	s21 =	simm.s32 $0x1B8B  }
0x9f: {  	_ =	swait.ge [sflag:s21], $0x1  }
0xa0: {  	[sflag:s21] =	ssyncset.done $0x0  }
0xa1: {  	s23 =	simm.s32 $0x1B8E;
	s22 =	sld [smem:$0x3FFE];
	[sflag:s21] =	ssyncadd.s32 $0xFFFFFFFF  }
0xa2: {  	s24 =	simm.s32 $execute0_lowered;
	[smem:$0x3FD2] =	sst s23  }
0xa3: {  	s2 =	sshll.u32 s24, $0x1;
	_ =	strace $0x80000046;
	[dreg:$0x1] =	wrdreg $0xFFFFFFFF  }
0xa4: {  	s25 =	simm.s32 $_size_execute0_lowered;
	s0 =	sadd.s32 s0, s2;
	[dreg:$0x0] =	wrdreg $0x0  }
0xa5: {  	s2 =	sshll.u32 s25, $0x1;
	[dreg:$0x2] =	wrdreg s0  }
0xa6: {  	[dreg:$0x3] =	wrdreg s2  }
0xa7: {  	[dreg:$0x4] =	wrdreg $0xC0  }
0xa8: {  	_ =	task [dreg:s4], $0x5FFFF  }
0xa9: {  	[dreg:$0x1] =	wrdreg $0xFFFFFFFF  }
0xaa: {  	[dreg:$0x0] =	wrdreg $0x60  }
0xab: {  	[dreg:$0x2] =	wrdreg s22  }
0xac: {  	[dreg:$0x3] =	wrdreg $0x9  }
0xad: {  	_ =	task.clear_ibuf [dreg:s4], $0x4FFFF;
	_ =	strace $0x90000046  }
0xae: {  	s26 =	simm.s32 $0x9;
	_ =	strace $0x80000048  }
0xaf: {  	_ =	swait.ge [sflag:s26], $0x1  }
0xb0: {  	[sflag:s26] =	ssyncadd.s32 $0xFFFFFFFF  }
0xb1: {  	_ =	strace $0x90000048  }
0xb2: {  	_ =	sfence  }
0xb3: {  	s28 =	sld [smem:$0x0];
	_ =	sdelay $0x1  }
0xb4: {  	s29 =	srdreg.scid  }
0xb5: {  	s30 =	sshll.u32 s29, $0xD;
	s31 =	sshrl.u32 s29, $0x2  }
0xb6: {  	s1 =	sand.u32 $0x1, s29;
	s2 =	sand.u32 $0x4000, s30;
	s0 =	sadd.s32 s31, s28  }
0xb7: {  	s1 =	sor.u32 s2, s1;
	s0 =	sshll.u32 s0, $0x11  }
0xb8: {  	s0 =	sor.u32 s0, s1  }
0xb9: {  	s0 =	sadd.s32 $0x8F2B, s0  }
0xba: {  	[sflag:s0] =	ssyncadd.remote.s32 $0x1  }
0xbb: {  	_ =	sfence.sel $0xFFFF  }
0xbc: {  	[dreg:$0x0] =	wrdreg $0xFFFFFFFF;
	(pc) =	sbr.abs _section_cstart, $3  }
0xbd: {  	[dreg:$0x1] =	wrdreg $0xFFFFFFFF  }
0xbe: {  	_ =	task.clear_ibuf [dreg:s4], $0x2FFFF;
	_ =	strace $0x9FFFFFFF  }
0xbf: {  	(tm) =	ssettm $0x7FFFFFFF  }
tec
execute0_lowered:
.L_overlay_start_1:
0x0: {  	(tag) =	ssettag $0x1  }
0x1: {  	s8 =	rddreg [dreg:$0x0]  }
0x2: {  	s0 =	rddreg [dreg:$0x1];
	_ =	strace $0x80000047  }
0x3: {  	s4 =	simm.s32 $0x1;
	s1 =	stileid.u32;
	s7 =	simm.s32 $0x1  }
0x4: {  	s9 =	simm.s32 $0x1;
	s6 =	simm.s32 $0x2;
	s10 =	simm.s32 $0x3  }
0x5: {  	s13 =	simm.s32 $0x0;
	s12 =	simm.s32 $0x0;
	s2 =	sadd.s32 $0x94CE00, s8  }
.Ltmp0:
0x6: {  	s3 =	sadd.s32 $0x94E800, s8;
	p0 =	slt.u32 s1, $0xA;
	(pc) =	sbr.rel .LBB2_1-.Ltmp0, $4  }
0x7: {  	[sflag:s4] =	ssyncpa.u1 $0x0;
	s7 =	simm.s32 @!p0 $0x0;
	p0 =	sne.s32 s1, $0x9  }
0x8: {  	s5 =	smul.u32 $0x7D0, s1;
	[sflag:s6] =	ssyncpa.u1 $0x0;
	s9 =	simm.s32 @!p0 $0x0  }
0x9: {  	s8 =	sadd.s32 $0x23A00, s8;
	[sflag:s10] =	ssyncpa.u1 $0x0;
	s7 =	sadd.s32 s9, s7  }
0xa: {  	vm0 =	vmmov $0xffff;
	s10 =	simm.s32 $0x0;
	s11 =	smov.u32 s5;
	s9 =	sadd.s32 $0x1, s7  }
.LBB2_4:
0xb: {  	v2 =	vnsel vm1, $0x0, v2  }
0xc: {  	vm1 =	vgt.s32 v0, $0x0;
	v2 =	vmin.u32 v2, $0xC34F  }
0xd: {  	v0 =	vnsel vm1, $0x0, v0  }
0xe: {  	v0 =	vmin.u32 v0, $0xC34F  }
0xf: {  	[tilespmem:s18], [sflag:$0x1] =	stream.indirect_vreg.gather [hbm4b:s2+s10], $0x1, v1, vm0, $0x4038;
	[tilespmem:$0x1F40] =	vst v63  }
0x10: {  	(ifvalue) =	ssetifvalue $0x7FFFFFFF  }
0x11: {  	[tilespmem:s15], [sflag:$0x1] =	stream.indirect_vreg.gather [hbm4b:s2+s10], $0x1, v2, vm0, $0x4038;
	[tilespmem:$0x1F40] =	vst v63  }
0x12: {  	s29 =	sadd.s32 $0x10, s15;
	(ifvalue) =	ssetifvalue $0x7FFFFFFF  }
0x13: {  	[tilespmem:s29], [sflag:$0x1] =	stream.indirect_vreg.gather [hbm4b:s2+s10], $0x1, v0, vm0, $0x4038;
	[tilespmem:$0x1F40] =	vst v63  }
0x14: {  	_ =	swait.ge [sflag:s4], $0x7D0  }
0x15: {  	s30 =	sshrl.u32 s13, $0x3;
	[sflag:s4] =	ssyncset.done $0x0  }
0x16: {  	s31 =	sand.u32 $0x7, s13;
	s15 =	sadd.s32 s8, s30;
	[sflag:s4] =	ssyncadd.s32 $0xFFFFF830  }
0x17: {  	[hbm4b:s15+s31] =	stream.linear.scatter [tilespmem:s14], [sflag:$0x3], $0x7D0, $0x38;
	[tilespmem:$0x1F40] =	vst v63  }
.LBB2_5:
0x18: {  	s15 =	sadd.s32 $0x7D00, s11  }
0x19: {  	p1 =	sgt.s32 s15, $0xC34F  }
0x1a: {  	s15 =	smov.u32 @p1 s5;
	p1 =	sne.s32 s12, s9  }
.Ltmp1:
0x1b: {  	p0 =	slt.u32 s12, $0x2;
	(pc) =	sbr.rel @!p1 .LBB2_6-.Ltmp1, $4  }
0x1c: {  	s14 =	simm.s32 @!p0 $0x3  }
0x1d: {  	_ =	swait.ge @!p0 [sflag:s14], $0x7D0  }
0x1e: {  	s16 =	sadd.s32 $0x1, s12;
	s13 =	smov.u32 s11;
	[sflag:s14] =	ssyncset.done @!p0 $0x0  }
0x1f: {  	s12 =	smov.u32 s16;
	s11 =	smov.u32 s15;
	[sflag:s14] =	ssyncadd.s32 @!p0 $0xFFFFF830  }
.LBB2_1:
0x20: {  	p0 =	sge.u32 s12, s7  }
0x21: {  	s14 =	sxor.u32 @!p0 $0x1, s12  }
0x22: {  	s14 =	smul.u32 @!p0 $0x1F40, s14  }
0x23: {  	s31 =	sadd.s32 $0xFFFFFFFF, s12;
	s15 =	sshrl.u32 @!p0 s11, $0x3  }
0x24: {  	s16 =	sand.u32 @!p0 $0x7, s11;
	s15 =	sadd.s32 @!p0 s3, s15;
	s14 =	sshra.s32 @!p0 s14, $0x2  }
0x25: {  	[tilespmem:s14], [sflag:$0x2] =	stream.linear.gather @!p0 [hbm4b:s15+s16], $0x7D0, $0x38;
	[tilespmem:$0x1F40] =	vst v63  }
0x26: {  	p0 =	sge.u32 s31, s7  }
.Ltmp2:
0x27: {  	_ = 	snop;
	(pc) =	sbr.rel @p0 .LBB2_5-.Ltmp2, $1  }
0x28: {  	_ =	sdelay $0x3  }
0x29: {  	s14 =	sand.u32 $0x1, s12  }
0x2a: {  	_ =	swait.ge [sflag:s6], $0x7D0;
	p0 =	seq.s32 s14, $0x1;
	s14 =	simm.s32 $0x7D0  }
0x2b: {  	[sflag:s6] =	ssyncset.done $0x0;
	s14 =	simm.s32 @!p0 $0x0  }
0x2c: {  	[sflag:s6] =	ssyncadd.s32 $0xFFFFF830;
	(ifvalue) =	ssetifvalue $0x7FFFFFFF;
	v0 =	vld.msk [tilespmem:s14+$0x0 ss:$0x1], $0xffff;
	_ =	sdelay $0x4  }
0x2d: {  	s15 =	sadd.s32 $0x10, s14;
	vm1 =	vgt.s32 v0, $0x0  }
0x2e: {  	v2 =	vld.msk [tilespmem:s15+$0x0 ss:$0x1], $0xffff;
	v1 =	vnsel vm1, $0x0, v0  }
0x2f: {  	v1 =	vmin.u32 v1, $0xC34F;
	_ =	sdelay $0x2  }
0x30: {  	s17 =	simm.s32 $0x20;
	s14 =	sadd.s32 $0xFA0, s14;
	s16 =	sadd.s32 $0x10, s15  }
0x31: {  	s15 =	sadd.s32 $0x10, s14;
	s18 =	smov.u32 s14;
	v0 =	vld.msk [tilespmem:s16+$0x0 ss:$0x1], $0xffff;
	vm1 =	vgt.s32 v2, $0x0;
	(ifvalue) =	ssetifvalue $0x7FFFFFFF  }
.LBB2_3:
0x32: {  	[tilespmem:s18], [sflag:$0x1] =	stream.indirect_vreg.gather [hbm4b:s2+s10], $0x1, v1, vm0, $0x4038;
	[tilespmem:$0x1F40] =	vst v63  }
0x33: {  	s17 =	sadd.s32 $0x10, s17  }
0x34: {  	v2 =	vnsel vm1, $0x0, v2;
	p0 =	slt.u32 s17, $0x7C0  }
.Ltmp3:
0x35: {  	s18 =	smov.u32 s15;
	v1 =	vmin.u32 v2, $0xC34F;
	(pc) =	sbr.rel @p0 .LBB2_3-.Ltmp3, $3  }
0x36: {  	_ =	sdelay $0x1  }
0x37: {  	s16 =	sadd.s32 $0x10, s16  }
0x38: {  	vm1 =	vgt.s32 v0, $0x0;
	s15 =	sadd.s32 $0x10, s15;
	v2 =	vmov v0;
	(ifvalue) =	ssetifvalue $0x7FFFFFFF;
	v0 =	vld.msk [tilespmem:s16+$0x0 ss:$0x1], $0xffff  }
.Ltmp4:
0x39: {  	_ = 	snop;
	(pc) =	sbr.rel .LBB2_4-.Ltmp4, $1  }
0x3a: {  	_ =	sdelay $0x3  }
.LBB2_6:
0x3b: {  	_ =	sfence.sel $0x180000  }
0x3c: {  	s2 =	simm.s32 $0x2;
	[bflag:$0x0] =	sbarrier.arrive $0xFFFF  }
0x3d: {  	s30 =	simm.s32 $0x3;
	[sflag:s2] =	ssyncpa.u1 $0x1  }
0x3e: {  	s31 =	simm.s32 $0x1;
	[sflag:s30] =	ssyncpa.u1 $0x1  }
0x3f: {  	[sflag:s31] =	ssyncpa.u1 $0x1  }
0x40: {  	p0 =	sne.s32 s1, $0x0;
	_ =	strace $0x90000047  }
0x41: {  	s0 =	sadd.s32 @!p0 $0x100000, s0;
	[bflag:$0x2] =	sbarrier.arrive $0xFFFF  }
0x42: {  	[sflag:s0] =	ssyncadd.tile.s32 @!p0 $0x1;
	_ =	shalt  }
.Lfunc_end2:
_tile_overlayer_lowered:
.L_overlay_start_2:
0x43: {  	(tag) =	ssettag $0x2  }
0x44: {  	s0 =	rddreg [dreg:$0x0];
	s2 =	stileid.u32  }
0x45: {  	s1 =	rddreg [dreg:$0x1];
	p0 =	sne.s32 s2, $0x0  }
0x46: {  	s3 =	rddreg [dreg:$0x2];
	[bflag:$0x3] =	sbarrier.arrive $0xFFFF;
	s2 =	simm.s32 @!p0 $0x1C01  }
0x47: {  	[timem:s3], [sflag:s2] =	dma.local @!p0 [hbm:s0], s1  }
0x48: {  	s0 =	simm.s32 @!p0 $0x1  }
0x49: {  	_ =	swait.ge @!p0 [sflag:s0], s1  }
0x4a: {  	s1 =	ssub.s32 @!p0 $0x0, s1;
	[sflag:s0] =	ssyncset.done @!p0 $0x0  }
0x4b: {  	[sflag:s0] =	ssyncadd.s32 @!p0 s1  }
0x4c: {  	[bflag:$0x3] =	sbarrier.arrive $0xFFFF  }
0x4d: {  	_ =	shalt  }

</sc_bundles>
